<compile_context>
chip_gen: v7x
topology: tpu7x:2x2x1
jax: 0.10.2.dev20260603
libtpu: 0.0.44.dev20260713+nightly
codegen_flags: <defaults>
</compile_context>

<pallas_src>
import jax
import jax.numpy as jnp
from jax import lax
from jax.experimental import pallas as pl
from jax.experimental.pallas import tpu as pltpu
from jax.experimental.pallas import tpu_sc as plsc

NN = 10000
EE = 320000
DD = 128
CC = 40
EPS = 1e-5
ISQ = float(1.0 / (1.0 + EPS) ** 0.5)

NC = 2
NS = 16
NW = NC * NS
NP = 10240
RPT = NP // NS
EPW = EE // NW
K = 80
NCHUNK = EPW // K

BB = 2000
GRID = NN // BB


def _sc_mesh():
    return plsc.VectorSubcoreMesh(
        core_axis_name="c", subcore_axis_name="s", num_cores=NC, num_subcores=NS
    )


def _sc_segment_pass(feat, edges, zeros2, zeros1, ones, with_counts):
    out_type = [jax.ShapeDtypeStruct((NC, NP, DD), jnp.float32)]
    scratch = (
        [pltpu.VMEM((K,), jnp.int32)] * 4
        + [pltpu.VMEM((K,), jnp.int32)] * 4
        + [pltpu.VMEM((K, DD), jnp.float32)] * 4
        + [pltpu.VMEM_SHARED((NP, DD), jnp.float32)]
        + [pltpu.SemaphoreType.DMA] * 20
    )
    if with_counts:
        out_type.append(jax.ShapeDtypeStruct((NC * NP,), jnp.float32))
        scratch += [
            pltpu.VMEM((K,), jnp.float32),
            pltpu.VMEM_SHARED((NP,), jnp.float32),
        ]

    def body(*refs):
        if with_counts:
            hbm, rest = refs[:7], refs[7:]
            (feat_h, edges_h, z2_h, z1_h, ones_h, sums_h, cnts_h) = hbm
            ones_v, cacc = rest[-2:]
            rest = rest[:-2]
        else:
            hbm, rest = refs[:4], refs[4:]
            (feat_h, edges_h, z2_h, sums_h) = hbm
        sv = list(rest[0:4])
        dv = list(rest[4:8])
        rv = list(rest[8:12])
        acc = rest[12]
        sems = rest[13:33]
        sem_r = list(sems[0:4])
        sem_s = list(sems[4:8])
        sem_d = list(sems[8:12])
        sem_w = list(sems[12:16])
        sem_c = list(sems[16:20])
        c = lax.axis_index("c")
        s = lax.axis_index("s")
        wid = c * NS + s
        rbase = pl.multiple_of(s * RPT, 8)
        ebase = wid * EPW

        def ioff(j):
            return pl.multiple_of(ebase + j * K, 8)

        def clamp(j):
            return jnp.minimum(j, NCHUNK - 1)

        def iload(off0, j, buf, sem):
            pltpu.async_copy(edges_h.at[pl.ds(off0 + ioff(j), K)], buf, sem)

        def iwait(buf, sem):
            pltpu.make_async_copy(edges_h.at[pl.ds(ioff(0), K)], buf,
                                  sem).wait()

        def gath(x):
            pltpu.make_async_copy(feat_h.at[sv[x]], rv[x], sem_r[x]).start()

        def gwait(x):
            pltpu.make_async_copy(feat_h.at[sv[x]], rv[x], sem_r[x]).wait()

        def scat_start(x):
            pltpu.make_async_copy(rv[x], acc.at[dv[x]],
                                  sem_w[x]).start(add=True)
            if with_counts:
                pltpu.make_async_copy(ones_v, cacc.at[dv[x]],
                                      sem_c[x]).start(add=True)

        def scat_wait(x):
            pltpu.make_async_copy(rv[x], acc.at[dv[x]], sem_w[x]).wait()
            if with_counts:
                pltpu.make_async_copy(ones_v, cacc.at[dv[x]],
                                      sem_c[x]).wait()

        def half(j, x, first):
            z2 = (x + 2) % 4
            z3 = (x + 3) % 4
            iwait(sv[z2], sem_s[z2])
            gath(z2)
            gwait(x)
            if not first:
                scat_wait(z3)
            iwait(dv[x], sem_d[x])
            scat_start(x)
            iload(0, clamp(j + 4), sv[x], sem_s[x])
            iload(EE, clamp(j + 3), dv[z3], sem_d[z3])

        iload(0, 0, sv[0], sem_s[0])
        pltpu.sync_copy(z2_h, acc.at[pl.ds(rbase, RPT)])
        if with_counts:
            pltpu.sync_copy(z1_h, cacc.at[pl.ds(rbase, RPT)])
            pltpu.sync_copy(ones_h, ones_v)
        iwait(sv[0], sem_s[0])
        gath(0)
        iload(0, 1, sv[1], sem_s[1])
        iload(EE, 0, dv[0], sem_d[0])
        iload(EE, 1, dv[1], sem_d[1])
        iload(EE, 2, dv[2], sem_d[2])
        iload(0, 2, sv[2], sem_s[2])
        iload(0, 3, sv[3], sem_s[3])
        iwait(sv[1], sem_s[1])
        gath(1)
        plsc.subcore_barrier()
        half(0, 0, True)

        def step(i, carry):
            half(4 * i + 1, 1, False)
            half(4 * i + 2, 2, False)
            half(4 * i + 3, 3, False)
            half(4 * i + 4, 0, False)
            return carry

        lax.fori_loop(0, (NCHUNK - 1) // 4, step, 0)
        xl = (NCHUNK - 1) % 4
        scat_wait(xl)
        gwait((xl + 1) % 4)
        gwait((xl + 2) % 4)
        iwait(sv[(xl + 3) % 4], sem_s[(xl + 3) % 4])
        iwait(sv[xl], sem_s[xl])
        iwait(dv[(xl + 1) % 4], sem_d[(xl + 1) % 4])
        iwait(dv[(xl + 2) % 4], sem_d[(xl + 2) % 4])
        iwait(dv[(xl + 3) % 4], sem_d[(xl + 3) % 4])
        plsc.subcore_barrier()
        pltpu.sync_copy(acc.at[pl.ds(rbase, RPT)],
                        sums_h.at[c, pl.ds(rbase, RPT)])
        if with_counts:
            cb = pl.multiple_of(c * NP + rbase, 8)
            pltpu.sync_copy(cacc.at[pl.ds(rbase, RPT)],
                            cnts_h.at[pl.ds(cb, RPT)])

    fn = pl.kernel(body, out_type=tuple(out_type), mesh=_sc_mesh(),
                   scratch_types=scratch)
    if with_counts:
        return fn(feat, edges, zeros2, zeros1, ones)
    return fn(feat, edges, zeros2)[0]


def _dense1_body(x, pa, rcp, wl, wr, wres, g, b, br, c1_o, h_o):
    s1 = pa[0] + pa[1]
    agg = s1 * rcp[...]
    t = (jnp.dot(agg, wl[...], preferred_element_type=jnp.float32)
         + jnp.dot(x[...], wr[...], preferred_element_type=jnp.float32))
    t = g[...] * (t * ISQ) + b[...]
    c1 = jnp.maximum(t, 0.0)
    c1_o[...] = c1
    h = c1 + jnp.dot(x[...], wres[...],
                     preferred_element_type=jnp.float32) + br[...]
    h_o[...] = h


def _dense2a_body(x, c1, h, wr2, w0x, w0c1, b0, tw_o, zz0_o):
    tw_o[...] = jnp.dot(h[...], wr2[...], preferred_element_type=jnp.float32)
    zz0_o[...] = (jnp.dot(x[...], w0x[...], preferred_element_type=jnp.float32)
                  + jnp.dot(c1[...], w0c1[...],
                            preferred_element_type=jnp.float32)
                  + b0[...])


def _dense2b_body(tw, zz0, pb, rcp, wl2, g2, b2,
                  w0c2, gm, bm, w1, b1m, out_o):
    s2 = pb[0] + pb[1]
    agg2 = s2 * rcp[...]
    t = jnp.dot(agg2, wl2[...], preferred_element_type=jnp.float32) + tw[...]
    t = g2[...] * (t * ISQ) + b2[...]
    c2 = jnp.maximum(t, 0.0)
    zz = (jnp.dot(c2, w0c2[...], preferred_element_type=jnp.float32)
          + zz0[...])
    z1 = jnp.maximum(gm[...] * (zz * ISQ) + bm[...], 0.0)
    full = jnp.dot(z1, w1[...], preferred_element_type=jnp.float32) + b1m[...]
    out_o[...] = full[:, :CC]


def _row_spec(k=DD):
    return pl.BlockSpec((BB, k), lambda i: (i, 0))


def _w_spec():
    return pl.BlockSpec((DD, DD), lambda i: (0, 0))


def _v_spec(k=DD):
    return pl.BlockSpec((1, k), lambda i: (0, 0))


def _pad_cols(a, k=DD):
    return jnp.pad(a, [(0, 0)] * (a.ndim - 1) + [(0, k - a.shape[-1])])


def kernel(x, edge_index, Wl1, Wr1, g1, b1, Wl2, Wr2, g2, b2,
           Wres, bres, Wm0, bm0, gm, bm, Wm1, bm1):
    f32 = jnp.float32
    edges = edge_index.reshape(2 * EE)
    zeros2 = jnp.zeros((RPT, DD), f32)
    zeros1 = jnp.zeros((RPT,), f32)
    ones = jnp.ones((K,), f32)
    sums_a, cnts = _sc_segment_pass(x, edges, zeros2, zeros1, ones, True)
    pa = sums_a
    cnt2 = cnts.reshape(NC, NP)
    rcp = (1.0 / jnp.maximum(cnt2[0] + cnt2[1], 1.0)).reshape(NP, 1)

    rcp_spec = pl.BlockSpec((BB, 1), lambda i: (i, 0))
    pa_spec = pl.BlockSpec((NC, BB, DD), lambda i: (0, i, 0))
    c1, h = pl.pallas_call(
        _dense1_body,
        grid=(GRID,),
        in_specs=[_row_spec(), pa_spec, rcp_spec, _w_spec(), _w_spec(),
                  _w_spec(), _v_spec(), _v_spec(), _v_spec()],
        out_specs=(_row_spec(), _row_spec()),
        out_shape=(jax.ShapeDtypeStruct((NN, DD), f32),
                   jax.ShapeDtypeStruct((NN, DD), f32)),
    )(x, pa, rcp, Wl1, Wr1, Wres, g1.reshape(1, DD), b1.reshape(1, DD),
      bres.reshape(1, DD))

    w0x = _pad_cols(Wm0[0:DD])
    w0c1 = _pad_cols(Wm0[DD:2 * DD])
    w0c2 = _pad_cols(Wm0[2 * DD:3 * DD])
    b0 = _pad_cols(bm0.reshape(1, -1))
    gmp = _pad_cols(gm.reshape(1, -1))
    bmp = _pad_cols(bm.reshape(1, -1))
    w1 = jnp.pad(Wm1, [(0, DD - Wm1.shape[0]), (0, DD - Wm1.shape[1])])
    b1m = _pad_cols(bm1.reshape(1, -1))
    tw, zz0 = pl.pallas_call(
        _dense2a_body,
        grid=(GRID,),
        in_specs=[_row_spec(), _row_spec(), _row_spec(),
                  _w_spec(), _w_spec(), _w_spec(), _v_spec()],
        out_specs=(_row_spec(), _row_spec()),
        out_shape=(jax.ShapeDtypeStruct((NN, DD), f32),
                   jax.ShapeDtypeStruct((NN, DD), f32)),
    )(x, c1, h, Wr2, w0x, w0c1, b0)

    pb = _sc_segment_pass(h, edges, zeros2, None, None, False)

    out = pl.pallas_call(
        _dense2b_body,
        grid=(GRID,),
        in_specs=[_row_spec(), _row_spec(), pa_spec, rcp_spec,
                  _w_spec(), _v_spec(), _v_spec(),
                  _w_spec(), _v_spec(), _v_spec(), _w_spec(), _v_spec()],
        out_specs=_row_spec(CC),
        out_shape=jax.ShapeDtypeStruct((NN, CC), f32),
    )(tw, zz0, pb, rcp, Wl2, g2.reshape(1, DD), b2.reshape(1, DD),
      w0c2, gmp, bmp, w1, b1m)
    return out

# --- scband reference (transcript-rebuilt; emitter-appended) ---
"""Pipeline reference for scband-indi-sage-p-1623497638158 (READ-ONLY COPY).

The authoritative reference and input builder live on the scoring server;
editing this copy changes nothing except your own understanding.
"""

import jax, jax.numpy as jnp
import numpy as np

N = 10000
E = 320000
D_IN = 128
H = 128
C = 40
EPS = 1e-5


def setup_inputs(seed: int = 0) -> dict:
    key = jax.random.key(seed)
    ks = jax.random.split(key, 20)
    x = jax.random.normal(ks[0], (N, D_IN), dtype=jnp.float32)
    edge_index = jax.random.randint(ks[1], (2, E), 0, N, dtype=jnp.int32)
    def w(k, shape):
        return jax.random.normal(k, shape, dtype=jnp.float32) * 0.05
    return {
        'x': x,
        'edge_index': edge_index,
        'Wl1': w(ks[2], (D_IN, H)),
        'Wr1': w(ks[3], (D_IN, H)),
        'g1': jnp.ones((H,), jnp.float32),
        'b1': jnp.zeros((H,), jnp.float32),
        'Wl2': w(ks[4], (H, H)),
        'Wr2': w(ks[5], (H, H)),
        'g2': jnp.ones((H,), jnp.float32),
        'b2': jnp.zeros((H,), jnp.float32),
        'Wres': w(ks[6], (D_IN, H)),
        'bres': jnp.zeros((H,), jnp.float32),
        'Wm0': w(ks[7], (D_IN + 2 * H, 2 * C)),
        'bm0': jnp.zeros((2 * C,), jnp.float32),
        'gm': jnp.ones((2 * C,), jnp.float32),
        'bm': jnp.zeros((2 * C,), jnp.float32),
        'Wm1': w(ks[8], (2 * C, C)),
        'bm1': jnp.zeros((C,), jnp.float32),
    }


def _sage_conv(x, src, dst, Wl, Wr):
    # PyG SAGEConv (aggr='mean', bias=False): lin_l(mean_j x_j) + lin_r(x)
    msg = x[src]
    s = jax.ops.segment_sum(msg, dst, num_segments=N)
    cnt = jax.ops.segment_sum(jnp.ones((E, 1), jnp.float32), dst, num_segments=N)
    agg = s / jnp.maximum(cnt, 1.0)
    return agg @ Wl + x @ Wr


def _bn_eval(x, g, b):
    # eval-mode BatchNorm1d with running_mean=0, running_var=1
    return g * (x / jnp.sqrt(1.0 + EPS)) + b


def reference(x, edge_index, Wl1, Wr1, g1, b1, Wl2, Wr2, g2, b2, Wres, bres, Wm0, bm0, gm, bm, Wm1, bm1):
    src = edge_index[0]
    dst = edge_index[1]
    collect = [x]
    # layer 1
    h_res = x
    h = _sage_conv(x, src, dst, Wl1, Wr1)
    h = _bn_eval(h, g1, b1)
    h = jax.nn.relu(h)
    collect.append(h)
    h = h + (h_res @ Wres + bres)
    # layer 2
    h_res2 = h
    h2 = _sage_conv(h, src, dst, Wl2, Wr2)
    h2 = _bn_eval(h2, g2, b2)
    h2 = jax.nn.relu(h2)
    collect.append(h2)
    h = h2 + h_res2  # Identity residual
    # MLP head on concatenated features
    z = jnp.concatenate(collect, axis=-1)  # [N, D_IN + 2H]
    z1 = z @ Wm0 + bm0
    z1 = _bn_eval(z1, gm, bm)
    z1 = jax.nn.relu(z1)
    out = z1 @ Wm1 + bm1
    return out

if __name__ == "__main__":
    import jax
    _d = setup_inputs()
    print(jax.jit(kernel)(*tuple(_d.values())))

</pallas_src>

<mosaic_0001>
#map = affine_map<(d0, d1) -> (0, 0)>
#map1 = affine_map<(d0, d1) -> (0)>
#map2 = affine_map<(d0, d1) -> (0, 0, 0)>
module attributes {stable_mosaic.version = 14 : i64} {
  func.func @body(%arg0: i32, %arg1: i32, %arg2: memref<10000x128xf32, #tpu.memory_space<hbm>>, %arg3: memref<640000xi32, #tpu.memory_space<hbm>>, %arg4: memref<640x128xf32, #tpu.memory_space<hbm>>, %arg5: memref<640xf32, #tpu.memory_space<hbm>>, %arg6: memref<80xf32, #tpu.memory_space<hbm>>, %arg7: memref<2x10240x128xf32, #tpu.memory_space<hbm>>, %arg8: memref<20480xf32, #tpu.memory_space<hbm>>, %arg9: memref<80xi32, #tpu.memory_space<vmem>>, %arg10: memref<80xi32, #tpu.memory_space<vmem>>, %arg11: memref<80xi32, #tpu.memory_space<vmem>>, %arg12: memref<80xi32, #tpu.memory_space<vmem>>, %arg13: memref<80xi32, #tpu.memory_space<vmem>>, %arg14: memref<80xi32, #tpu.memory_space<vmem>>, %arg15: memref<80xi32, #tpu.memory_space<vmem>>, %arg16: memref<80xi32, #tpu.memory_space<vmem>>, %arg17: memref<80x128xf32, #tpu.memory_space<vmem>>, %arg18: memref<80x128xf32, #tpu.memory_space<vmem>>, %arg19: memref<80x128xf32, #tpu.memory_space<vmem>>, %arg20: memref<80x128xf32, #tpu.memory_space<vmem>>, %arg21: memref<10240x128xf32, #tpu.memory_space<vmem_shared>>, %arg22: memref<!tpu.dma_semaphore, #tpu.memory_space<semaphore_mem>>, %arg23: memref<!tpu.dma_semaphore, #tpu.memory_space<semaphore_mem>>, %arg24: memref<!tpu.dma_semaphore, #tpu.memory_space<semaphore_mem>>, %arg25: memref<!tpu.dma_semaphore, #tpu.memory_space<semaphore_mem>>, %arg26: memref<!tpu.dma_semaphore, #tpu.memory_space<semaphore_mem>>, %arg27: memref<!tpu.dma_semaphore, #tpu.memory_space<semaphore_mem>>, %arg28: memref<!tpu.dma_semaphore, #tpu.memory_space<semaphore_mem>>, %arg29: memref<!tpu.dma_semaphore, #tpu.memory_space<semaphore_mem>>, %arg30: memref<!tpu.dma_semaphore, #tpu.memory_space<semaphore_mem>>, %arg31: memref<!tpu.dma_semaphore, #tpu.memory_space<semaphore_mem>>, %arg32: memref<!tpu.dma_semaphore, #tpu.memory_space<semaphore_mem>>, %arg33: memref<!tpu.dma_semaphore, #tpu.memory_space<semaphore_mem>>, %arg34: memref<!tpu.dma_semaphore, #tpu.memory_space<semaphore_mem>>, %arg35: memref<!tpu.dma_semaphore, #tpu.memory_space<semaphore_mem>>, %arg36: memref<!tpu.dma_semaphore, #tpu.memory_space<semaphore_mem>>, %arg37: memref<!tpu.dma_semaphore, #tpu.memory_space<semaphore_mem>>, %arg38: memref<!tpu.dma_semaphore, #tpu.memory_space<semaphore_mem>>, %arg39: memref<!tpu.dma_semaphore, #tpu.memory_space<semaphore_mem>>, %arg40: memref<!tpu.dma_semaphore, #tpu.memory_space<semaphore_mem>>, %arg41: memref<!tpu.dma_semaphore, #tpu.memory_space<semaphore_mem>>, %arg42: memref<80xf32, #tpu.memory_space<vmem>>, %arg43: memref<10240xf32, #tpu.memory_space<vmem_shared>>) attributes {dimension_semantics = [#tpu.dimension_semantics<core_parallel>, #tpu.dimension_semantics<subcore_parallel>], iteration_bounds = array<i64: 2, 16>, scalar_prefetch = 0 : i64, scratch_operands = 35 : i64, tpu.core_type = #tpu.core_type<sc_vector_subcore>, window_params = [{transform_indices = #map}, {transform_indices = #map1}, {transform_indices = #map}, {transform_indices = #map1}, {transform_indices = #map1}, {transform_indices = #map2}, {transform_indices = #map1}]} {
    %mul3A = arith.constant 16 : i32
    %mul3A_0 = arith.muli %arg0, %mul3A : i32
    %add3A = arith.addi %mul3A_0, %arg1 : i32
    %mul3A_1 = arith.constant 640 : i32
    %mul3A_2 = arith.muli %arg1, %mul3A_1 : i32
    %multiple_of3A = tpu.assume_multiple %mul3A_2, 8 : i32
    %mul3A_3 = arith.constant 10000 : i32
    %mul3A_4 = arith.muli %add3A, %mul3A_3 : i32
    %add3A_5 = arith.constant 0 : i32
    %add3A_6 = arith.addi %mul3A_4, %add3A_5 : i32
    %multiple_of3A_7 = tpu.assume_multiple %add3A_6, 8 : i32
    %add3A_8 = arith.constant 0 : i32
    %add3A_9 = arith.addi %add3A_8, %multiple_of3A_7 : i32
    %dma_start3A = tpu.memref_slice %arg3[%add3A_9] : memref<640000xi32, #tpu.memory_space<hbm>> -> memref<80xi32, #tpu.memory_space<hbm>>
    %dma_start3A_10 = tpu.memref_slice %arg3[%add3A_9] : memref<640000xi32, #tpu.memory_space<hbm>> -> memref<80xi32, #tpu.memory_space<hbm>>
    tpu.enqueue_dma source(%dma_start3A_10 : memref<80xi32, #tpu.memory_space<hbm>>) target(%arg9 : memref<80xi32, #tpu.memory_space<vmem>>) target_semaphore(%arg26 : memref<!tpu.dma_semaphore, #tpu.memory_space<semaphore_mem>>)
    "tpu.region"() ({
      %run_scoped3A = tpu.sem_alloc : memref<!tpu.dma_semaphore, #tpu.memory_space<semaphore_mem>>
      %dma_start3A_156 = arith.constant 0 : i32
      %dma_start3A_157 = tpu.memref_slice %arg21[%multiple_of3A, %dma_start3A_156] : memref<10240x128xf32, #tpu.memory_space<vmem_shared>> -> memref<640x128xf32, #tpu.memory_space<vmem_shared>>
      tpu.enqueue_dma source(%arg4 : memref<640x128xf32, #tpu.memory_space<hbm>>) target(%dma_start3A_157 : memref<640x128xf32, #tpu.memory_space<vmem_shared>>) target_semaphore(%run_scoped3A : memref<!tpu.dma_semaphore, #tpu.memory_space<semaphore_mem>>)
      %dma_wait3A_158 = arith.constant 0 : i32
      %dma_wait3A_159 = tpu.memref_slice %arg21[%multiple_of3A, %dma_wait3A_158] : memref<10240x128xf32, #tpu.memory_space<vmem_shared>> -> memref<640x128xf32, #tpu.memory_space<vmem_shared>>
      tpu.wait_dma2 semaphore(%run_scoped3A : memref<!tpu.dma_semaphore, #tpu.memory_space<semaphore_mem>>) src(%arg4 : memref<640x128xf32, #tpu.memory_space<hbm>>) dst(%dma_wait3A_159 : memref<640x128xf32, #tpu.memory_space<vmem_shared>>)
      tpu.yield
    }) : () -> ()
    "tpu.region"() ({
      %run_scoped3A = tpu.sem_alloc : memref<!tpu.dma_semaphore, #tpu.memory_space<semaphore_mem>>
      %dma_start3A_156 = tpu.memref_slice %arg43[%multiple_of3A] : memref<10240xf32, #tpu.memory_space<vmem_shared>> -> memref<640xf32, #tpu.memory_space<vmem_shared>>
      tpu.enqueue_dma source(%arg5 : memref<640xf32, #tpu.memory_space<hbm>>) target(%dma_start3A_156 : memref<640xf32, #tpu.memory_space<vmem_shared>>) target_semaphore(%run_scoped3A : memref<!tpu.dma_semaphore, #tpu.memory_space<semaphore_mem>>)
      %dma_wait3A_157 = tpu.memref_slice %arg43[%multiple_of3A] : memref<10240xf32, #tpu.memory_space<vmem_shared>> -> memref<640xf32, #tpu.memory_space<vmem_shared>>
      tpu.wait_dma2 semaphore(%run_scoped3A : memref<!tpu.dma_semaphore, #tpu.memory_space<semaphore_mem>>) src(%arg5 : memref<640xf32, #tpu.memory_space<hbm>>) dst(%dma_wait3A_157 : memref<640xf32, #tpu.memory_space<vmem_shared>>)
      tpu.yield
    }) : () -> ()
    "tpu.region"() ({
      %run_scoped3A = tpu.sem_alloc : memref<!tpu.dma_semaphore, #tpu.memory_space<semaphore_mem>>
      tpu.enqueue_dma source(%arg6 : memref<80xf32, #tpu.memory_space<hbm>>) target(%arg42 : memref<80xf32, #tpu.memory_space<vmem>>) target_semaphore(%run_scoped3A : memref<!tpu.dma_semaphore, #tpu.memory_space<semaphore_mem>>)
      tpu.wait_dma2 semaphore(%run_scoped3A : memref<!tpu.dma_semaphore, #tpu.memory_space<semaphore_mem>>) src(%arg6 : memref<80xf32, #tpu.memory_space<hbm>>) dst(%arg42 : memref<80xf32, #tpu.memory_space<vmem>>)
      tpu.yield
    }) : () -> ()
    %add3A_11 = arith.constant 0 : i32
    %add3A_12 = arith.addi %mul3A_4, %add3A_11 : i32
    %multiple_of3A_13 = tpu.assume_multiple %add3A_12, 8 : i32
    %dma_wait3A = tpu.memref_slice %arg3[%multiple_of3A_13] : memref<640000xi32, #tpu.memory_space<hbm>> -> memref<80xi32, #tpu.memory_space<hbm>>
    %dma_wait3A_14 = tpu.memref_slice %arg3[%multiple_of3A_13] : memref<640000xi32, #tpu.memory_space<hbm>> -> memref<80xi32, #tpu.memory_space<hbm>>
    tpu.wait_dma2 semaphore(%arg26 : memref<!tpu.dma_semaphore, #tpu.memory_space<semaphore_mem>>) src(%dma_wait3A_14 : memref<80xi32, #tpu.memory_space<hbm>>) dst(%arg9 : memref<80xi32, #tpu.memory_space<vmem>>)
    %dma_start3A_15 = arith.constant 0 : i32
    %dma_start3A_16 = arith.constant 0 : i32
    %dma_start3A_17 = tpu.memref_slice %arg2[%dma_start3A_15, %dma_start3A_16] : memref<10000x128xf32, #tpu.memory_space<hbm>> -> memref<10000x128xf32, #tpu.memory_space<hbm>>
    tpu.enqueue_indirect_dma source(%dma_start3A_17 : memref<10000x128xf32, #tpu.memory_space<hbm>>) target(%arg17 : memref<80x128xf32, #tpu.memory_space<vmem>>) offsets(%arg9 : memref<80xi32, #tpu.memory_space<vmem>>) semaphore(%arg22 : memref<!tpu.dma_semaphore, #tpu.memory_space<semaphore_mem>>)
    %add3A_18 = arith.constant 80 : i32
    %add3A_19 = arith.addi %mul3A_4, %add3A_18 : i32
    %multiple_of3A_20 = tpu.assume_multiple %add3A_19, 8 : i32
    %add3A_21 = arith.constant 0 : i32
    %add3A_22 = arith.addi %add3A_21, %multiple_of3A_20 : i32
    %dma_start3A_23 = tpu.memref_slice %arg3[%add3A_22] : memref<640000xi32, #tpu.memory_space<hbm>> -> memref<80xi32, #tpu.memory_space<hbm>>
    %dma_start3A_24 = tpu.memref_slice %arg3[%add3A_22] : memref<640000xi32, #tpu.memory_space<hbm>> -> memref<80xi32, #tpu.memory_space<hbm>>
    tpu.enqueue_dma source(%dma_start3A_24 : memref<80xi32, #tpu.memory_space<hbm>>) target(%arg10 : memref<80xi32, #tpu.memory_space<vmem>>) target_semaphore(%arg27 : memref<!tpu.dma_semaphore, #tpu.memory_space<semaphore_mem>>)
    %add3A_25 = arith.constant 0 : i32
    %add3A_26 = arith.addi %mul3A_4, %add3A_25 : i32
    %multiple_of3A_27 = tpu.assume_multiple %add3A_26, 8 : i32
    %add3A_28 = arith.constant 320000 : i32
    %add3A_29 = arith.addi %add3A_28, %multiple_of3A_27 : i32
    %dma_start3A_30 = tpu.memref_slice %arg3[%add3A_29] : memref<640000xi32, #tpu.memory_space<hbm>> -> memref<80xi32, #tpu.memory_space<hbm>>
    %dma_start3A_31 = tpu.memref_slice %arg3[%add3A_29] : memref<640000xi32, #tpu.memory_space<hbm>> -> memref<80xi32, #tpu.memory_space<hbm>>
    tpu.enqueue_dma source(%dma_start3A_31 : memref<80xi32, #tpu.memory_space<hbm>>) target(%arg13 : memref<80xi32, #tpu.memory_space<vmem>>) target_semaphore(%arg30 : memref<!tpu.dma_semaphore, #tpu.memory_space<semaphore_mem>>)
    %add3A_32 = arith.constant 80 : i32
    %add3A_33 = arith.addi %mul3A_4, %add3A_32 : i32
    %multiple_of3A_34 = tpu.assume_multiple %add3A_33, 8 : i32
    %add3A_35 = arith.constant 320000 : i32
    %add3A_36 = arith.addi %add3A_35, %multiple_of3A_34 : i32
    %dma_start3A_37 = tpu.memref_slice %arg3[%add3A_36] : memref<640000xi32, #tpu.memory_space<hbm>> -> memref<80xi32, #tpu.memory_space<hbm>>
    %dma_start3A_38 = tpu.memref_slice %arg3[%add3A_36] : memref<640000xi32, #tpu.memory_space<hbm>> -> memref<80xi32, #tpu.memory_space<hbm>>
    tpu.enqueue_dma source(%dma_start3A_38 : memref<80xi32, #tpu.memory_space<hbm>>) target(%arg14 : memref<80xi32, #tpu.memory_space<vmem>>) target_semaphore(%arg31 : memref<!tpu.dma_semaphore, #tpu.memory_space<semaphore_mem>>)
    %add3A_39 = arith.constant 160 : i32
    %add3A_40 = arith.addi %mul3A_4, %add3A_39 : i32
    %multiple_of3A_41 = tpu.assume_multiple %add3A_40, 8 : i32
    %add3A_42 = arith.constant 320000 : i32
    %add3A_43 = arith.addi %add3A_42, %multiple_of3A_41 : i32
    %dma_start3A_44 = tpu.memref_slice %arg3[%add3A_43] : memref<640000xi32, #tpu.memory_space<hbm>> -> memref<80xi32, #tpu.memory_space<hbm>>
    %dma_start3A_45 = tpu.memref_slice %arg3[%add3A_43] : memref<640000xi32, #tpu.memory_space<hbm>> -> memref<80xi32, #tpu.memory_space<hbm>>
    tpu.enqueue_dma source(%dma_start3A_45 : memref<80xi32, #tpu.memory_space<hbm>>) target(%arg15 : memref<80xi32, #tpu.memory_space<vmem>>) target_semaphore(%arg32 : memref<!tpu.dma_semaphore, #tpu.memory_space<semaphore_mem>>)
    %add3A_46 = arith.constant 160 : i32
    %add3A_47 = arith.addi %mul3A_4, %add3A_46 : i32
    %multiple_of3A_48 = tpu.assume_multiple %add3A_47, 8 : i32
    %add3A_49 = arith.constant 0 : i32
    %add3A_50 = arith.addi %add3A_49, %multiple_of3A_48 : i32
    %dma_start3A_51 = tpu.memref_slice %arg3[%add3A_50] : memref<640000xi32, #tpu.memory_space<hbm>> -> memref<80xi32, #tpu.memory_space<hbm>>
    %dma_start3A_52 = tpu.memref_slice %arg3[%add3A_50] : memref<640000xi32, #tpu.memory_space<hbm>> -> memref<80xi32, #tpu.memory_space<hbm>>
    tpu.enqueue_dma source(%dma_start3A_52 : memref<80xi32, #tpu.memory_space<hbm>>) target(%arg11 : memref<80xi32, #tpu.memory_space<vmem>>) target_semaphore(%arg28 : memref<!tpu.dma_semaphore, #tpu.memory_space<semaphore_mem>>)
    %add3A_53 = arith.constant 240 : i32
    %add3A_54 = arith.addi %mul3A_4, %add3A_53 : i32
    %multiple_of3A_55 = tpu.assume_multiple %add3A_54, 8 : i32
    %add3A_56 = arith.constant 0 : i32
    %add3A_57 = arith.addi %add3A_56, %multiple_of3A_55 : i32
    %dma_start3A_58 = tpu.memref_slice %arg3[%add3A_57] : memref<640000xi32, #tpu.memory_space<hbm>> -> memref<80xi32, #tpu.memory_space<hbm>>
    %dma_start3A_59 = tpu.memref_slice %arg3[%add3A_57] : memref<640000xi32, #tpu.memory_space<hbm>> -> memref<80xi32, #tpu.memory_space<hbm>>
    tpu.enqueue_dma source(%dma_start3A_59 : memref<80xi32, #tpu.memory_space<hbm>>) target(%arg12 : memref<80xi32, #tpu.memory_space<vmem>>) target_semaphore(%arg29 : memref<!tpu.dma_semaphore, #tpu.memory_space<semaphore_mem>>)
    %add3A_60 = arith.constant 0 : i32
    %add3A_61 = arith.addi %mul3A_4, %add3A_60 : i32
    %multiple_of3A_62 = tpu.assume_multiple %add3A_61, 8 : i32
    %dma_wait3A_63 = tpu.memref_slice %arg3[%multiple_of3A_62] : memref<640000xi32, #tpu.memory_space<hbm>> -> memref<80xi32, #tpu.memory_space<hbm>>
    %dma_wait3A_64 = tpu.memref_slice %arg3[%multiple_of3A_62] : memref<640000xi32, #tpu.memory_space<hbm>> -> memref<80xi32, #tpu.memory_space<hbm>>
    tpu.wait_dma2 semaphore(%arg27 : memref<!tpu.dma_semaphore, #tpu.memory_space<semaphore_mem>>) src(%dma_wait3A_64 : memref<80xi32, #tpu.memory_space<hbm>>) dst(%arg10 : memref<80xi32, #tpu.memory_space<vmem>>)
    %dma_start3A_65 = arith.constant 0 : i32
    %dma_start3A_66 = arith.constant 0 : i32
    %dma_start3A_67 = tpu.memref_slice %arg2[%dma_start3A_65, %dma_start3A_66] : memref<10000x128xf32, #tpu.memory_space<hbm>> -> memref<10000x128xf32, #tpu.memory_space<hbm>>
    tpu.enqueue_indirect_dma source(%dma_start3A_67 : memref<10000x128xf32, #tpu.memory_space<hbm>>) target(%arg18 : memref<80x128xf32, #tpu.memory_space<vmem>>) offsets(%arg10 : memref<80xi32, #tpu.memory_space<vmem>>) semaphore(%arg23 : memref<!tpu.dma_semaphore, #tpu.memory_space<semaphore_mem>>)
    %barrier3A = arith.constant 0 : index
    tpu.barrier barrier_id(%barrier3A)
    %add3A_68 = arith.constant 0 : i32
    %add3A_69 = arith.addi %mul3A_4, %add3A_68 : i32
    %multiple_of3A_70 = tpu.assume_multiple %add3A_69, 8 : i32
    %dma_wait3A_71 = tpu.memref_slice %arg3[%multiple_of3A_70] : memref<640000xi32, #tpu.memory_space<hbm>> -> memref<80xi32, #tpu.memory_space<hbm>>
    %dma_wait3A_72 = tpu.memref_slice %arg3[%multiple_of3A_70] : memref<640000xi32, #tpu.memory_space<hbm>> -> memref<80xi32, #tpu.memory_space<hbm>>
    tpu.wait_dma2 semaphore(%arg28 : memref<!tpu.dma_semaphore, #tpu.memory_space<semaphore_mem>>) src(%dma_wait3A_72 : memref<80xi32, #tpu.memory_space<hbm>>) dst(%arg11 : memref<80xi32, #tpu.memory_space<vmem>>)
    %dma_start3A_73 = arith.constant 0 : i32
    %dma_start3A_74 = arith.constant 0 : i32
    %dma_start3A_75 = tpu.memref_slice %arg2[%dma_start3A_73, %dma_start3A_74] : memref<10000x128xf32, #tpu.memory_space<hbm>> -> memref<10000x128xf32, #tpu.memory_space<hbm>>
    tpu.enqueue_indirect_dma source(%dma_start3A_75 : memref<10000x128xf32, #tpu.memory_space<hbm>>) target(%arg19 : memref<80x128xf32, #tpu.memory_space<vmem>>) offsets(%arg11 : memref<80xi32, #tpu.memory_space<vmem>>) semaphore(%arg24 : memref<!tpu.dma_semaphore, #tpu.memory_space<semaphore_mem>>)
    %dma_wait3A_76 = arith.constant 0 : i32
    %dma_wait3A_77 = arith.constant 0 : i32
    %dma_wait3A_78 = tpu.memref_slice %arg2[%dma_wait3A_76, %dma_wait3A_77] : memref<10000x128xf32, #tpu.memory_space<hbm>> -> memref<10000x128xf32, #tpu.memory_space<hbm>>
    tpu.wait_indirect_dma semaphore(%arg22 : memref<!tpu.dma_semaphore, #tpu.memory_space<semaphore_mem>>) src(%dma_wait3A_78 : memref<10000x128xf32, #tpu.memory_space<hbm>>) dst(%arg17 : memref<80x128xf32, #tpu.memory_space<vmem>>)
    %add3A_79 = arith.constant 0 : i32
    %add3A_80 = arith.addi %mul3A_4, %add3A_79 : i32
    %multiple_of3A_81 = tpu.assume_multiple %add3A_80, 8 : i32
    %dma_wait3A_82 = tpu.memref_slice %arg3[%multiple_of3A_81] : memref<640000xi32, #tpu.memory_space<hbm>> -> memref<80xi32, #tpu.memory_space<hbm>>
    %dma_wait3A_83 = tpu.memref_slice %arg3[%multiple_of3A_81] : memref<640000xi32, #tpu.memory_space<hbm>> -> memref<80xi32, #tpu.memory_space<hbm>>
    tpu.wait_dma2 semaphore(%arg30 : memref<!tpu.dma_semaphore, #tpu.memory_space<semaphore_mem>>) src(%dma_wait3A_83 : memref<80xi32, #tpu.memory_space<hbm>>) dst(%arg13 : memref<80xi32, #tpu.memory_space<vmem>>)
    %dma_start3A_84 = arith.constant 0 : i32
    %dma_start3A_85 = arith.constant 0 : i32
    %dma_start3A_86 = tpu.memref_slice %arg21[%dma_start3A_84, %dma_start3A_85] : memref<10240x128xf32, #tpu.memory_space<vmem_shared>> -> memref<10240x128xf32, #tpu.memory_space<vmem_shared>>
    tpu.enqueue_indirect_dma source(%arg17 : memref<80x128xf32, #tpu.memory_space<vmem>>) target(%dma_start3A_86 : memref<10240x128xf32, #tpu.memory_space<vmem_shared>>) offsets(%arg13 : memref<80xi32, #tpu.memory_space<vmem>>) semaphore(%arg34 : memref<!tpu.dma_semaphore, #tpu.memory_space<semaphore_mem>>) {add = true}
    %dma_start3A_87 = arith.constant 0 : i32
    %dma_start3A_88 = tpu.memref_slice %arg43[%dma_start3A_87] : memref<10240xf32, #tpu.memory_space<vmem_shared>> -> memref<10240xf32, #tpu.memory_space<vmem_shared>>
    tpu.enqueue_indirect_dma source(%arg42 : memref<80xf32, #tpu.memory_space<vmem>>) target(%dma_start3A_88 : memref<10240xf32, #tpu.memory_space<vmem_shared>>) offsets(%arg13 : memref<80xi32, #tpu.memory_space<vmem>>) semaphore(%arg38 : memref<!tpu.dma_semaphore, #tpu.memory_space<semaphore_mem>>) {add = true}
    %min3A = arith.constant 4 : i32
    %min3A_89 = arith.constant 124 : i32
    %min3A_90 = arith.minsi %min3A, %min3A_89 : i32
    %mul3A_91 = arith.constant 80 : i32
    %mul3A_92 = arith.muli %min3A_90, %mul3A_91 : i32
    %add3A_93 = arith.addi %mul3A_4, %mul3A_92 : i32
    %multiple_of3A_94 = tpu.assume_multiple %add3A_93, 8 : i32
    %add3A_95 = arith.constant 0 : i32
    %add3A_96 = arith.addi %add3A_95, %multiple_of3A_94 : i32
    %dma_start3A_97 = tpu.memref_slice %arg3[%add3A_96] : memref<640000xi32, #tpu.memory_space<hbm>> -> memref<80xi32, #tpu.memory_space<hbm>>
    %dma_start3A_98 = tpu.memref_slice %arg3[%add3A_96] : memref<640000xi32, #tpu.memory_space<hbm>> -> memref<80xi32, #tpu.memory_space<hbm>>
    tpu.enqueue_dma source(%dma_start3A_98 : memref<80xi32, #tpu.memory_space<hbm>>) target(%arg9 : memref<80xi32, #tpu.memory_space<vmem>>) target_semaphore(%arg26 : memref<!tpu.dma_semaphore, #tpu.memory_space<semaphore_mem>>)
    %min3A_99 = arith.constant 3 : i32
    %min3A_100 = arith.constant 124 : i32
    %min3A_101 = arith.minsi %min3A_99, %min3A_100 : i32
    %mul3A_102 = arith.constant 80 : i32
    %mul3A_103 = arith.muli %min3A_101, %mul3A_102 : i32
    %add3A_104 = arith.addi %mul3A_4, %mul3A_103 : i32
    %multiple_of3A_105 = tpu.assume_multiple %add3A_104, 8 : i32
    %add3A_106 = arith.constant 320000 : i32
    %add3A_107 = arith.addi %add3A_106, %multiple_of3A_105 : i32
    %dma_start3A_108 = tpu.memref_slice %arg3[%add3A_107] : memref<640000xi32, #tpu.memory_space<hbm>> -> memref<80xi32, #tpu.memory_space<hbm>>
    %dma_start3A_109 = tpu.memref_slice %arg3[%add3A_107] : memref<640000xi32, #tpu.memory_space<hbm>> -> memref<80xi32, #tpu.memory_space<hbm>>
    tpu.enqueue_dma source(%dma_start3A_109 : memref<80xi32, #tpu.memory_space<hbm>>) target(%arg16 : memref<80xi32, #tpu.memory_space<vmem>>) target_semaphore(%arg33 : memref<!tpu.dma_semaphore, #tpu.memory_space<semaphore_mem>>)
    %scan3A = arith.constant 0 : i32
    %scan3A_110 = arith.constant 0 : i32
    %scan3A_111 = arith.constant 31 : i32
    %scan3A_112 = arith.addi %scan3A_110, %scan3A_111 : i32
    %scan3A_113 = arith.constant 1 : i32
    scf.for %scan3A_156 = %scan3A_110 to %scan3A_112 step %scan3A_113  : i32 {
      %mul3A_157 = arith.constant 4 : i32
      %mul3A_158 = arith.muli %mul3A_157, %scan3A_156 : i32
      %add3A_159 = arith.constant 1 : i32
      %add3A_160 = arith.addi %mul3A_158, %add3A_159 : i32
      %add3A_161 = arith.constant 0 : i32
      %add3A_162 = arith.addi %mul3A_4, %add3A_161 : i32
      %multiple_of3A_163 = tpu.assume_multiple %add3A_162, 8 : i32
      %dma_wait3A_164 = tpu.memref_slice %arg3[%multiple_of3A_163] : memref<640000xi32, #tpu.memory_space<hbm>> -> memref<80xi32, #tpu.memory_space<hbm>>
      %dma_wait3A_165 = tpu.memref_slice %arg3[%multiple_of3A_163] : memref<640000xi32, #tpu.memory_space<hbm>> -> memref<80xi32, #tpu.memory_space<hbm>>
      tpu.wait_dma2 semaphore(%arg29 : memref<!tpu.dma_semaphore, #tpu.memory_space<semaphore_mem>>) src(%dma_wait3A_165 : memref<80xi32, #tpu.memory_space<hbm>>) dst(%arg12 : memref<80xi32, #tpu.memory_space<vmem>>)
      %dma_start3A_166 = arith.constant 0 : i32
      %dma_start3A_167 = arith.constant 0 : i32
      %dma_start3A_168 = tpu.memref_slice %arg2[%dma_start3A_166, %dma_start3A_167] : memref<10000x128xf32, #tpu.memory_space<hbm>> -> memref<10000x128xf32, #tpu.memory_space<hbm>>
      tpu.enqueue_indirect_dma source(%dma_start3A_168 : memref<10000x128xf32, #tpu.memory_space<hbm>>) target(%arg20 : memref<80x128xf32, #tpu.memory_space<vmem>>) offsets(%arg12 : memref<80xi32, #tpu.memory_space<vmem>>) semaphore(%arg25 : memref<!tpu.dma_semaphore, #tpu.memory_space<semaphore_mem>>)
      %dma_wait3A_169 = arith.constant 0 : i32
      %dma_wait3A_170 = arith.constant 0 : i32
      %dma_wait3A_171 = tpu.memref_slice %arg2[%dma_wait3A_169, %dma_wait3A_170] : memref<10000x128xf32, #tpu.memory_space<hbm>> -> memref<10000x128xf32, #tpu.memory_space<hbm>>
      tpu.wait_indirect_dma semaphore(%arg23 : memref<!tpu.dma_semaphore, #tpu.memory_space<semaphore_mem>>) src(%dma_wait3A_171 : memref<10000x128xf32, #tpu.memory_space<hbm>>) dst(%arg18 : memref<80x128xf32, #tpu.memory_space<vmem>>)
      %dma_wait3A_172 = arith.constant 0 : i32
      %dma_wait3A_173 = arith.constant 0 : i32
      %dma_wait3A_174 = tpu.memref_slice %arg21[%dma_wait3A_172, %dma_wait3A_173] : memref<10240x128xf32, #tpu.memory_space<vmem_shared>> -> memref<10240x128xf32, #tpu.memory_space<vmem_shared>>
      tpu.wait_indirect_dma semaphore(%arg34 : memref<!tpu.dma_semaphore, #tpu.memory_space<semaphore_mem>>) src(%arg17 : memref<80x128xf32, #tpu.memory_space<vmem>>) dst(%dma_wait3A_174 : memref<10240x128xf32, #tpu.memory_space<vmem_shared>>)
      %dma_wait3A_175 = arith.constant 0 : i32
      %dma_wait3A_176 = tpu.memref_slice %arg43[%dma_wait3A_175] : memref<10240xf32, #tpu.memory_space<vmem_shared>> -> memref<10240xf32, #tpu.memory_space<vmem_shared>>
      tpu.wait_indirect_dma semaphore(%arg38 : memref<!tpu.dma_semaphore, #tpu.memory_space<semaphore_mem>>) src(%arg42 : memref<80xf32, #tpu.memory_space<vmem>>) dst(%dma_wait3A_176 : memref<10240xf32, #tpu.memory_space<vmem_shared>>)
      %add3A_177 = arith.constant 0 : i32
      %add3A_178 = arith.addi %mul3A_4, %add3A_177 : i32
      %multiple_of3A_179 = tpu.assume_multiple %add3A_178, 8 : i32
      %dma_wait3A_180 = tpu.memref_slice %arg3[%multiple_of3A_179] : memref<640000xi32, #tpu.memory_space<hbm>> -> memref<80xi32, #tpu.memory_space<hbm>>
      %dma_wait3A_181 = tpu.memref_slice %arg3[%multiple_of3A_179] : memref<640000xi32, #tpu.memory_space<hbm>> -> memref<80xi32, #tpu.memory_space<hbm>>
      tpu.wait_dma2 semaphore(%arg31 : memref<!tpu.dma_semaphore, #tpu.memory_space<semaphore_mem>>) src(%dma_wait3A_181 : memref<80xi32, #tpu.memory_space<hbm>>) dst(%arg14 : memref<80xi32, #tpu.memory_space<vmem>>)
      %dma_start3A_182 = arith.constant 0 : i32
      %dma_start3A_183 = arith.constant 0 : i32
      %dma_start3A_184 = tpu.memref_slice %arg21[%dma_start3A_182, %dma_start3A_183] : memref<10240x128xf32, #tpu.memory_space<vmem_shared>> -> memref<10240x128xf32, #tpu.memory_space<vmem_shared>>
      tpu.enqueue_indirect_dma source(%arg18 : memref<80x128xf32, #tpu.memory_space<vmem>>) target(%dma_start3A_184 : memref<10240x128xf32, #tpu.memory_space<vmem_shared>>) offsets(%arg14 : memref<80xi32, #tpu.memory_space<vmem>>) semaphore(%arg35 : memref<!tpu.dma_semaphore, #tpu.memory_space<semaphore_mem>>) {add = true}
      %dma_start3A_185 = arith.constant 0 : i32
      %dma_start3A_186 = tpu.memref_slice %arg43[%dma_start3A_185] : memref<10240xf32, #tpu.memory_space<vmem_shared>> -> memref<10240xf32, #tpu.memory_space<vmem_shared>>
      tpu.enqueue_indirect_dma source(%arg42 : memref<80xf32, #tpu.memory_space<vmem>>) target(%dma_start3A_186 : memref<10240xf32, #tpu.memory_space<vmem_shared>>) offsets(%arg14 : memref<80xi32, #tpu.memory_space<vmem>>) semaphore(%arg39 : memref<!tpu.dma_semaphore, #tpu.memory_space<semaphore_mem>>) {add = true}
      %add3A_187 = arith.constant 4 : i32
      %add3A_188 = arith.addi %add3A_160, %add3A_187 : i32
      %min3A_189 = arith.constant 124 : i32
      %min3A_190 = arith.minsi %add3A_188, %min3A_189 : i32
      %mul3A_191 = arith.constant 80 : i32
      %mul3A_192 = arith.muli %min3A_190, %mul3A_191 : i32
      %add3A_193 = arith.addi %mul3A_4, %mul3A_192 : i32
      %multiple_of3A_194 = tpu.assume_multiple %add3A_193, 8 : i32
      %add3A_195 = arith.constant 0 : i32
      %add3A_196 = arith.addi %add3A_195, %multiple_of3A_194 : i32
      %dma_start3A_197 = tpu.memref_slice %arg3[%add3A_196] : memref<640000xi32, #tpu.memory_space<hbm>> -> memref<80xi32, #tpu.memory_space<hbm>>
      %dma_start3A_198 = tpu.memref_slice %arg3[%add3A_196] : memref<640000xi32, #tpu.memory_space<hbm>> -> memref<80xi32, #tpu.memory_space<hbm>>
      tpu.enqueue_dma source(%dma_start3A_198 : memref<80xi32, #tpu.memory_space<hbm>>) target(%arg10 : memref<80xi32, #tpu.memory_space<vmem>>) target_semaphore(%arg27 : memref<!tpu.dma_semaphore, #tpu.memory_space<semaphore_mem>>)
      %add3A_199 = arith.constant 3 : i32
      %add3A_200 = arith.addi %add3A_160, %add3A_199 : i32
      %min3A_201 = arith.constant 124 : i32
      %min3A_202 = arith.minsi %add3A_200, %min3A_201 : i32
      %mul3A_203 = arith.constant 80 : i32
      %mul3A_204 = arith.muli %min3A_202, %mul3A_203 : i32
      %add3A_205 = arith.addi %mul3A_4, %mul3A_204 : i32
      %multiple_of3A_206 = tpu.assume_multiple %add3A_205, 8 : i32
      %add3A_207 = arith.constant 320000 : i32
      %add3A_208 = arith.addi %add3A_207, %multiple_of3A_206 : i32
      %dma_start3A_209 = tpu.memref_slice %arg3[%add3A_208] : memref<640000xi32, #tpu.memory_space<hbm>> -> memref<80xi32, #tpu.memory_space<hbm>>
      %dma_start3A_210 = tpu.memref_slice %arg3[%add3A_208] : memref<640000xi32, #tpu.memory_space<hbm>> -> memref<80xi32, #tpu.memory_space<hbm>>
      tpu.enqueue_dma source(%dma_start3A_210 : memref<80xi32, #tpu.memory_space<hbm>>) target(%arg13 : memref<80xi32, #tpu.memory_space<vmem>>) target_semaphore(%arg30 : memref<!tpu.dma_semaphore, #tpu.memory_space<semaphore_mem>>)
      %mul3A_211 = arith.constant 4 : i32
      %mul3A_212 = arith.muli %mul3A_211, %scan3A_156 : i32
      %add3A_213 = arith.constant 2 : i32
      %add3A_214 = arith.addi %mul3A_212, %add3A_213 : i32
      %add3A_215 = arith.constant 0 : i32
      %add3A_216 = arith.addi %mul3A_4, %add3A_215 : i32
      %multiple_of3A_217 = tpu.assume_multiple %add3A_216, 8 : i32
      %dma_wait3A_218 = tpu.memref_slice %arg3[%multiple_of3A_217] : memref<640000xi32, #tpu.memory_space<hbm>> -> memref<80xi32, #tpu.memory_space<hbm>>
      %dma_wait3A_219 = tpu.memref_slice %arg3[%multiple_of3A_217] : memref<640000xi32, #tpu.memory_space<hbm>> -> memref<80xi32, #tpu.memory_space<hbm>>
      tpu.wait_dma2 semaphore(%arg26 : memref<!tpu.dma_semaphore, #tpu.memory_space<semaphore_mem>>) src(%dma_wait3A_219 : memref<80xi32, #tpu.memory_space<hbm>>) dst(%arg9 : memref<80xi32, #tpu.memory_space<vmem>>)
      %dma_start3A_220 = arith.constant 0 : i32
      %dma_start3A_221 = arith.constant 0 : i32
      %dma_start3A_222 = tpu.memref_slice %arg2[%dma_start3A_220, %dma_start3A_221] : memref<10000x128xf32, #tpu.memory_space<hbm>> -> memref<10000x128xf32, #tpu.memory_space<hbm>>
      tpu.enqueue_indirect_dma source(%dma_start3A_222 : memref<10000x128xf32, #tpu.memory_space<hbm>>) target(%arg17 : memref<80x128xf32, #tpu.memory_space<vmem>>) offsets(%arg9 : memref<80xi32, #tpu.memory_space<vmem>>) semaphore(%arg22 : memref<!tpu.dma_semaphore, #tpu.memory_space<semaphore_mem>>)
      %dma_wait3A_223 = arith.constant 0 : i32
      %dma_wait3A_224 = arith.constant 0 : i32
      %dma_wait3A_225 = tpu.memref_slice %arg2[%dma_wait3A_223, %dma_wait3A_224] : memref<10000x128xf32, #tpu.memory_space<hbm>> -> memref<10000x128xf32, #tpu.memory_space<hbm>>
      tpu.wait_indirect_dma semaphore(%arg24 : memref<!tpu.dma_semaphore, #tpu.memory_space<semaphore_mem>>) src(%dma_wait3A_225 : memref<10000x128xf32, #tpu.memory_space<hbm>>) dst(%arg19 : memref<80x128xf32, #tpu.memory_space<vmem>>)
      %dma_wait3A_226 = arith.constant 0 : i32
      %dma_wait3A_227 = arith.constant 0 : i32
      %dma_wait3A_228 = tpu.memref_slice %arg21[%dma_wait3A_226, %dma_wait3A_227] : memref<10240x128xf32, #tpu.memory_space<vmem_shared>> -> memref<10240x128xf32, #tpu.memory_space<vmem_shared>>
      tpu.wait_indirect_dma semaphore(%arg35 : memref<!tpu.dma_semaphore, #tpu.memory_space<semaphore_mem>>) src(%arg18 : memref<80x128xf32, #tpu.memory_space<vmem>>) dst(%dma_wait3A_228 : memref<10240x128xf32, #tpu.memory_space<vmem_shared>>)
      %dma_wait3A_229 = arith.constant 0 : i32
      %dma_wait3A_230 = tpu.memref_slice %arg43[%dma_wait3A_229] : memref<10240xf32, #tpu.memory_space<vmem_shared>> -> memref<10240xf32, #tpu.memory_space<vmem_shared>>
      tpu.wait_indirect_dma semaphore(%arg39 : memref<!tpu.dma_semaphore, #tpu.memory_space<semaphore_mem>>) src(%arg42 : memref<80xf32, #tpu.memory_space<vmem>>) dst(%dma_wait3A_230 : memref<10240xf32, #tpu.memory_space<vmem_shared>>)
      %add3A_231 = arith.constant 0 : i32
      %add3A_232 = arith.addi %mul3A_4, %add3A_231 : i32
      %multiple_of3A_233 = tpu.assume_multiple %add3A_232, 8 : i32
      %dma_wait3A_234 = tpu.memref_slice %arg3[%multiple_of3A_233] : memref<640000xi32, #tpu.memory_space<hbm>> -> memref<80xi32, #tpu.memory_space<hbm>>
      %dma_wait3A_235 = tpu.memref_slice %arg3[%multiple_of3A_233] : memref<640000xi32, #tpu.memory_space<hbm>> -> memref<80xi32, #tpu.memory_space<hbm>>
      tpu.wait_dma2 semaphore(%arg32 : memref<!tpu.dma_semaphore, #tpu.memory_space<semaphore_mem>>) src(%dma_wait3A_235 : memref<80xi32, #tpu.memory_space<hbm>>) dst(%arg15 : memref<80xi32, #tpu.memory_space<vmem>>)
      %dma_start3A_236 = arith.constant 0 : i32
      %dma_start3A_237 = arith.constant 0 : i32
      %dma_start3A_238 = tpu.memref_slice %arg21[%dma_start3A_236, %dma_start3A_237] : memref<10240x128xf32, #tpu.memory_space<vmem_shared>> -> memref<10240x128xf32, #tpu.memory_space<vmem_shared>>
      tpu.enqueue_indirect_dma source(%arg19 : memref<80x128xf32, #tpu.memory_space<vmem>>) target(%dma_start3A_238 : memref<10240x128xf32, #tpu.memory_space<vmem_shared>>) offsets(%arg15 : memref<80xi32, #tpu.memory_space<vmem>>) semaphore(%arg36 : memref<!tpu.dma_semaphore, #tpu.memory_space<semaphore_mem>>) {add = true}
      %dma_start3A_239 = arith.constant 0 : i32
      %dma_start3A_240 = tpu.memref_slice %arg43[%dma_start3A_239] : memref<10240xf32, #tpu.memory_space<vmem_shared>> -> memref<10240xf32, #tpu.memory_space<vmem_shared>>
      tpu.enqueue_indirect_dma source(%arg42 : memref<80xf32, #tpu.memory_space<vmem>>) target(%dma_start3A_240 : memref<10240xf32, #tpu.memory_space<vmem_shared>>) offsets(%arg15 : memref<80xi32, #tpu.memory_space<vmem>>) semaphore(%arg40 : memref<!tpu.dma_semaphore, #tpu.memory_space<semaphore_mem>>) {add = true}
      %add3A_241 = arith.constant 4 : i32
      %add3A_242 = arith.addi %add3A_214, %add3A_241 : i32
      %min3A_243 = arith.constant 124 : i32
      %min3A_244 = arith.minsi %add3A_242, %min3A_243 : i32
      %mul3A_245 = arith.constant 80 : i32
      %mul3A_246 = arith.muli %min3A_244, %mul3A_245 : i32
      %add3A_247 = arith.addi %mul3A_4, %mul3A_246 : i32
      %multiple_of3A_248 = tpu.assume_multiple %add3A_247, 8 : i32
      %add3A_249 = arith.constant 0 : i32
      %add3A_250 = arith.addi %add3A_249, %multiple_of3A_248 : i32
      %dma_start3A_251 = tpu.memref_slice %arg3[%add3A_250] : memref<640000xi32, #tpu.memory_space<hbm>> -> memref<80xi32, #tpu.memory_space<hbm>>
      %dma_start3A_252 = tpu.memref_slice %arg3[%add3A_250] : memref<640000xi32, #tpu.memory_space<hbm>> -> memref<80xi32, #tpu.memory_space<hbm>>
      tpu.enqueue_dma source(%dma_start3A_252 : memref<80xi32, #tpu.memory_space<hbm>>) target(%arg11 : memref<80xi32, #tpu.memory_space<vmem>>) target_semaphore(%arg28 : memref<!tpu.dma_semaphore, #tpu.memory_space<semaphore_mem>>)
      %add3A_253 = arith.constant 3 : i32
      %add3A_254 = arith.addi %add3A_214, %add3A_253 : i32
      %min3A_255 = arith.constant 124 : i32
      %min3A_256 = arith.minsi %add3A_254, %min3A_255 : i32
      %mul3A_257 = arith.constant 80 : i32
      %mul3A_258 = arith.muli %min3A_256, %mul3A_257 : i32
      %add3A_259 = arith.addi %mul3A_4, %mul3A_258 : i32
      %multiple_of3A_260 = tpu.assume_multiple %add3A_259, 8 : i32
      %add3A_261 = arith.constant 320000 : i32
      %add3A_262 = arith.addi %add3A_261, %multiple_of3A_260 : i32
      %dma_start3A_263 = tpu.memref_slice %arg3[%add3A_262] : memref<640000xi32, #tpu.memory_space<hbm>> -> memref<80xi32, #tpu.memory_space<hbm>>
      %dma_start3A_264 = tpu.memref_slice %arg3[%add3A_262] : memref<640000xi32, #tpu.memory_space<hbm>> -> memref<80xi32, #tpu.memory_space<hbm>>
      tpu.enqueue_dma source(%dma_start3A_264 : memref<80xi32, #tpu.memory_space<hbm>>) target(%arg14 : memref<80xi32, #tpu.memory_space<vmem>>) target_semaphore(%arg31 : memref<!tpu.dma_semaphore, #tpu.memory_space<semaphore_mem>>)
      %mul3A_265 = arith.constant 4 : i32
      %mul3A_266 = arith.muli %mul3A_265, %scan3A_156 : i32
      %add3A_267 = arith.constant 3 : i32
      %add3A_268 = arith.addi %mul3A_266, %add3A_267 : i32
      %add3A_269 = arith.constant 0 : i32
      %add3A_270 = arith.addi %mul3A_4, %add3A_269 : i32
      %multiple_of3A_271 = tpu.assume_multiple %add3A_270, 8 : i32
      %dma_wait3A_272 = tpu.memref_slice %arg3[%multiple_of3A_271] : memref<640000xi32, #tpu.memory_space<hbm>> -> memref<80xi32, #tpu.memory_space<hbm>>
      %dma_wait3A_273 = tpu.memref_slice %arg3[%multiple_of3A_271] : memref<640000xi32, #tpu.memory_space<hbm>> -> memref<80xi32, #tpu.memory_space<hbm>>
      tpu.wait_dma2 semaphore(%arg27 : memref<!tpu.dma_semaphore, #tpu.memory_space<semaphore_mem>>) src(%dma_wait3A_273 : memref<80xi32, #tpu.memory_space<hbm>>) dst(%arg10 : memref<80xi32, #tpu.memory_space<vmem>>)
      %dma_start3A_274 = arith.constant 0 : i32
      %dma_start3A_275 = arith.constant 0 : i32
      %dma_start3A_276 = tpu.memref_slice %arg2[%dma_start3A_274, %dma_start3A_275] : memref<10000x128xf32, #tpu.memory_space<hbm>> -> memref<10000x128xf32, #tpu.memory_space<hbm>>
      tpu.enqueue_indirect_dma source(%dma_start3A_276 : memref<10000x128xf32, #tpu.memory_space<hbm>>) target(%arg18 : memref<80x128xf32, #tpu.memory_space<vmem>>) offsets(%arg10 : memref<80xi32, #tpu.memory_space<vmem>>) semaphore(%arg23 : memref<!tpu.dma_semaphore, #tpu.memory_space<semaphore_mem>>)
      %dma_wait3A_277 = arith.constant 0 : i32
      %dma_wait3A_278 = arith.constant 0 : i32
      %dma_wait3A_279 = tpu.memref_slice %arg2[%dma_wait3A_277, %dma_wait3A_278] : memref<10000x128xf32, #tpu.memory_space<hbm>> -> memref<10000x128xf32, #tpu.memory_space<hbm>>
      tpu.wait_indirect_dma semaphore(%arg25 : memref<!tpu.dma_semaphore, #tpu.memory_space<semaphore_mem>>) src(%dma_wait3A_279 : memref<10000x128xf32, #tpu.memory_space<hbm>>) dst(%arg20 : memref<80x128xf32, #tpu.memory_space<vmem>>)
      %dma_wait3A_280 = arith.constant 0 : i32
      %dma_wait3A_281 = arith.constant 0 : i32
      %dma_wait3A_282 = tpu.memref_slice %arg21[%dma_wait3A_280, %dma_wait3A_281] : memref<10240x128xf32, #tpu.memory_space<vmem_shared>> -> memref<10240x128xf32, #tpu.memory_space<vmem_shared>>
      tpu.wait_indirect_dma semaphore(%arg36 : memref<!tpu.dma_semaphore, #tpu.memory_space<semaphore_mem>>) src(%arg19 : memref<80x128xf32, #tpu.memory_space<vmem>>) dst(%dma_wait3A_282 : memref<10240x128xf32, #tpu.memory_space<vmem_shared>>)
      %dma_wait3A_283 = arith.constant 0 : i32
      %dma_wait3A_284 = tpu.memref_slice %arg43[%dma_wait3A_283] : memref<10240xf32, #tpu.memory_space<vmem_shared>> -> memref<10240xf32, #tpu.memory_space<vmem_shared>>
      tpu.wait_indirect_dma semaphore(%arg40 : memref<!tpu.dma_semaphore, #tpu.memory_space<semaphore_mem>>) src(%arg42 : memref<80xf32, #tpu.memory_space<vmem>>) dst(%dma_wait3A_284 : memref<10240xf32, #tpu.memory_space<vmem_shared>>)
      %add3A_285 = arith.constant 0 : i32
      %add3A_286 = arith.addi %mul3A_4, %add3A_285 : i32
      %multiple_of3A_287 = tpu.assume_multiple %add3A_286, 8 : i32
      %dma_wait3A_288 = tpu.memref_slice %arg3[%multiple_of3A_287] : memref<640000xi32, #tpu.memory_space<hbm>> -> memref<80xi32, #tpu.memory_space<hbm>>
      %dma_wait3A_289 = tpu.memref_slice %arg3[%multiple_of3A_287] : memref<640000xi32, #tpu.memory_space<hbm>> -> memref<80xi32, #tpu.memory_space<hbm>>
      tpu.wait_dma2 semaphore(%arg33 : memref<!tpu.dma_semaphore, #tpu.memory_space<semaphore_mem>>) src(%dma_wait3A_289 : memref<80xi32, #tpu.memory_space<hbm>>) dst(%arg16 : memref<80xi32, #tpu.memory_space<vmem>>)
      %dma_start3A_290 = arith.constant 0 : i32
      %dma_start3A_291 = arith.constant 0 : i32
      %dma_start3A_292 = tpu.memref_slice %arg21[%dma_start3A_290, %dma_start3A_291] : memref<10240x128xf32, #tpu.memory_space<vmem_shared>> -> memref<10240x128xf32, #tpu.memory_space<vmem_shared>>
      tpu.enqueue_indirect_dma source(%arg20 : memref<80x128xf32, #tpu.memory_space<vmem>>) target(%dma_start3A_292 : memref<10240x128xf32, #tpu.memory_space<vmem_shared>>) offsets(%arg16 : memref<80xi32, #tpu.memory_space<vmem>>) semaphore(%arg37 : memref<!tpu.dma_semaphore, #tpu.memory_space<semaphore_mem>>) {add = true}
      %dma_start3A_293 = arith.constant 0 : i32
      %dma_start3A_294 = tpu.memref_slice %arg43[%dma_start3A_293] : memref<10240xf32, #tpu.memory_space<vmem_shared>> -> memref<10240xf32, #tpu.memory_space<vmem_shared>>
      tpu.enqueue_indirect_dma source(%arg42 : memref<80xf32, #tpu.memory_space<vmem>>) target(%dma_start3A_294 : memref<10240xf32, #tpu.memory_space<vmem_shared>>) offsets(%arg16 : memref<80xi32, #tpu.memory_space<vmem>>) semaphore(%arg41 : memref<!tpu.dma_semaphore, #tpu.memory_space<semaphore_mem>>) {add = true}
      %add3A_295 = arith.constant 4 : i32
      %add3A_296 = arith.addi %add3A_268, %add3A_295 : i32
      %min3A_297 = arith.constant 124 : i32
      %min3A_298 = arith.minsi %add3A_296, %min3A_297 : i32
      %mul3A_299 = arith.constant 80 : i32
      %mul3A_300 = arith.muli %min3A_298, %mul3A_299 : i32
      %add3A_301 = arith.addi %mul3A_4, %mul3A_300 : i32
      %multiple_of3A_302 = tpu.assume_multiple %add3A_301, 8 : i32
      %add3A_303 = arith.constant 0 : i32
      %add3A_304 = arith.addi %add3A_303, %multiple_of3A_302 : i32
      %dma_start3A_305 = tpu.memref_slice %arg3[%add3A_304] : memref<640000xi32, #tpu.memory_space<hbm>> -> memref<80xi32, #tpu.memory_space<hbm>>
      %dma_start3A_306 = tpu.memref_slice %arg3[%add3A_304] : memref<640000xi32, #tpu.memory_space<hbm>> -> memref<80xi32, #tpu.memory_space<hbm>>
      tpu.enqueue_dma source(%dma_start3A_306 : memref<80xi32, #tpu.memory_space<hbm>>) target(%arg12 : memref<80xi32, #tpu.memory_space<vmem>>) target_semaphore(%arg29 : memref<!tpu.dma_semaphore, #tpu.memory_space<semaphore_mem>>)
      %add3A_307 = arith.constant 3 : i32
      %add3A_308 = arith.addi %add3A_268, %add3A_307 : i32
      %min3A_309 = arith.constant 124 : i32
      %min3A_310 = arith.minsi %add3A_308, %min3A_309 : i32
      %mul3A_311 = arith.constant 80 : i32
      %mul3A_312 = arith.muli %min3A_310, %mul3A_311 : i32
      %add3A_313 = arith.addi %mul3A_4, %mul3A_312 : i32
      %multiple_of3A_314 = tpu.assume_multiple %add3A_313, 8 : i32
      %add3A_315 = arith.constant 320000 : i32
      %add3A_316 = arith.addi %add3A_315, %multiple_of3A_314 : i32
      %dma_start3A_317 = tpu.memref_slice %arg3[%add3A_316] : memref<640000xi32, #tpu.memory_space<hbm>> -> memref<80xi32, #tpu.memory_space<hbm>>
      %dma_start3A_318 = tpu.memref_slice %arg3[%add3A_316] : memref<640000xi32, #tpu.memory_space<hbm>> -> memref<80xi32, #tpu.memory_space<hbm>>
      tpu.enqueue_dma source(%dma_start3A_318 : memref<80xi32, #tpu.memory_space<hbm>>) target(%arg15 : memref<80xi32, #tpu.memory_space<vmem>>) target_semaphore(%arg32 : memref<!tpu.dma_semaphore, #tpu.memory_space<semaphore_mem>>)
      %mul3A_319 = arith.constant 4 : i32
      %mul3A_320 = arith.muli %mul3A_319, %scan3A_156 : i32
      %add3A_321 = arith.constant 4 : i32
      %add3A_322 = arith.addi %mul3A_320, %add3A_321 : i32
      %add3A_323 = arith.constant 0 : i32
      %add3A_324 = arith.addi %mul3A_4, %add3A_323 : i32
      %multiple_of3A_325 = tpu.assume_multiple %add3A_324, 8 : i32
      %dma_wait3A_326 = tpu.memref_slice %arg3[%multiple_of3A_325] : memref<640000xi32, #tpu.memory_space<hbm>> -> memref<80xi32, #tpu.memory_space<hbm>>
      %dma_wait3A_327 = tpu.memref_slice %arg3[%multiple_of3A_325] : memref<640000xi32, #tpu.memory_space<hbm>> -> memref<80xi32, #tpu.memory_space<hbm>>
      tpu.wait_dma2 semaphore(%arg28 : memref<!tpu.dma_semaphore, #tpu.memory_space<semaphore_mem>>) src(%dma_wait3A_327 : memref<80xi32, #tpu.memory_space<hbm>>) dst(%arg11 : memref<80xi32, #tpu.memory_space<vmem>>)
      %dma_start3A_328 = arith.constant 0 : i32
      %dma_start3A_329 = arith.constant 0 : i32
      %dma_start3A_330 = tpu.memref_slice %arg2[%dma_start3A_328, %dma_start3A_329] : memref<10000x128xf32, #tpu.memory_space<hbm>> -> memref<10000x128xf32, #tpu.memory_space<hbm>>
      tpu.enqueue_indirect_dma source(%dma_start3A_330 : memref<10000x128xf32, #tpu.memory_space<hbm>>) target(%arg19 : memref<80x128xf32, #tpu.memory_space<vmem>>) offsets(%arg11 : memref<80xi32, #tpu.memory_space<vmem>>) semaphore(%arg24 : memref<!tpu.dma_semaphore, #tpu.memory_space<semaphore_mem>>)
      %dma_wait3A_331 = arith.constant 0 : i32
      %dma_wait3A_332 = arith.constant 0 : i32
      %dma_wait3A_333 = tpu.memref_slice %arg2[%dma_wait3A_331, %dma_wait3A_332] : memref<10000x128xf32, #tpu.memory_space<hbm>> -> memref<10000x128xf32, #tpu.memory_space<hbm>>
      tpu.wait_indirect_dma semaphore(%arg22 : memref<!tpu.dma_semaphore, #tpu.memory_space<semaphore_mem>>) src(%dma_wait3A_333 : memref<10000x128xf32, #tpu.memory_space<hbm>>) dst(%arg17 : memref<80x128xf32, #tpu.memory_space<vmem>>)
      %dma_wait3A_334 = arith.constant 0 : i32
      %dma_wait3A_335 = arith.constant 0 : i32
      %dma_wait3A_336 = tpu.memref_slice %arg21[%dma_wait3A_334, %dma_wait3A_335] : memref<10240x128xf32, #tpu.memory_space<vmem_shared>> -> memref<10240x128xf32, #tpu.memory_space<vmem_shared>>
      tpu.wait_indirect_dma semaphore(%arg37 : memref<!tpu.dma_semaphore, #tpu.memory_space<semaphore_mem>>) src(%arg20 : memref<80x128xf32, #tpu.memory_space<vmem>>) dst(%dma_wait3A_336 : memref<10240x128xf32, #tpu.memory_space<vmem_shared>>)
      %dma_wait3A_337 = arith.constant 0 : i32
      %dma_wait3A_338 = tpu.memref_slice %arg43[%dma_wait3A_337] : memref<10240xf32, #tpu.memory_space<vmem_shared>> -> memref<10240xf32, #tpu.memory_space<vmem_shared>>
      tpu.wait_indirect_dma semaphore(%arg41 : memref<!tpu.dma_semaphore, #tpu.memory_space<semaphore_mem>>) src(%arg42 : memref<80xf32, #tpu.memory_space<vmem>>) dst(%dma_wait3A_338 : memref<10240xf32, #tpu.memory_space<vmem_shared>>)
      %add3A_339 = arith.constant 0 : i32
      %add3A_340 = arith.addi %mul3A_4, %add3A_339 : i32
      %multiple_of3A_341 = tpu.assume_multiple %add3A_340, 8 : i32
      %dma_wait3A_342 = tpu.memref_slice %arg3[%multiple_of3A_341] : memref<640000xi32, #tpu.memory_space<hbm>> -> memref<80xi32, #tpu.memory_space<hbm>>
      %dma_wait3A_343 = tpu.memref_slice %arg3[%multiple_of3A_341] : memref<640000xi32, #tpu.memory_space<hbm>> -> memref<80xi32, #tpu.memory_space<hbm>>
      tpu.wait_dma2 semaphore(%arg30 : memref<!tpu.dma_semaphore, #tpu.memory_space<semaphore_mem>>) src(%dma_wait3A_343 : memref<80xi32, #tpu.memory_space<hbm>>) dst(%arg13 : memref<80xi32, #tpu.memory_space<vmem>>)
      %dma_start3A_344 = arith.constant 0 : i32
      %dma_start3A_345 = arith.constant 0 : i32
      %dma_start3A_346 = tpu.memref_slice %arg21[%dma_start3A_344, %dma_start3A_345] : memref<10240x128xf32, #tpu.memory_space<vmem_shared>> -> memref<10240x128xf32, #tpu.memory_space<vmem_shared>>
      tpu.enqueue_indirect_dma source(%arg17 : memref<80x128xf32, #tpu.memory_space<vmem>>) target(%dma_start3A_346 : memref<10240x128xf32, #tpu.memory_space<vmem_shared>>) offsets(%arg13 : memref<80xi32, #tpu.memory_space<vmem>>) semaphore(%arg34 : memref<!tpu.dma_semaphore, #tpu.memory_space<semaphore_mem>>) {add = true}
      %dma_start3A_347 = arith.constant 0 : i32
      %dma_start3A_348 = tpu.memref_slice %arg43[%dma_start3A_347] : memref<10240xf32, #tpu.memory_space<vmem_shared>> -> memref<10240xf32, #tpu.memory_space<vmem_shared>>
      tpu.enqueue_indirect_dma source(%arg42 : memref<80xf32, #tpu.memory_space<vmem>>) target(%dma_start3A_348 : memref<10240xf32, #tpu.memory_space<vmem_shared>>) offsets(%arg13 : memref<80xi32, #tpu.memory_space<vmem>>) semaphore(%arg38 : memref<!tpu.dma_semaphore, #tpu.memory_space<semaphore_mem>>) {add = true}
      %add3A_349 = arith.constant 4 : i32
      %add3A_350 = arith.addi %add3A_322, %add3A_349 : i32
      %min3A_351 = arith.constant 124 : i32
      %min3A_352 = arith.minsi %add3A_350, %min3A_351 : i32
      %mul3A_353 = arith.constant 80 : i32
      %mul3A_354 = arith.muli %min3A_352, %mul3A_353 : i32
      %add3A_355 = arith.addi %mul3A_4, %mul3A_354 : i32
      %multiple_of3A_356 = tpu.assume_multiple %add3A_355, 8 : i32
      %add3A_357 = arith.constant 0 : i32
      %add3A_358 = arith.addi %add3A_357, %multiple_of3A_356 : i32
      %dma_start3A_359 = tpu.memref_slice %arg3[%add3A_358] : memref<640000xi32, #tpu.memory_space<hbm>> -> memref<80xi32, #tpu.memory_space<hbm>>
      %dma_start3A_360 = tpu.memref_slice %arg3[%add3A_358] : memref<640000xi32, #tpu.memory_space<hbm>> -> memref<80xi32, #tpu.memory_space<hbm>>
      tpu.enqueue_dma source(%dma_start3A_360 : memref<80xi32, #tpu.memory_space<hbm>>) target(%arg9 : memref<80xi32, #tpu.memory_space<vmem>>) target_semaphore(%arg26 : memref<!tpu.dma_semaphore, #tpu.memory_space<semaphore_mem>>)
      %add3A_361 = arith.constant 3 : i32
      %add3A_362 = arith.addi %add3A_322, %add3A_361 : i32
      %min3A_363 = arith.constant 124 : i32
      %min3A_364 = arith.minsi %add3A_362, %min3A_363 : i32
      %mul3A_365 = arith.constant 80 : i32
      %mul3A_366 = arith.muli %min3A_364, %mul3A_365 : i32
      %add3A_367 = arith.addi %mul3A_4, %mul3A_366 : i32
      %multiple_of3A_368 = tpu.assume_multiple %add3A_367, 8 : i32
      %add3A_369 = arith.constant 320000 : i32
      %add3A_370 = arith.addi %add3A_369, %multiple_of3A_368 : i32
      %dma_start3A_371 = tpu.memref_slice %arg3[%add3A_370] : memref<640000xi32, #tpu.memory_space<hbm>> -> memref<80xi32, #tpu.memory_space<hbm>>
      %dma_start3A_372 = tpu.memref_slice %arg3[%add3A_370] : memref<640000xi32, #tpu.memory_space<hbm>> -> memref<80xi32, #tpu.memory_space<hbm>>
      tpu.enqueue_dma source(%dma_start3A_372 : memref<80xi32, #tpu.memory_space<hbm>>) target(%arg16 : memref<80xi32, #tpu.memory_space<vmem>>) target_semaphore(%arg33 : memref<!tpu.dma_semaphore, #tpu.memory_space<semaphore_mem>>)
    }
    %scan3A_114 = arith.constant 31 : i32
    %dma_wait3A_115 = arith.constant 0 : i32
    %dma_wait3A_116 = arith.constant 0 : i32
    %dma_wait3A_117 = tpu.memref_slice %arg21[%dma_wait3A_115, %dma_wait3A_116] : memref<10240x128xf32, #tpu.memory_space<vmem_shared>> -> memref<10240x128xf32, #tpu.memory_space<vmem_shared>>
    tpu.wait_indirect_dma semaphore(%arg34 : memref<!tpu.dma_semaphore, #tpu.memory_space<semaphore_mem>>) src(%arg17 : memref<80x128xf32, #tpu.memory_space<vmem>>) dst(%dma_wait3A_117 : memref<10240x128xf32, #tpu.memory_space<vmem_shared>>)
    %dma_wait3A_118 = arith.constant 0 : i32
    %dma_wait3A_119 = tpu.memref_slice %arg43[%dma_wait3A_118] : memref<10240xf32, #tpu.memory_space<vmem_shared>> -> memref<10240xf32, #tpu.memory_space<vmem_shared>>
    tpu.wait_indirect_dma semaphore(%arg38 : memref<!tpu.dma_semaphore, #tpu.memory_space<semaphore_mem>>) src(%arg42 : memref<80xf32, #tpu.memory_space<vmem>>) dst(%dma_wait3A_119 : memref<10240xf32, #tpu.memory_space<vmem_shared>>)
    %dma_wait3A_120 = arith.constant 0 : i32
    %dma_wait3A_121 = arith.constant 0 : i32
    %dma_wait3A_122 = tpu.memref_slice %arg2[%dma_wait3A_120, %dma_wait3A_121] : memref<10000x128xf32, #tpu.memory_space<hbm>> -> memref<10000x128xf32, #tpu.memory_space<hbm>>
    tpu.wait_indirect_dma semaphore(%arg23 : memref<!tpu.dma_semaphore, #tpu.memory_space<semaphore_mem>>) src(%dma_wait3A_122 : memref<10000x128xf32, #tpu.memory_space<hbm>>) dst(%arg18 : memref<80x128xf32, #tpu.memory_space<vmem>>)
    %dma_wait3A_123 = arith.constant 0 : i32
    %dma_wait3A_124 = arith.constant 0 : i32
    %dma_wait3A_125 = tpu.memref_slice %arg2[%dma_wait3A_123, %dma_wait3A_124] : memref<10000x128xf32, #tpu.memory_space<hbm>> -> memref<10000x128xf32, #tpu.memory_space<hbm>>
    tpu.wait_indirect_dma semaphore(%arg24 : memref<!tpu.dma_semaphore, #tpu.memory_space<semaphore_mem>>) src(%dma_wait3A_125 : memref<10000x128xf32, #tpu.memory_space<hbm>>) dst(%arg19 : memref<80x128xf32, #tpu.memory_space<vmem>>)
    %add3A_126 = arith.constant 0 : i32
    %add3A_127 = arith.addi %mul3A_4, %add3A_126 : i32
    %multiple_of3A_128 = tpu.assume_multiple %add3A_127, 8 : i32
    %dma_wait3A_129 = tpu.memref_slice %arg3[%multiple_of3A_128] : memref<640000xi32, #tpu.memory_space<hbm>> -> memref<80xi32, #tpu.memory_space<hbm>>
    %dma_wait3A_130 = tpu.memref_slice %arg3[%multiple_of3A_128] : memref<640000xi32, #tpu.memory_space<hbm>> -> memref<80xi32, #tpu.memory_space<hbm>>
    tpu.wait_dma2 semaphore(%arg29 : memref<!tpu.dma_semaphore, #tpu.memory_space<semaphore_mem>>) src(%dma_wait3A_130 : memref<80xi32, #tpu.memory_space<hbm>>) dst(%arg12 : memref<80xi32, #tpu.memory_space<vmem>>)
    %add3A_131 = arith.constant 0 : i32
    %add3A_132 = arith.addi %mul3A_4, %add3A_131 : i32
    %multiple_of3A_133 = tpu.assume_multiple %add3A_132, 8 : i32
    %dma_wait3A_134 = tpu.memref_slice %arg3[%multiple_of3A_133] : memref<640000xi32, #tpu.memory_space<hbm>> -> memref<80xi32, #tpu.memory_space<hbm>>
    %dma_wait3A_135 = tpu.memref_slice %arg3[%multiple_of3A_133] : memref<640000xi32, #tpu.memory_space<hbm>> -> memref<80xi32, #tpu.memory_space<hbm>>
    tpu.wait_dma2 semaphore(%arg26 : memref<!tpu.dma_semaphore, #tpu.memory_space<semaphore_mem>>) src(%dma_wait3A_135 : memref<80xi32, #tpu.memory_space<hbm>>) dst(%arg9 : memref<80xi32, #tpu.memory_space<vmem>>)
    %add3A_136 = arith.constant 0 : i32
    %add3A_137 = arith.addi %mul3A_4, %add3A_136 : i32
    %multiple_of3A_138 = tpu.assume_multiple %add3A_137, 8 : i32
    %dma_wait3A_139 = tpu.memref_slice %arg3[%multiple_of3A_138] : memref<640000xi32, #tpu.memory_space<hbm>> -> memref<80xi32, #tpu.memory_space<hbm>>
    %dma_wait3A_140 = tpu.memref_slice %arg3[%multiple_of3A_138] : memref<640000xi32, #tpu.memory_space<hbm>> -> memref<80xi32, #tpu.memory_space<hbm>>
    tpu.wait_dma2 semaphore(%arg31 : memref<!tpu.dma_semaphore, #tpu.memory_space<semaphore_mem>>) src(%dma_wait3A_140 : memref<80xi32, #tpu.memory_space<hbm>>) dst(%arg14 : memref<80xi32, #tpu.memory_space<vmem>>)
    %add3A_141 = arith.constant 0 : i32
    %add3A_142 = arith.addi %mul3A_4, %add3A_141 : i32
    %multiple_of3A_143 = tpu.assume_multiple %add3A_142, 8 : i32
    %dma_wait3A_144 = tpu.memref_slice %arg3[%multiple_of3A_143] : memref<640000xi32, #tpu.memory_space<hbm>> -> memref<80xi32, #tpu.memory_space<hbm>>
    %dma_wait3A_145 = tpu.memref_slice %arg3[%multiple_of3A_143] : memref<640000xi32, #tpu.memory_space<hbm>> -> memref<80xi32, #tpu.memory_space<hbm>>
    tpu.wait_dma2 semaphore(%arg32 : memref<!tpu.dma_semaphore, #tpu.memory_space<semaphore_mem>>) src(%dma_wait3A_145 : memref<80xi32, #tpu.memory_space<hbm>>) dst(%arg15 : memref<80xi32, #tpu.memory_space<vmem>>)
    %add3A_146 = arith.constant 0 : i32
    %add3A_147 = arith.addi %mul3A_4, %add3A_146 : i32
    %multiple_of3A_148 = tpu.assume_multiple %add3A_147, 8 : i32
    %dma_wait3A_149 = tpu.memref_slice %arg3[%multiple_of3A_148] : memref<640000xi32, #tpu.memory_space<hbm>> -> memref<80xi32, #tpu.memory_space<hbm>>
    %dma_wait3A_150 = tpu.memref_slice %arg3[%multiple_of3A_148] : memref<640000xi32, #tpu.memory_space<hbm>> -> memref<80xi32, #tpu.memory_space<hbm>>
    tpu.wait_dma2 semaphore(%arg33 : memref<!tpu.dma_semaphore, #tpu.memory_space<semaphore_mem>>) src(%dma_wait3A_150 : memref<80xi32, #tpu.memory_space<hbm>>) dst(%arg16 : memref<80xi32, #tpu.memory_space<vmem>>)
    %barrier3A_151 = arith.constant 0 : index
    tpu.barrier barrier_id(%barrier3A_151)
    "tpu.region"() ({
      %run_scoped3A = tpu.sem_alloc : memref<!tpu.dma_semaphore, #tpu.memory_space<semaphore_mem>>
      %dma_start3A_156 = arith.constant 0 : i32
      %dma_start3A_157 = tpu.memref_slice %arg7[%arg0, %multiple_of3A, %dma_start3A_156] : memref<2x10240x128xf32, #tpu.memory_space<hbm>> -> memref<1x640x128xf32, #tpu.memory_space<hbm>>
      %dma_start3A_158 = tpu.memref_squeeze %dma_start3A_157 : memref<1x640x128xf32, #tpu.memory_space<hbm>> -> memref<640x128xf32, #tpu.memory_space<hbm>>
      %dma_start3A_159 = arith.constant 0 : i32
      %dma_start3A_160 = tpu.memref_slice %arg21[%multiple_of3A, %dma_start3A_159] : memref<10240x128xf32, #tpu.memory_space<vmem_shared>> -> memref<640x128xf32, #tpu.memory_space<vmem_shared>>
      tpu.enqueue_dma source(%dma_start3A_160 : memref<640x128xf32, #tpu.memory_space<vmem_shared>>) target(%dma_start3A_158 : memref<640x128xf32, #tpu.memory_space<hbm>>) target_semaphore(%run_scoped3A : memref<!tpu.dma_semaphore, #tpu.memory_space<semaphore_mem>>)
      %dma_wait3A_161 = arith.constant 0 : i32
      %dma_wait3A_162 = tpu.memref_slice %arg7[%arg0, %multiple_of3A, %dma_wait3A_161] : memref<2x10240x128xf32, #tpu.memory_space<hbm>> -> memref<1x640x128xf32, #tpu.memory_space<hbm>>
      %dma_wait3A_163 = tpu.memref_squeeze %dma_wait3A_162 : memref<1x640x128xf32, #tpu.memory_space<hbm>> -> memref<640x128xf32, #tpu.memory_space<hbm>>
      %dma_wait3A_164 = arith.constant 0 : i32
      %dma_wait3A_165 = tpu.memref_slice %arg21[%multiple_of3A, %dma_wait3A_164] : memref<10240x128xf32, #tpu.memory_space<vmem_shared>> -> memref<640x128xf32, #tpu.memory_space<vmem_shared>>
      tpu.wait_dma2 semaphore(%run_scoped3A : memref<!tpu.dma_semaphore, #tpu.memory_space<semaphore_mem>>) src(%dma_wait3A_165 : memref<640x128xf32, #tpu.memory_space<vmem_shared>>) dst(%dma_wait3A_163 : memref<640x128xf32, #tpu.memory_space<hbm>>)
      tpu.yield
    }) : () -> ()
    %mul3A_152 = arith.constant 10240 : i32
    %mul3A_153 = arith.muli %arg0, %mul3A_152 : i32
    %add3A_154 = arith.addi %mul3A_153, %multiple_of3A : i32
    %multiple_of3A_155 = tpu.assume_multiple %add3A_154, 8 : i32
    "tpu.region"() ({
      %run_scoped3A = tpu.sem_alloc : memref<!tpu.dma_semaphore, #tpu.memory_space<semaphore_mem>>
      %dma_start3A_156 = tpu.memref_slice %arg8[%multiple_of3A_155] : memref<20480xf32, #tpu.memory_space<hbm>> -> memref<640xf32, #tpu.memory_space<hbm>>
      %dma_start3A_157 = tpu.memref_slice %arg43[%multiple_of3A] : memref<10240xf32, #tpu.memory_space<vmem_shared>> -> memref<640xf32, #tpu.memory_space<vmem_shared>>
      tpu.enqueue_dma source(%dma_start3A_157 : memref<640xf32, #tpu.memory_space<vmem_shared>>) target(%dma_start3A_156 : memref<640xf32, #tpu.memory_space<hbm>>) target_semaphore(%run_scoped3A : memref<!tpu.dma_semaphore, #tpu.memory_space<semaphore_mem>>)
      %dma_wait3A_158 = tpu.memref_slice %arg8[%multiple_of3A_155] : memref<20480xf32, #tpu.memory_space<hbm>> -> memref<640xf32, #tpu.memory_space<hbm>>
      %dma_wait3A_159 = tpu.memref_slice %arg43[%multiple_of3A] : memref<10240xf32, #tpu.memory_space<vmem_shared>> -> memref<640xf32, #tpu.memory_space<vmem_shared>>
      tpu.wait_dma2 semaphore(%run_scoped3A : memref<!tpu.dma_semaphore, #tpu.memory_space<semaphore_mem>>) src(%dma_wait3A_159 : memref<640xf32, #tpu.memory_space<vmem_shared>>) dst(%dma_wait3A_158 : memref<640xf32, #tpu.memory_space<hbm>>)
      tpu.yield
    }) : () -> ()
    return
  }
}

#map = affine_map<(d0, d1) -> (0, 0)>
#map1 = affine_map<(d0, d1) -> (0)>
#map2 = affine_map<(d0, d1) -> (0, 0, 0)>
module attributes {stable_mosaic.version = 14 : i64} {
  func.func @body(%arg0: i32, %arg1: i32, %arg2: memref<10000x128xf32, #tpu.memory_space<hbm>>, %arg3: memref<640000xi32, #tpu.memory_space<hbm>>, %arg4: memref<640x128xf32, #tpu.memory_space<hbm>>, %arg5: memref<2x10240x128xf32, #tpu.memory_space<hbm>>, %arg6: memref<80xi32, #tpu.memory_space<vmem>>, %arg7: memref<80xi32, #tpu.memory_space<vmem>>, %arg8: memref<80xi32, #tpu.memory_space<vmem>>, %arg9: memref<80xi32, #tpu.memory_space<vmem>>, %arg10: memref<80xi32, #tpu.memory_space<vmem>>, %arg11: memref<80xi32, #tpu.memory_space<vmem>>, %arg12: memref<80xi32, #tpu.memory_space<vmem>>, %arg13: memref<80xi32, #tpu.memory_space<vmem>>, %arg14: memref<80x128xf32, #tpu.memory_space<vmem>>, %arg15: memref<80x128xf32, #tpu.memory_space<vmem>>, %arg16: memref<80x128xf32, #tpu.memory_space<vmem>>, %arg17: memref<80x128xf32, #tpu.memory_space<vmem>>, %arg18: memref<10240x128xf32, #tpu.memory_space<vmem_shared>>, %arg19: memref<!tpu.dma_semaphore, #tpu.memory_space<semaphore_mem>>, %arg20: memref<!tpu.dma_semaphore, #tpu.memory_space<semaphore_mem>>, %arg21: memref<!tpu.dma_semaphore, #tpu.memory_space<semaphore_mem>>, %arg22: memref<!tpu.dma_semaphore, #tpu.memory_space<semaphore_mem>>, %arg23: memref<!tpu.dma_semaphore, #tpu.memory_space<semaphore_mem>>, %arg24: memref<!tpu.dma_semaphore, #tpu.memory_space<semaphore_mem>>, %arg25: memref<!tpu.dma_semaphore, #tpu.memory_space<semaphore_mem>>, %arg26: memref<!tpu.dma_semaphore, #tpu.memory_space<semaphore_mem>>, %arg27: memref<!tpu.dma_semaphore, #tpu.memory_space<semaphore_mem>>, %arg28: memref<!tpu.dma_semaphore, #tpu.memory_space<semaphore_mem>>, %arg29: memref<!tpu.dma_semaphore, #tpu.memory_space<semaphore_mem>>, %arg30: memref<!tpu.dma_semaphore, #tpu.memory_space<semaphore_mem>>, %arg31: memref<!tpu.dma_semaphore, #tpu.memory_space<semaphore_mem>>, %arg32: memref<!tpu.dma_semaphore, #tpu.memory_space<semaphore_mem>>, %arg33: memref<!tpu.dma_semaphore, #tpu.memory_space<semaphore_mem>>, %arg34: memref<!tpu.dma_semaphore, #tpu.memory_space<semaphore_mem>>, %arg35: memref<!tpu.dma_semaphore, #tpu.memory_space<semaphore_mem>>, %arg36: memref<!tpu.dma_semaphore, #tpu.memory_space<semaphore_mem>>, %arg37: memref<!tpu.dma_semaphore, #tpu.memory_space<semaphore_mem>>, %arg38: memref<!tpu.dma_semaphore, #tpu.memory_space<semaphore_mem>>) attributes {dimension_semantics = [#tpu.dimension_semantics<core_parallel>, #tpu.dimension_semantics<subcore_parallel>], iteration_bounds = array<i64: 2, 16>, scalar_prefetch = 0 : i64, scratch_operands = 33 : i64, tpu.core_type = #tpu.core_type<sc_vector_subcore>, window_params = [{transform_indices = #map}, {transform_indices = #map1}, {transform_indices = #map}, {transform_indices = #map2}]} {
    %mul3A = arith.constant 16 : i32
    %mul3A_0 = arith.muli %arg0, %mul3A : i32
    %add3A = arith.addi %mul3A_0, %arg1 : i32
    %mul3A_1 = arith.constant 640 : i32
    %mul3A_2 = arith.muli %arg1, %mul3A_1 : i32
    %multiple_of3A = tpu.assume_multiple %mul3A_2, 8 : i32
    %mul3A_3 = arith.constant 10000 : i32
    %mul3A_4 = arith.muli %add3A, %mul3A_3 : i32
    %add3A_5 = arith.constant 0 : i32
    %add3A_6 = arith.addi %mul3A_4, %add3A_5 : i32
    %multiple_of3A_7 = tpu.assume_multiple %add3A_6, 8 : i32
    %add3A_8 = arith.constant 0 : i32
    %add3A_9 = arith.addi %add3A_8, %multiple_of3A_7 : i32
    %dma_start3A = tpu.memref_slice %arg3[%add3A_9] : memref<640000xi32, #tpu.memory_space<hbm>> -> memref<80xi32, #tpu.memory_space<hbm>>
    %dma_start3A_10 = tpu.memref_slice %arg3[%add3A_9] : memref<640000xi32, #tpu.memory_space<hbm>> -> memref<80xi32, #tpu.memory_space<hbm>>
    tpu.enqueue_dma source(%dma_start3A_10 : memref<80xi32, #tpu.memory_space<hbm>>) target(%arg6 : memref<80xi32, #tpu.memory_space<vmem>>) target_semaphore(%arg23 : memref<!tpu.dma_semaphore, #tpu.memory_space<semaphore_mem>>)
    "tpu.region"() ({
      %run_scoped3A = tpu.sem_alloc : memref<!tpu.dma_semaphore, #tpu.memory_space<semaphore_mem>>
      %dma_start3A_148 = arith.constant 0 : i32
      %dma_start3A_149 = tpu.memref_slice %arg18[%multiple_of3A, %dma_start3A_148] : memref<10240x128xf32, #tpu.memory_space<vmem_shared>> -> memref<640x128xf32, #tpu.memory_space<vmem_shared>>
      tpu.enqueue_dma source(%arg4 : memref<640x128xf32, #tpu.memory_space<hbm>>) target(%dma_start3A_149 : memref<640x128xf32, #tpu.memory_space<vmem_shared>>) target_semaphore(%run_scoped3A : memref<!tpu.dma_semaphore, #tpu.memory_space<semaphore_mem>>)
      %dma_wait3A_150 = arith.constant 0 : i32
      %dma_wait3A_151 = tpu.memref_slice %arg18[%multiple_of3A, %dma_wait3A_150] : memref<10240x128xf32, #tpu.memory_space<vmem_shared>> -> memref<640x128xf32, #tpu.memory_space<vmem_shared>>
      tpu.wait_dma2 semaphore(%run_scoped3A : memref<!tpu.dma_semaphore, #tpu.memory_space<semaphore_mem>>) src(%arg4 : memref<640x128xf32, #tpu.memory_space<hbm>>) dst(%dma_wait3A_151 : memref<640x128xf32, #tpu.memory_space<vmem_shared>>)
      tpu.yield
    }) : () -> ()
    %add3A_11 = arith.constant 0 : i32
    %add3A_12 = arith.addi %mul3A_4, %add3A_11 : i32
    %multiple_of3A_13 = tpu.assume_multiple %add3A_12, 8 : i32
    %dma_wait3A = tpu.memref_slice %arg3[%multiple_of3A_13] : memref<640000xi32, #tpu.memory_space<hbm>> -> memref<80xi32, #tpu.memory_space<hbm>>
    %dma_wait3A_14 = tpu.memref_slice %arg3[%multiple_of3A_13] : memref<640000xi32, #tpu.memory_space<hbm>> -> memref<80xi32, #tpu.memory_space<hbm>>
    tpu.wait_dma2 semaphore(%arg23 : memref<!tpu.dma_semaphore, #tpu.memory_space<semaphore_mem>>) src(%dma_wait3A_14 : memref<80xi32, #tpu.memory_space<hbm>>) dst(%arg6 : memref<80xi32, #tpu.memory_space<vmem>>)
    %dma_start3A_15 = arith.constant 0 : i32
    %dma_start3A_16 = arith.constant 0 : i32
    %dma_start3A_17 = tpu.memref_slice %arg2[%dma_start3A_15, %dma_start3A_16] : memref<10000x128xf32, #tpu.memory_space<hbm>> -> memref<10000x128xf32, #tpu.memory_space<hbm>>
    tpu.enqueue_indirect_dma source(%dma_start3A_17 : memref<10000x128xf32, #tpu.memory_space<hbm>>) target(%arg14 : memref<80x128xf32, #tpu.memory_space<vmem>>) offsets(%arg6 : memref<80xi32, #tpu.memory_space<vmem>>) semaphore(%arg19 : memref<!tpu.dma_semaphore, #tpu.memory_space<semaphore_mem>>)
    %add3A_18 = arith.constant 80 : i32
    %add3A_19 = arith.addi %mul3A_4, %add3A_18 : i32
    %multiple_of3A_20 = tpu.assume_multiple %add3A_19, 8 : i32
    %add3A_21 = arith.constant 0 : i32
    %add3A_22 = arith.addi %add3A_21, %multiple_of3A_20 : i32
    %dma_start3A_23 = tpu.memref_slice %arg3[%add3A_22] : memref<640000xi32, #tpu.memory_space<hbm>> -> memref<80xi32, #tpu.memory_space<hbm>>
    %dma_start3A_24 = tpu.memref_slice %arg3[%add3A_22] : memref<640000xi32, #tpu.memory_space<hbm>> -> memref<80xi32, #tpu.memory_space<hbm>>
    tpu.enqueue_dma source(%dma_start3A_24 : memref<80xi32, #tpu.memory_space<hbm>>) target(%arg7 : memref<80xi32, #tpu.memory_space<vmem>>) target_semaphore(%arg24 : memref<!tpu.dma_semaphore, #tpu.memory_space<semaphore_mem>>)
    %add3A_25 = arith.constant 0 : i32
    %add3A_26 = arith.addi %mul3A_4, %add3A_25 : i32
    %multiple_of3A_27 = tpu.assume_multiple %add3A_26, 8 : i32
    %add3A_28 = arith.constant 320000 : i32
    %add3A_29 = arith.addi %add3A_28, %multiple_of3A_27 : i32
    %dma_start3A_30 = tpu.memref_slice %arg3[%add3A_29] : memref<640000xi32, #tpu.memory_space<hbm>> -> memref<80xi32, #tpu.memory_space<hbm>>
    %dma_start3A_31 = tpu.memref_slice %arg3[%add3A_29] : memref<640000xi32, #tpu.memory_space<hbm>> -> memref<80xi32, #tpu.memory_space<hbm>>
    tpu.enqueue_dma source(%dma_start3A_31 : memref<80xi32, #tpu.memory_space<hbm>>) target(%arg10 : memref<80xi32, #tpu.memory_space<vmem>>) target_semaphore(%arg27 : memref<!tpu.dma_semaphore, #tpu.memory_space<semaphore_mem>>)
    %add3A_32 = arith.constant 80 : i32
    %add3A_33 = arith.addi %mul3A_4, %add3A_32 : i32
    %multiple_of3A_34 = tpu.assume_multiple %add3A_33, 8 : i32
    %add3A_35 = arith.constant 320000 : i32
    %add3A_36 = arith.addi %add3A_35, %multiple_of3A_34 : i32
    %dma_start3A_37 = tpu.memref_slice %arg3[%add3A_36] : memref<640000xi32, #tpu.memory_space<hbm>> -> memref<80xi32, #tpu.memory_space<hbm>>
    %dma_start3A_38 = tpu.memref_slice %arg3[%add3A_36] : memref<640000xi32, #tpu.memory_space<hbm>> -> memref<80xi32, #tpu.memory_space<hbm>>
    tpu.enqueue_dma source(%dma_start3A_38 : memref<80xi32, #tpu.memory_space<hbm>>) target(%arg11 : memref<80xi32, #tpu.memory_space<vmem>>) target_semaphore(%arg28 : memref<!tpu.dma_semaphore, #tpu.memory_space<semaphore_mem>>)
    %add3A_39 = arith.constant 160 : i32
    %add3A_40 = arith.addi %mul3A_4, %add3A_39 : i32
    %multiple_of3A_41 = tpu.assume_multiple %add3A_40, 8 : i32
    %add3A_42 = arith.constant 320000 : i32
    %add3A_43 = arith.addi %add3A_42, %multiple_of3A_41 : i32
    %dma_start3A_44 = tpu.memref_slice %arg3[%add3A_43] : memref<640000xi32, #tpu.memory_space<hbm>> -> memref<80xi32, #tpu.memory_space<hbm>>
    %dma_start3A_45 = tpu.memref_slice %arg3[%add3A_43] : memref<640000xi32, #tpu.memory_space<hbm>> -> memref<80xi32, #tpu.memory_space<hbm>>
    tpu.enqueue_dma source(%dma_start3A_45 : memref<80xi32, #tpu.memory_space<hbm>>) target(%arg12 : memref<80xi32, #tpu.memory_space<vmem>>) target_semaphore(%arg29 : memref<!tpu.dma_semaphore, #tpu.memory_space<semaphore_mem>>)
    %add3A_46 = arith.constant 160 : i32
    %add3A_47 = arith.addi %mul3A_4, %add3A_46 : i32
    %multiple_of3A_48 = tpu.assume_multiple %add3A_47, 8 : i32
    %add3A_49 = arith.constant 0 : i32
    %add3A_50 = arith.addi %add3A_49, %multiple_of3A_48 : i32
    %dma_start3A_51 = tpu.memref_slice %arg3[%add3A_50] : memref<640000xi32, #tpu.memory_space<hbm>> -> memref<80xi32, #tpu.memory_space<hbm>>
    %dma_start3A_52 = tpu.memref_slice %arg3[%add3A_50] : memref<640000xi32, #tpu.memory_space<hbm>> -> memref<80xi32, #tpu.memory_space<hbm>>
    tpu.enqueue_dma source(%dma_start3A_52 : memref<80xi32, #tpu.memory_space<hbm>>) target(%arg8 : memref<80xi32, #tpu.memory_space<vmem>>) target_semaphore(%arg25 : memref<!tpu.dma_semaphore, #tpu.memory_space<semaphore_mem>>)
    %add3A_53 = arith.constant 240 : i32
    %add3A_54 = arith.addi %mul3A_4, %add3A_53 : i32
    %multiple_of3A_55 = tpu.assume_multiple %add3A_54, 8 : i32
    %add3A_56 = arith.constant 0 : i32
    %add3A_57 = arith.addi %add3A_56, %multiple_of3A_55 : i32
    %dma_start3A_58 = tpu.memref_slice %arg3[%add3A_57] : memref<640000xi32, #tpu.memory_space<hbm>> -> memref<80xi32, #tpu.memory_space<hbm>>
    %dma_start3A_59 = tpu.memref_slice %arg3[%add3A_57] : memref<640000xi32, #tpu.memory_space<hbm>> -> memref<80xi32, #tpu.memory_space<hbm>>
    tpu.enqueue_dma source(%dma_start3A_59 : memref<80xi32, #tpu.memory_space<hbm>>) target(%arg9 : memref<80xi32, #tpu.memory_space<vmem>>) target_semaphore(%arg26 : memref<!tpu.dma_semaphore, #tpu.memory_space<semaphore_mem>>)
    %add3A_60 = arith.constant 0 : i32
    %add3A_61 = arith.addi %mul3A_4, %add3A_60 : i32
    %multiple_of3A_62 = tpu.assume_multiple %add3A_61, 8 : i32
    %dma_wait3A_63 = tpu.memref_slice %arg3[%multiple_of3A_62] : memref<640000xi32, #tpu.memory_space<hbm>> -> memref<80xi32, #tpu.memory_space<hbm>>
    %dma_wait3A_64 = tpu.memref_slice %arg3[%multiple_of3A_62] : memref<640000xi32, #tpu.memory_space<hbm>> -> memref<80xi32, #tpu.memory_space<hbm>>
    tpu.wait_dma2 semaphore(%arg24 : memref<!tpu.dma_semaphore, #tpu.memory_space<semaphore_mem>>) src(%dma_wait3A_64 : memref<80xi32, #tpu.memory_space<hbm>>) dst(%arg7 : memref<80xi32, #tpu.memory_space<vmem>>)
    %dma_start3A_65 = arith.constant 0 : i32
    %dma_start3A_66 = arith.constant 0 : i32
    %dma_start3A_67 = tpu.memref_slice %arg2[%dma_start3A_65, %dma_start3A_66] : memref<10000x128xf32, #tpu.memory_space<hbm>> -> memref<10000x128xf32, #tpu.memory_space<hbm>>
    tpu.enqueue_indirect_dma source(%dma_start3A_67 : memref<10000x128xf32, #tpu.memory_space<hbm>>) target(%arg15 : memref<80x128xf32, #tpu.memory_space<vmem>>) offsets(%arg7 : memref<80xi32, #tpu.memory_space<vmem>>) semaphore(%arg20 : memref<!tpu.dma_semaphore, #tpu.memory_space<semaphore_mem>>)
    %barrier3A = arith.constant 0 : index
    tpu.barrier barrier_id(%barrier3A)
    %add3A_68 = arith.constant 0 : i32
    %add3A_69 = arith.addi %mul3A_4, %add3A_68 : i32
    %multiple_of3A_70 = tpu.assume_multiple %add3A_69, 8 : i32
    %dma_wait3A_71 = tpu.memref_slice %arg3[%multiple_of3A_70] : memref<640000xi32, #tpu.memory_space<hbm>> -> memref<80xi32, #tpu.memory_space<hbm>>
    %dma_wait3A_72 = tpu.memref_slice %arg3[%multiple_of3A_70] : memref<640000xi32, #tpu.memory_space<hbm>> -> memref<80xi32, #tpu.memory_space<hbm>>
    tpu.wait_dma2 semaphore(%arg25 : memref<!tpu.dma_semaphore, #tpu.memory_space<semaphore_mem>>) src(%dma_wait3A_72 : memref<80xi32, #tpu.memory_space<hbm>>) dst(%arg8 : memref<80xi32, #tpu.memory_space<vmem>>)
    %dma_start3A_73 = arith.constant 0 : i32
    %dma_start3A_74 = arith.constant 0 : i32
    %dma_start3A_75 = tpu.memref_slice %arg2[%dma_start3A_73, %dma_start3A_74] : memref<10000x128xf32, #tpu.memory_space<hbm>> -> memref<10000x128xf32, #tpu.memory_space<hbm>>
    tpu.enqueue_indirect_dma source(%dma_start3A_75 : memref<10000x128xf32, #tpu.memory_space<hbm>>) target(%arg16 : memref<80x128xf32, #tpu.memory_space<vmem>>) offsets(%arg8 : memref<80xi32, #tpu.memory_space<vmem>>) semaphore(%arg21 : memref<!tpu.dma_semaphore, #tpu.memory_space<semaphore_mem>>)
    %dma_wait3A_76 = arith.constant 0 : i32
    %dma_wait3A_77 = arith.constant 0 : i32
    %dma_wait3A_78 = tpu.memref_slice %arg2[%dma_wait3A_76, %dma_wait3A_77] : memref<10000x128xf32, #tpu.memory_space<hbm>> -> memref<10000x128xf32, #tpu.memory_space<hbm>>
    tpu.wait_indirect_dma semaphore(%arg19 : memref<!tpu.dma_semaphore, #tpu.memory_space<semaphore_mem>>) src(%dma_wait3A_78 : memref<10000x128xf32, #tpu.memory_space<hbm>>) dst(%arg14 : memref<80x128xf32, #tpu.memory_space<vmem>>)
    %add3A_79 = arith.constant 0 : i32
    %add3A_80 = arith.addi %mul3A_4, %add3A_79 : i32
    %multiple_of3A_81 = tpu.assume_multiple %add3A_80, 8 : i32
    %dma_wait3A_82 = tpu.memref_slice %arg3[%multiple_of3A_81] : memref<640000xi32, #tpu.memory_space<hbm>> -> memref<80xi32, #tpu.memory_space<hbm>>
    %dma_wait3A_83 = tpu.memref_slice %arg3[%multiple_of3A_81] : memref<640000xi32, #tpu.memory_space<hbm>> -> memref<80xi32, #tpu.memory_space<hbm>>
    tpu.wait_dma2 semaphore(%arg27 : memref<!tpu.dma_semaphore, #tpu.memory_space<semaphore_mem>>) src(%dma_wait3A_83 : memref<80xi32, #tpu.memory_space<hbm>>) dst(%arg10 : memref<80xi32, #tpu.memory_space<vmem>>)
    %dma_start3A_84 = arith.constant 0 : i32
    %dma_start3A_85 = arith.constant 0 : i32
    %dma_start3A_86 = tpu.memref_slice %arg18[%dma_start3A_84, %dma_start3A_85] : memref<10240x128xf32, #tpu.memory_space<vmem_shared>> -> memref<10240x128xf32, #tpu.memory_space<vmem_shared>>
    tpu.enqueue_indirect_dma source(%arg14 : memref<80x128xf32, #tpu.memory_space<vmem>>) target(%dma_start3A_86 : memref<10240x128xf32, #tpu.memory_space<vmem_shared>>) offsets(%arg10 : memref<80xi32, #tpu.memory_space<vmem>>) semaphore(%arg31 : memref<!tpu.dma_semaphore, #tpu.memory_space<semaphore_mem>>) {add = true}
    %min3A = arith.constant 4 : i32
    %min3A_87 = arith.constant 124 : i32
    %min3A_88 = arith.minsi %min3A, %min3A_87 : i32
    %mul3A_89 = arith.constant 80 : i32
    %mul3A_90 = arith.muli %min3A_88, %mul3A_89 : i32
    %add3A_91 = arith.addi %mul3A_4, %mul3A_90 : i32
    %multiple_of3A_92 = tpu.assume_multiple %add3A_91, 8 : i32
    %add3A_93 = arith.constant 0 : i32
    %add3A_94 = arith.addi %add3A_93, %multiple_of3A_92 : i32
    %dma_start3A_95 = tpu.memref_slice %arg3[%add3A_94] : memref<640000xi32, #tpu.memory_space<hbm>> -> memref<80xi32, #tpu.memory_space<hbm>>
    %dma_start3A_96 = tpu.memref_slice %arg3[%add3A_94] : memref<640000xi32, #tpu.memory_space<hbm>> -> memref<80xi32, #tpu.memory_space<hbm>>
    tpu.enqueue_dma source(%dma_start3A_96 : memref<80xi32, #tpu.memory_space<hbm>>) target(%arg6 : memref<80xi32, #tpu.memory_space<vmem>>) target_semaphore(%arg23 : memref<!tpu.dma_semaphore, #tpu.memory_space<semaphore_mem>>)
    %min3A_97 = arith.constant 3 : i32
    %min3A_98 = arith.constant 124 : i32
    %min3A_99 = arith.minsi %min3A_97, %min3A_98 : i32
    %mul3A_100 = arith.constant 80 : i32
    %mul3A_101 = arith.muli %min3A_99, %mul3A_100 : i32
    %add3A_102 = arith.addi %mul3A_4, %mul3A_101 : i32
    %multiple_of3A_103 = tpu.assume_multiple %add3A_102, 8 : i32
    %add3A_104 = arith.constant 320000 : i32
    %add3A_105 = arith.addi %add3A_104, %multiple_of3A_103 : i32
    %dma_start3A_106 = tpu.memref_slice %arg3[%add3A_105] : memref<640000xi32, #tpu.memory_space<hbm>> -> memref<80xi32, #tpu.memory_space<hbm>>
    %dma_start3A_107 = tpu.memref_slice %arg3[%add3A_105] : memref<640000xi32, #tpu.memory_space<hbm>> -> memref<80xi32, #tpu.memory_space<hbm>>
    tpu.enqueue_dma source(%dma_start3A_107 : memref<80xi32, #tpu.memory_space<hbm>>) target(%arg13 : memref<80xi32, #tpu.memory_space<vmem>>) target_semaphore(%arg30 : memref<!tpu.dma_semaphore, #tpu.memory_space<semaphore_mem>>)
    %scan3A = arith.constant 0 : i32
    %scan3A_108 = arith.constant 0 : i32
    %scan3A_109 = arith.constant 31 : i32
    %scan3A_110 = arith.addi %scan3A_108, %scan3A_109 : i32
    %scan3A_111 = arith.constant 1 : i32
    scf.for %scan3A_148 = %scan3A_108 to %scan3A_110 step %scan3A_111  : i32 {
      %mul3A_149 = arith.constant 4 : i32
      %mul3A_150 = arith.muli %mul3A_149, %scan3A_148 : i32
      %add3A_151 = arith.constant 1 : i32
      %add3A_152 = arith.addi %mul3A_150, %add3A_151 : i32
      %add3A_153 = arith.constant 0 : i32
      %add3A_154 = arith.addi %mul3A_4, %add3A_153 : i32
      %multiple_of3A_155 = tpu.assume_multiple %add3A_154, 8 : i32
      %dma_wait3A_156 = tpu.memref_slice %arg3[%multiple_of3A_155] : memref<640000xi32, #tpu.memory_space<hbm>> -> memref<80xi32, #tpu.memory_space<hbm>>
      %dma_wait3A_157 = tpu.memref_slice %arg3[%multiple_of3A_155] : memref<640000xi32, #tpu.memory_space<hbm>> -> memref<80xi32, #tpu.memory_space<hbm>>
      tpu.wait_dma2 semaphore(%arg26 : memref<!tpu.dma_semaphore, #tpu.memory_space<semaphore_mem>>) src(%dma_wait3A_157 : memref<80xi32, #tpu.memory_space<hbm>>) dst(%arg9 : memref<80xi32, #tpu.memory_space<vmem>>)
      %dma_start3A_158 = arith.constant 0 : i32
      %dma_start3A_159 = arith.constant 0 : i32
      %dma_start3A_160 = tpu.memref_slice %arg2[%dma_start3A_158, %dma_start3A_159] : memref<10000x128xf32, #tpu.memory_space<hbm>> -> memref<10000x128xf32, #tpu.memory_space<hbm>>
      tpu.enqueue_indirect_dma source(%dma_start3A_160 : memref<10000x128xf32, #tpu.memory_space<hbm>>) target(%arg17 : memref<80x128xf32, #tpu.memory_space<vmem>>) offsets(%arg9 : memref<80xi32, #tpu.memory_space<vmem>>) semaphore(%arg22 : memref<!tpu.dma_semaphore, #tpu.memory_space<semaphore_mem>>)
      %dma_wait3A_161 = arith.constant 0 : i32
      %dma_wait3A_162 = arith.constant 0 : i32
      %dma_wait3A_163 = tpu.memref_slice %arg2[%dma_wait3A_161, %dma_wait3A_162] : memref<10000x128xf32, #tpu.memory_space<hbm>> -> memref<10000x128xf32, #tpu.memory_space<hbm>>
      tpu.wait_indirect_dma semaphore(%arg20 : memref<!tpu.dma_semaphore, #tpu.memory_space<semaphore_mem>>) src(%dma_wait3A_163 : memref<10000x128xf32, #tpu.memory_space<hbm>>) dst(%arg15 : memref<80x128xf32, #tpu.memory_space<vmem>>)
      %dma_wait3A_164 = arith.constant 0 : i32
      %dma_wait3A_165 = arith.constant 0 : i32
      %dma_wait3A_166 = tpu.memref_slice %arg18[%dma_wait3A_164, %dma_wait3A_165] : memref<10240x128xf32, #tpu.memory_space<vmem_shared>> -> memref<10240x128xf32, #tpu.memory_space<vmem_shared>>
      tpu.wait_indirect_dma semaphore(%arg31 : memref<!tpu.dma_semaphore, #tpu.memory_space<semaphore_mem>>) src(%arg14 : memref<80x128xf32, #tpu.memory_space<vmem>>) dst(%dma_wait3A_166 : memref<10240x128xf32, #tpu.memory_space<vmem_shared>>)
      %add3A_167 = arith.constant 0 : i32
      %add3A_168 = arith.addi %mul3A_4, %add3A_167 : i32
      %multiple_of3A_169 = tpu.assume_multiple %add3A_168, 8 : i32
      %dma_wait3A_170 = tpu.memref_slice %arg3[%multiple_of3A_169] : memref<640000xi32, #tpu.memory_space<hbm>> -> memref<80xi32, #tpu.memory_space<hbm>>
      %dma_wait3A_171 = tpu.memref_slice %arg3[%multiple_of3A_169] : memref<640000xi32, #tpu.memory_space<hbm>> -> memref<80xi32, #tpu.memory_space<hbm>>
      tpu.wait_dma2 semaphore(%arg28 : memref<!tpu.dma_semaphore, #tpu.memory_space<semaphore_mem>>) src(%dma_wait3A_171 : memref<80xi32, #tpu.memory_space<hbm>>) dst(%arg11 : memref<80xi32, #tpu.memory_space<vmem>>)
      %dma_start3A_172 = arith.constant 0 : i32
      %dma_start3A_173 = arith.constant 0 : i32
      %dma_start3A_174 = tpu.memref_slice %arg18[%dma_start3A_172, %dma_start3A_173] : memref<10240x128xf32, #tpu.memory_space<vmem_shared>> -> memref<10240x128xf32, #tpu.memory_space<vmem_shared>>
      tpu.enqueue_indirect_dma source(%arg15 : memref<80x128xf32, #tpu.memory_space<vmem>>) target(%dma_start3A_174 : memref<10240x128xf32, #tpu.memory_space<vmem_shared>>) offsets(%arg11 : memref<80xi32, #tpu.memory_space<vmem>>) semaphore(%arg32 : memref<!tpu.dma_semaphore, #tpu.memory_space<semaphore_mem>>) {add = true}
      %add3A_175 = arith.constant 4 : i32
      %add3A_176 = arith.addi %add3A_152, %add3A_175 : i32
      %min3A_177 = arith.constant 124 : i32
      %min3A_178 = arith.minsi %add3A_176, %min3A_177 : i32
      %mul3A_179 = arith.constant 80 : i32
      %mul3A_180 = arith.muli %min3A_178, %mul3A_179 : i32
      %add3A_181 = arith.addi %mul3A_4, %mul3A_180 : i32
      %multiple_of3A_182 = tpu.assume_multiple %add3A_181, 8 : i32
      %add3A_183 = arith.constant 0 : i32
      %add3A_184 = arith.addi %add3A_183, %multiple_of3A_182 : i32
      %dma_start3A_185 = tpu.memref_slice %arg3[%add3A_184] : memref<640000xi32, #tpu.memory_space<hbm>> -> memref<80xi32, #tpu.memory_space<hbm>>
      %dma_start3A_186 = tpu.memref_slice %arg3[%add3A_184] : memref<640000xi32, #tpu.memory_space<hbm>> -> memref<80xi32, #tpu.memory_space<hbm>>
      tpu.enqueue_dma source(%dma_start3A_186 : memref<80xi32, #tpu.memory_space<hbm>>) target(%arg7 : memref<80xi32, #tpu.memory_space<vmem>>) target_semaphore(%arg24 : memref<!tpu.dma_semaphore, #tpu.memory_space<semaphore_mem>>)
      %add3A_187 = arith.constant 3 : i32
      %add3A_188 = arith.addi %add3A_152, %add3A_187 : i32
      %min3A_189 = arith.constant 124 : i32
      %min3A_190 = arith.minsi %add3A_188, %min3A_189 : i32
      %mul3A_191 = arith.constant 80 : i32
      %mul3A_192 = arith.muli %min3A_190, %mul3A_191 : i32
      %add3A_193 = arith.addi %mul3A_4, %mul3A_192 : i32
      %multiple_of3A_194 = tpu.assume_multiple %add3A_193, 8 : i32
      %add3A_195 = arith.constant 320000 : i32
      %add3A_196 = arith.addi %add3A_195, %multiple_of3A_194 : i32
      %dma_start3A_197 = tpu.memref_slice %arg3[%add3A_196] : memref<640000xi32, #tpu.memory_space<hbm>> -> memref<80xi32, #tpu.memory_space<hbm>>
      %dma_start3A_198 = tpu.memref_slice %arg3[%add3A_196] : memref<640000xi32, #tpu.memory_space<hbm>> -> memref<80xi32, #tpu.memory_space<hbm>>
      tpu.enqueue_dma source(%dma_start3A_198 : memref<80xi32, #tpu.memory_space<hbm>>) target(%arg10 : memref<80xi32, #tpu.memory_space<vmem>>) target_semaphore(%arg27 : memref<!tpu.dma_semaphore, #tpu.memory_space<semaphore_mem>>)
      %mul3A_199 = arith.constant 4 : i32
      %mul3A_200 = arith.muli %mul3A_199, %scan3A_148 : i32
      %add3A_201 = arith.constant 2 : i32
      %add3A_202 = arith.addi %mul3A_200, %add3A_201 : i32
      %add3A_203 = arith.constant 0 : i32
      %add3A_204 = arith.addi %mul3A_4, %add3A_203 : i32
      %multiple_of3A_205 = tpu.assume_multiple %add3A_204, 8 : i32
      %dma_wait3A_206 = tpu.memref_slice %arg3[%multiple_of3A_205] : memref<640000xi32, #tpu.memory_space<hbm>> -> memref<80xi32, #tpu.memory_space<hbm>>
      %dma_wait3A_207 = tpu.memref_slice %arg3[%multiple_of3A_205] : memref<640000xi32, #tpu.memory_space<hbm>> -> memref<80xi32, #tpu.memory_space<hbm>>
      tpu.wait_dma2 semaphore(%arg23 : memref<!tpu.dma_semaphore, #tpu.memory_space<semaphore_mem>>) src(%dma_wait3A_207 : memref<80xi32, #tpu.memory_space<hbm>>) dst(%arg6 : memref<80xi32, #tpu.memory_space<vmem>>)
      %dma_start3A_208 = arith.constant 0 : i32
      %dma_start3A_209 = arith.constant 0 : i32
      %dma_start3A_210 = tpu.memref_slice %arg2[%dma_start3A_208, %dma_start3A_209] : memref<10000x128xf32, #tpu.memory_space<hbm>> -> memref<10000x128xf32, #tpu.memory_space<hbm>>
      tpu.enqueue_indirect_dma source(%dma_start3A_210 : memref<10000x128xf32, #tpu.memory_space<hbm>>) target(%arg14 : memref<80x128xf32, #tpu.memory_space<vmem>>) offsets(%arg6 : memref<80xi32, #tpu.memory_space<vmem>>) semaphore(%arg19 : memref<!tpu.dma_semaphore, #tpu.memory_space<semaphore_mem>>)
      %dma_wait3A_211 = arith.constant 0 : i32
      %dma_wait3A_212 = arith.constant 0 : i32
      %dma_wait3A_213 = tpu.memref_slice %arg2[%dma_wait3A_211, %dma_wait3A_212] : memref<10000x128xf32, #tpu.memory_space<hbm>> -> memref<10000x128xf32, #tpu.memory_space<hbm>>
      tpu.wait_indirect_dma semaphore(%arg21 : memref<!tpu.dma_semaphore, #tpu.memory_space<semaphore_mem>>) src(%dma_wait3A_213 : memref<10000x128xf32, #tpu.memory_space<hbm>>) dst(%arg16 : memref<80x128xf32, #tpu.memory_space<vmem>>)
      %dma_wait3A_214 = arith.constant 0 : i32
      %dma_wait3A_215 = arith.constant 0 : i32
      %dma_wait3A_216 = tpu.memref_slice %arg18[%dma_wait3A_214, %dma_wait3A_215] : memref<10240x128xf32, #tpu.memory_space<vmem_shared>> -> memref<10240x128xf32, #tpu.memory_space<vmem_shared>>
      tpu.wait_indirect_dma semaphore(%arg32 : memref<!tpu.dma_semaphore, #tpu.memory_space<semaphore_mem>>) src(%arg15 : memref<80x128xf32, #tpu.memory_space<vmem>>) dst(%dma_wait3A_216 : memref<10240x128xf32, #tpu.memory_space<vmem_shared>>)
      %add3A_217 = arith.constant 0 : i32
      %add3A_218 = arith.addi %mul3A_4, %add3A_217 : i32
      %multiple_of3A_219 = tpu.assume_multiple %add3A_218, 8 : i32
      %dma_wait3A_220 = tpu.memref_slice %arg3[%multiple_of3A_219] : memref<640000xi32, #tpu.memory_space<hbm>> -> memref<80xi32, #tpu.memory_space<hbm>>
      %dma_wait3A_221 = tpu.memref_slice %arg3[%multiple_of3A_219] : memref<640000xi32, #tpu.memory_space<hbm>> -> memref<80xi32, #tpu.memory_space<hbm>>
      tpu.wait_dma2 semaphore(%arg29 : memref<!tpu.dma_semaphore, #tpu.memory_space<semaphore_mem>>) src(%dma_wait3A_221 : memref<80xi32, #tpu.memory_space<hbm>>) dst(%arg12 : memref<80xi32, #tpu.memory_space<vmem>>)
      %dma_start3A_222 = arith.constant 0 : i32
      %dma_start3A_223 = arith.constant 0 : i32
      %dma_start3A_224 = tpu.memref_slice %arg18[%dma_start3A_222, %dma_start3A_223] : memref<10240x128xf32, #tpu.memory_space<vmem_shared>> -> memref<10240x128xf32, #tpu.memory_space<vmem_shared>>
      tpu.enqueue_indirect_dma source(%arg16 : memref<80x128xf32, #tpu.memory_space<vmem>>) target(%dma_start3A_224 : memref<10240x128xf32, #tpu.memory_space<vmem_shared>>) offsets(%arg12 : memref<80xi32, #tpu.memory_space<vmem>>) semaphore(%arg33 : memref<!tpu.dma_semaphore, #tpu.memory_space<semaphore_mem>>) {add = true}
      %add3A_225 = arith.constant 4 : i32
      %add3A_226 = arith.addi %add3A_202, %add3A_225 : i32
      %min3A_227 = arith.constant 124 : i32
      %min3A_228 = arith.minsi %add3A_226, %min3A_227 : i32
      %mul3A_229 = arith.constant 80 : i32
      %mul3A_230 = arith.muli %min3A_228, %mul3A_229 : i32
      %add3A_231 = arith.addi %mul3A_4, %mul3A_230 : i32
      %multiple_of3A_232 = tpu.assume_multiple %add3A_231, 8 : i32
      %add3A_233 = arith.constant 0 : i32
      %add3A_234 = arith.addi %add3A_233, %multiple_of3A_232 : i32
      %dma_start3A_235 = tpu.memref_slice %arg3[%add3A_234] : memref<640000xi32, #tpu.memory_space<hbm>> -> memref<80xi32, #tpu.memory_space<hbm>>
      %dma_start3A_236 = tpu.memref_slice %arg3[%add3A_234] : memref<640000xi32, #tpu.memory_space<hbm>> -> memref<80xi32, #tpu.memory_space<hbm>>
      tpu.enqueue_dma source(%dma_start3A_236 : memref<80xi32, #tpu.memory_space<hbm>>) target(%arg8 : memref<80xi32, #tpu.memory_space<vmem>>) target_semaphore(%arg25 : memref<!tpu.dma_semaphore, #tpu.memory_space<semaphore_mem>>)
      %add3A_237 = arith.constant 3 : i32
      %add3A_238 = arith.addi %add3A_202, %add3A_237 : i32
      %min3A_239 = arith.constant 124 : i32
      %min3A_240 = arith.minsi %add3A_238, %min3A_239 : i32
      %mul3A_241 = arith.constant 80 : i32
      %mul3A_242 = arith.muli %min3A_240, %mul3A_241 : i32
      %add3A_243 = arith.addi %mul3A_4, %mul3A_242 : i32
      %multiple_of3A_244 = tpu.assume_multiple %add3A_243, 8 : i32
      %add3A_245 = arith.constant 320000 : i32
      %add3A_246 = arith.addi %add3A_245, %multiple_of3A_244 : i32
      %dma_start3A_247 = tpu.memref_slice %arg3[%add3A_246] : memref<640000xi32, #tpu.memory_space<hbm>> -> memref<80xi32, #tpu.memory_space<hbm>>
      %dma_start3A_248 = tpu.memref_slice %arg3[%add3A_246] : memref<640000xi32, #tpu.memory_space<hbm>> -> memref<80xi32, #tpu.memory_space<hbm>>
      tpu.enqueue_dma source(%dma_start3A_248 : memref<80xi32, #tpu.memory_space<hbm>>) target(%arg11 : memref<80xi32, #tpu.memory_space<vmem>>) target_semaphore(%arg28 : memref<!tpu.dma_semaphore, #tpu.memory_space<semaphore_mem>>)
      %mul3A_249 = arith.constant 4 : i32
      %mul3A_250 = arith.muli %mul3A_249, %scan3A_148 : i32
      %add3A_251 = arith.constant 3 : i32
      %add3A_252 = arith.addi %mul3A_250, %add3A_251 : i32
      %add3A_253 = arith.constant 0 : i32
      %add3A_254 = arith.addi %mul3A_4, %add3A_253 : i32
      %multiple_of3A_255 = tpu.assume_multiple %add3A_254, 8 : i32
      %dma_wait3A_256 = tpu.memref_slice %arg3[%multiple_of3A_255] : memref<640000xi32, #tpu.memory_space<hbm>> -> memref<80xi32, #tpu.memory_space<hbm>>
      %dma_wait3A_257 = tpu.memref_slice %arg3[%multiple_of3A_255] : memref<640000xi32, #tpu.memory_space<hbm>> -> memref<80xi32, #tpu.memory_space<hbm>>
      tpu.wait_dma2 semaphore(%arg24 : memref<!tpu.dma_semaphore, #tpu.memory_space<semaphore_mem>>) src(%dma_wait3A_257 : memref<80xi32, #tpu.memory_space<hbm>>) dst(%arg7 : memref<80xi32, #tpu.memory_space<vmem>>)
      %dma_start3A_258 = arith.constant 0 : i32
      %dma_start3A_259 = arith.constant 0 : i32
      %dma_start3A_260 = tpu.memref_slice %arg2[%dma_start3A_258, %dma_start3A_259] : memref<10000x128xf32, #tpu.memory_space<hbm>> -> memref<10000x128xf32, #tpu.memory_space<hbm>>
      tpu.enqueue_indirect_dma source(%dma_start3A_260 : memref<10000x128xf32, #tpu.memory_space<hbm>>) target(%arg15 : memref<80x128xf32, #tpu.memory_space<vmem>>) offsets(%arg7 : memref<80xi32, #tpu.memory_space<vmem>>) semaphore(%arg20 : memref<!tpu.dma_semaphore, #tpu.memory_space<semaphore_mem>>)
      %dma_wait3A_261 = arith.constant 0 : i32
      %dma_wait3A_262 = arith.constant 0 : i32
      %dma_wait3A_263 = tpu.memref_slice %arg2[%dma_wait3A_261, %dma_wait3A_262] : memref<10000x128xf32, #tpu.memory_space<hbm>> -> memref<10000x128xf32, #tpu.memory_space<hbm>>
      tpu.wait_indirect_dma semaphore(%arg22 : memref<!tpu.dma_semaphore, #tpu.memory_space<semaphore_mem>>) src(%dma_wait3A_263 : memref<10000x128xf32, #tpu.memory_space<hbm>>) dst(%arg17 : memref<80x128xf32, #tpu.memory_space<vmem>>)
      %dma_wait3A_264 = arith.constant 0 : i32
      %dma_wait3A_265 = arith.constant 0 : i32
      %dma_wait3A_266 = tpu.memref_slice %arg18[%dma_wait3A_264, %dma_wait3A_265] : memref<10240x128xf32, #tpu.memory_space<vmem_shared>> -> memref<10240x128xf32, #tpu.memory_space<vmem_shared>>
      tpu.wait_indirect_dma semaphore(%arg33 : memref<!tpu.dma_semaphore, #tpu.memory_space<semaphore_mem>>) src(%arg16 : memref<80x128xf32, #tpu.memory_space<vmem>>) dst(%dma_wait3A_266 : memref<10240x128xf32, #tpu.memory_space<vmem_shared>>)
      %add3A_267 = arith.constant 0 : i32
      %add3A_268 = arith.addi %mul3A_4, %add3A_267 : i32
      %multiple_of3A_269 = tpu.assume_multiple %add3A_268, 8 : i32
      %dma_wait3A_270 = tpu.memref_slice %arg3[%multiple_of3A_269] : memref<640000xi32, #tpu.memory_space<hbm>> -> memref<80xi32, #tpu.memory_space<hbm>>
      %dma_wait3A_271 = tpu.memref_slice %arg3[%multiple_of3A_269] : memref<640000xi32, #tpu.memory_space<hbm>> -> memref<80xi32, #tpu.memory_space<hbm>>
      tpu.wait_dma2 semaphore(%arg30 : memref<!tpu.dma_semaphore, #tpu.memory_space<semaphore_mem>>) src(%dma_wait3A_271 : memref<80xi32, #tpu.memory_space<hbm>>) dst(%arg13 : memref<80xi32, #tpu.memory_space<vmem>>)
      %dma_start3A_272 = arith.constant 0 : i32
      %dma_start3A_273 = arith.constant 0 : i32
      %dma_start3A_274 = tpu.memref_slice %arg18[%dma_start3A_272, %dma_start3A_273] : memref<10240x128xf32, #tpu.memory_space<vmem_shared>> -> memref<10240x128xf32, #tpu.memory_space<vmem_shared>>
      tpu.enqueue_indirect_dma source(%arg17 : memref<80x128xf32, #tpu.memory_space<vmem>>) target(%dma_start3A_274 : memref<10240x128xf32, #tpu.memory_space<vmem_shared>>) offsets(%arg13 : memref<80xi32, #tpu.memory_space<vmem>>) semaphore(%arg34 : memref<!tpu.dma_semaphore, #tpu.memory_space<semaphore_mem>>) {add = true}
      %add3A_275 = arith.constant 4 : i32
      %add3A_276 = arith.addi %add3A_252, %add3A_275 : i32
      %min3A_277 = arith.constant 124 : i32
      %min3A_278 = arith.minsi %add3A_276, %min3A_277 : i32
      %mul3A_279 = arith.constant 80 : i32
      %mul3A_280 = arith.muli %min3A_278, %mul3A_279 : i32
      %add3A_281 = arith.addi %mul3A_4, %mul3A_280 : i32
      %multiple_of3A_282 = tpu.assume_multiple %add3A_281, 8 : i32
      %add3A_283 = arith.constant 0 : i32
      %add3A_284 = arith.addi %add3A_283, %multiple_of3A_282 : i32
      %dma_start3A_285 = tpu.memref_slice %arg3[%add3A_284] : memref<640000xi32, #tpu.memory_space<hbm>> -> memref<80xi32, #tpu.memory_space<hbm>>
      %dma_start3A_286 = tpu.memref_slice %arg3[%add3A_284] : memref<640000xi32, #tpu.memory_space<hbm>> -> memref<80xi32, #tpu.memory_space<hbm>>
      tpu.enqueue_dma source(%dma_start3A_286 : memref<80xi32, #tpu.memory_space<hbm>>) target(%arg9 : memref<80xi32, #tpu.memory_space<vmem>>) target_semaphore(%arg26 : memref<!tpu.dma_semaphore, #tpu.memory_space<semaphore_mem>>)
      %add3A_287 = arith.constant 3 : i32
      %add3A_288 = arith.addi %add3A_252, %add3A_287 : i32
      %min3A_289 = arith.constant 124 : i32
      %min3A_290 = arith.minsi %add3A_288, %min3A_289 : i32
      %mul3A_291 = arith.constant 80 : i32
      %mul3A_292 = arith.muli %min3A_290, %mul3A_291 : i32
      %add3A_293 = arith.addi %mul3A_4, %mul3A_292 : i32
      %multiple_of3A_294 = tpu.assume_multiple %add3A_293, 8 : i32
      %add3A_295 = arith.constant 320000 : i32
      %add3A_296 = arith.addi %add3A_295, %multiple_of3A_294 : i32
      %dma_start3A_297 = tpu.memref_slice %arg3[%add3A_296] : memref<640000xi32, #tpu.memory_space<hbm>> -> memref<80xi32, #tpu.memory_space<hbm>>
      %dma_start3A_298 = tpu.memref_slice %arg3[%add3A_296] : memref<640000xi32, #tpu.memory_space<hbm>> -> memref<80xi32, #tpu.memory_space<hbm>>
      tpu.enqueue_dma source(%dma_start3A_298 : memref<80xi32, #tpu.memory_space<hbm>>) target(%arg12 : memref<80xi32, #tpu.memory_space<vmem>>) target_semaphore(%arg29 : memref<!tpu.dma_semaphore, #tpu.memory_space<semaphore_mem>>)
      %mul3A_299 = arith.constant 4 : i32
      %mul3A_300 = arith.muli %mul3A_299, %scan3A_148 : i32
      %add3A_301 = arith.constant 4 : i32
      %add3A_302 = arith.addi %mul3A_300, %add3A_301 : i32
      %add3A_303 = arith.constant 0 : i32
      %add3A_304 = arith.addi %mul3A_4, %add3A_303 : i32
      %multiple_of3A_305 = tpu.assume_multiple %add3A_304, 8 : i32
      %dma_wait3A_306 = tpu.memref_slice %arg3[%multiple_of3A_305] : memref<640000xi32, #tpu.memory_space<hbm>> -> memref<80xi32, #tpu.memory_space<hbm>>
      %dma_wait3A_307 = tpu.memref_slice %arg3[%multiple_of3A_305] : memref<640000xi32, #tpu.memory_space<hbm>> -> memref<80xi32, #tpu.memory_space<hbm>>
      tpu.wait_dma2 semaphore(%arg25 : memref<!tpu.dma_semaphore, #tpu.memory_space<semaphore_mem>>) src(%dma_wait3A_307 : memref<80xi32, #tpu.memory_space<hbm>>) dst(%arg8 : memref<80xi32, #tpu.memory_space<vmem>>)
      %dma_start3A_308 = arith.constant 0 : i32
      %dma_start3A_309 = arith.constant 0 : i32
      %dma_start3A_310 = tpu.memref_slice %arg2[%dma_start3A_308, %dma_start3A_309] : memref<10000x128xf32, #tpu.memory_space<hbm>> -> memref<10000x128xf32, #tpu.memory_space<hbm>>
      tpu.enqueue_indirect_dma source(%dma_start3A_310 : memref<10000x128xf32, #tpu.memory_space<hbm>>) target(%arg16 : memref<80x128xf32, #tpu.memory_space<vmem>>) offsets(%arg8 : memref<80xi32, #tpu.memory_space<vmem>>) semaphore(%arg21 : memref<!tpu.dma_semaphore, #tpu.memory_space<semaphore_mem>>)
      %dma_wait3A_311 = arith.constant 0 : i32
      %dma_wait3A_312 = arith.constant 0 : i32
      %dma_wait3A_313 = tpu.memref_slice %arg2[%dma_wait3A_311, %dma_wait3A_312] : memref<10000x128xf32, #tpu.memory_space<hbm>> -> memref<10000x128xf32, #tpu.memory_space<hbm>>
      tpu.wait_indirect_dma semaphore(%arg19 : memref<!tpu.dma_semaphore, #tpu.memory_space<semaphore_mem>>) src(%dma_wait3A_313 : memref<10000x128xf32, #tpu.memory_space<hbm>>) dst(%arg14 : memref<80x128xf32, #tpu.memory_space<vmem>>)
      %dma_wait3A_314 = arith.constant 0 : i32
      %dma_wait3A_315 = arith.constant 0 : i32
      %dma_wait3A_316 = tpu.memref_slice %arg18[%dma_wait3A_314, %dma_wait3A_315] : memref<10240x128xf32, #tpu.memory_space<vmem_shared>> -> memref<10240x128xf32, #tpu.memory_space<vmem_shared>>
      tpu.wait_indirect_dma semaphore(%arg34 : memref<!tpu.dma_semaphore, #tpu.memory_space<semaphore_mem>>) src(%arg17 : memref<80x128xf32, #tpu.memory_space<vmem>>) dst(%dma_wait3A_316 : memref<10240x128xf32, #tpu.memory_space<vmem_shared>>)
      %add3A_317 = arith.constant 0 : i32
      %add3A_318 = arith.addi %mul3A_4, %add3A_317 : i32
      %multiple_of3A_319 = tpu.assume_multiple %add3A_318, 8 : i32
      %dma_wait3A_320 = tpu.memref_slice %arg3[%multiple_of3A_319] : memref<640000xi32, #tpu.memory_space<hbm>> -> memref<80xi32, #tpu.memory_space<hbm>>
      %dma_wait3A_321 = tpu.memref_slice %arg3[%multiple_of3A_319] : memref<640000xi32, #tpu.memory_space<hbm>> -> memref<80xi32, #tpu.memory_space<hbm>>
      tpu.wait_dma2 semaphore(%arg27 : memref<!tpu.dma_semaphore, #tpu.memory_space<semaphore_mem>>) src(%dma_wait3A_321 : memref<80xi32, #tpu.memory_space<hbm>>) dst(%arg10 : memref<80xi32, #tpu.memory_space<vmem>>)
      %dma_start3A_322 = arith.constant 0 : i32
      %dma_start3A_323 = arith.constant 0 : i32
      %dma_start3A_324 = tpu.memref_slice %arg18[%dma_start3A_322, %dma_start3A_323] : memref<10240x128xf32, #tpu.memory_space<vmem_shared>> -> memref<10240x128xf32, #tpu.memory_space<vmem_shared>>
      tpu.enqueue_indirect_dma source(%arg14 : memref<80x128xf32, #tpu.memory_space<vmem>>) target(%dma_start3A_324 : memref<10240x128xf32, #tpu.memory_space<vmem_shared>>) offsets(%arg10 : memref<80xi32, #tpu.memory_space<vmem>>) semaphore(%arg31 : memref<!tpu.dma_semaphore, #tpu.memory_space<semaphore_mem>>) {add = true}
      %add3A_325 = arith.constant 4 : i32
      %add3A_326 = arith.addi %add3A_302, %add3A_325 : i32
      %min3A_327 = arith.constant 124 : i32
      %min3A_328 = arith.minsi %add3A_326, %min3A_327 : i32
      %mul3A_329 = arith.constant 80 : i32
      %mul3A_330 = arith.muli %min3A_328, %mul3A_329 : i32
      %add3A_331 = arith.addi %mul3A_4, %mul3A_330 : i32
      %multiple_of3A_332 = tpu.assume_multiple %add3A_331, 8 : i32
      %add3A_333 = arith.constant 0 : i32
      %add3A_334 = arith.addi %add3A_333, %multiple_of3A_332 : i32
      %dma_start3A_335 = tpu.memref_slice %arg3[%add3A_334] : memref<640000xi32, #tpu.memory_space<hbm>> -> memref<80xi32, #tpu.memory_space<hbm>>
      %dma_start3A_336 = tpu.memref_slice %arg3[%add3A_334] : memref<640000xi32, #tpu.memory_space<hbm>> -> memref<80xi32, #tpu.memory_space<hbm>>
      tpu.enqueue_dma source(%dma_start3A_336 : memref<80xi32, #tpu.memory_space<hbm>>) target(%arg6 : memref<80xi32, #tpu.memory_space<vmem>>) target_semaphore(%arg23 : memref<!tpu.dma_semaphore, #tpu.memory_space<semaphore_mem>>)
      %add3A_337 = arith.constant 3 : i32
      %add3A_338 = arith.addi %add3A_302, %add3A_337 : i32
      %min3A_339 = arith.constant 124 : i32
      %min3A_340 = arith.minsi %add3A_338, %min3A_339 : i32
      %mul3A_341 = arith.constant 80 : i32
      %mul3A_342 = arith.muli %min3A_340, %mul3A_341 : i32
      %add3A_343 = arith.addi %mul3A_4, %mul3A_342 : i32
      %multiple_of3A_344 = tpu.assume_multiple %add3A_343, 8 : i32
      %add3A_345 = arith.constant 320000 : i32
      %add3A_346 = arith.addi %add3A_345, %multiple_of3A_344 : i32
      %dma_start3A_347 = tpu.memref_slice %arg3[%add3A_346] : memref<640000xi32, #tpu.memory_space<hbm>> -> memref<80xi32, #tpu.memory_space<hbm>>
      %dma_start3A_348 = tpu.memref_slice %arg3[%add3A_346] : memref<640000xi32, #tpu.memory_space<hbm>> -> memref<80xi32, #tpu.memory_space<hbm>>
      tpu.enqueue_dma source(%dma_start3A_348 : memref<80xi32, #tpu.memory_space<hbm>>) target(%arg13 : memref<80xi32, #tpu.memory_space<vmem>>) target_semaphore(%arg30 : memref<!tpu.dma_semaphore, #tpu.memory_space<semaphore_mem>>)
    }
    %scan3A_112 = arith.constant 31 : i32
    %dma_wait3A_113 = arith.constant 0 : i32
    %dma_wait3A_114 = arith.constant 0 : i32
    %dma_wait3A_115 = tpu.memref_slice %arg18[%dma_wait3A_113, %dma_wait3A_114] : memref<10240x128xf32, #tpu.memory_space<vmem_shared>> -> memref<10240x128xf32, #tpu.memory_space<vmem_shared>>
    tpu.wait_indirect_dma semaphore(%arg31 : memref<!tpu.dma_semaphore, #tpu.memory_space<semaphore_mem>>) src(%arg14 : memref<80x128xf32, #tpu.memory_space<vmem>>) dst(%dma_wait3A_115 : memref<10240x128xf32, #tpu.memory_space<vmem_shared>>)
    %dma_wait3A_116 = arith.constant 0 : i32
    %dma_wait3A_117 = arith.constant 0 : i32
    %dma_wait3A_118 = tpu.memref_slice %arg2[%dma_wait3A_116, %dma_wait3A_117] : memref<10000x128xf32, #tpu.memory_space<hbm>> -> memref<10000x128xf32, #tpu.memory_space<hbm>>
    tpu.wait_indirect_dma semaphore(%arg20 : memref<!tpu.dma_semaphore, #tpu.memory_space<semaphore_mem>>) src(%dma_wait3A_118 : memref<10000x128xf32, #tpu.memory_space<hbm>>) dst(%arg15 : memref<80x128xf32, #tpu.memory_space<vmem>>)
    %dma_wait3A_119 = arith.constant 0 : i32
    %dma_wait3A_120 = arith.constant 0 : i32
    %dma_wait3A_121 = tpu.memref_slice %arg2[%dma_wait3A_119, %dma_wait3A_120] : memref<10000x128xf32, #tpu.memory_space<hbm>> -> memref<10000x128xf32, #tpu.memory_space<hbm>>
    tpu.wait_indirect_dma semaphore(%arg21 : memref<!tpu.dma_semaphore, #tpu.memory_space<semaphore_mem>>) src(%dma_wait3A_121 : memref<10000x128xf32, #tpu.memory_space<hbm>>) dst(%arg16 : memref<80x128xf32, #tpu.memory_space<vmem>>)
    %add3A_122 = arith.constant 0 : i32
    %add3A_123 = arith.addi %mul3A_4, %add3A_122 : i32
    %multiple_of3A_124 = tpu.assume_multiple %add3A_123, 8 : i32
    %dma_wait3A_125 = tpu.memref_slice %arg3[%multiple_of3A_124] : memref<640000xi32, #tpu.memory_space<hbm>> -> memref<80xi32, #tpu.memory_space<hbm>>
    %dma_wait3A_126 = tpu.memref_slice %arg3[%multiple_of3A_124] : memref<640000xi32, #tpu.memory_space<hbm>> -> memref<80xi32, #tpu.memory_space<hbm>>
    tpu.wait_dma2 semaphore(%arg26 : memref<!tpu.dma_semaphore, #tpu.memory_space<semaphore_mem>>) src(%dma_wait3A_126 : memref<80xi32, #tpu.memory_space<hbm>>) dst(%arg9 : memref<80xi32, #tpu.memory_space<vmem>>)
    %add3A_127 = arith.constant 0 : i32
    %add3A_128 = arith.addi %mul3A_4, %add3A_127 : i32
    %multiple_of3A_129 = tpu.assume_multiple %add3A_128, 8 : i32
    %dma_wait3A_130 = tpu.memref_slice %arg3[%multiple_of3A_129] : memref<640000xi32, #tpu.memory_space<hbm>> -> memref<80xi32, #tpu.memory_space<hbm>>
    %dma_wait3A_131 = tpu.memref_slice %arg3[%multiple_of3A_129] : memref<640000xi32, #tpu.memory_space<hbm>> -> memref<80xi32, #tpu.memory_space<hbm>>
    tpu.wait_dma2 semaphore(%arg23 : memref<!tpu.dma_semaphore, #tpu.memory_space<semaphore_mem>>) src(%dma_wait3A_131 : memref<80xi32, #tpu.memory_space<hbm>>) dst(%arg6 : memref<80xi32, #tpu.memory_space<vmem>>)
    %add3A_132 = arith.constant 0 : i32
    %add3A_133 = arith.addi %mul3A_4, %add3A_132 : i32
    %multiple_of3A_134 = tpu.assume_multiple %add3A_133, 8 : i32
    %dma_wait3A_135 = tpu.memref_slice %arg3[%multiple_of3A_134] : memref<640000xi32, #tpu.memory_space<hbm>> -> memref<80xi32, #tpu.memory_space<hbm>>
    %dma_wait3A_136 = tpu.memref_slice %arg3[%multiple_of3A_134] : memref<640000xi32, #tpu.memory_space<hbm>> -> memref<80xi32, #tpu.memory_space<hbm>>
    tpu.wait_dma2 semaphore(%arg28 : memref<!tpu.dma_semaphore, #tpu.memory_space<semaphore_mem>>) src(%dma_wait3A_136 : memref<80xi32, #tpu.memory_space<hbm>>) dst(%arg11 : memref<80xi32, #tpu.memory_space<vmem>>)
    %add3A_137 = arith.constant 0 : i32
    %add3A_138 = arith.addi %mul3A_4, %add3A_137 : i32
    %multiple_of3A_139 = tpu.assume_multiple %add3A_138, 8 : i32
    %dma_wait3A_140 = tpu.memref_slice %arg3[%multiple_of3A_139] : memref<640000xi32, #tpu.memory_space<hbm>> -> memref<80xi32, #tpu.memory_space<hbm>>
    %dma_wait3A_141 = tpu.memref_slice %arg3[%multiple_of3A_139] : memref<640000xi32, #tpu.memory_space<hbm>> -> memref<80xi32, #tpu.memory_space<hbm>>
    tpu.wait_dma2 semaphore(%arg29 : memref<!tpu.dma_semaphore, #tpu.memory_space<semaphore_mem>>) src(%dma_wait3A_141 : memref<80xi32, #tpu.memory_space<hbm>>) dst(%arg12 : memref<80xi32, #tpu.memory_space<vmem>>)
    %add3A_142 = arith.constant 0 : i32
    %add3A_143 = arith.addi %mul3A_4, %add3A_142 : i32
    %multiple_of3A_144 = tpu.assume_multiple %add3A_143, 8 : i32
    %dma_wait3A_145 = tpu.memref_slice %arg3[%multiple_of3A_144] : memref<640000xi32, #tpu.memory_space<hbm>> -> memref<80xi32, #tpu.memory_space<hbm>>
    %dma_wait3A_146 = tpu.memref_slice %arg3[%multiple_of3A_144] : memref<640000xi32, #tpu.memory_space<hbm>> -> memref<80xi32, #tpu.memory_space<hbm>>
    tpu.wait_dma2 semaphore(%arg30 : memref<!tpu.dma_semaphore, #tpu.memory_space<semaphore_mem>>) src(%dma_wait3A_146 : memref<80xi32, #tpu.memory_space<hbm>>) dst(%arg13 : memref<80xi32, #tpu.memory_space<vmem>>)
    %barrier3A_147 = arith.constant 0 : index
    tpu.barrier barrier_id(%barrier3A_147)
    "tpu.region"() ({
      %run_scoped3A = tpu.sem_alloc : memref<!tpu.dma_semaphore, #tpu.memory_space<semaphore_mem>>
      %dma_start3A_148 = arith.constant 0 : i32
      %dma_start3A_149 = tpu.memref_slice %arg5[%arg0, %multiple_of3A, %dma_start3A_148] : memref<2x10240x128xf32, #tpu.memory_space<hbm>> -> memref<1x640x128xf32, #tpu.memory_space<hbm>>
      %dma_start3A_150 = tpu.memref_squeeze %dma_start3A_149 : memref<1x640x128xf32, #tpu.memory_space<hbm>> -> memref<640x128xf32, #tpu.memory_space<hbm>>
      %dma_start3A_151 = arith.constant 0 : i32
      %dma_start3A_152 = tpu.memref_slice %arg18[%multiple_of3A, %dma_start3A_151] : memref<10240x128xf32, #tpu.memory_space<vmem_shared>> -> memref<640x128xf32, #tpu.memory_space<vmem_shared>>
      tpu.enqueue_dma source(%dma_start3A_152 : memref<640x128xf32, #tpu.memory_space<vmem_shared>>) target(%dma_start3A_150 : memref<640x128xf32, #tpu.memory_space<hbm>>) target_semaphore(%run_scoped3A : memref<!tpu.dma_semaphore, #tpu.memory_space<semaphore_mem>>)
      %dma_wait3A_153 = arith.constant 0 : i32
      %dma_wait3A_154 = tpu.memref_slice %arg5[%arg0, %multiple_of3A, %dma_wait3A_153] : memref<2x10240x128xf32, #tpu.memory_space<hbm>> -> memref<1x640x128xf32, #tpu.memory_space<hbm>>
      %dma_wait3A_155 = tpu.memref_squeeze %dma_wait3A_154 : memref<1x640x128xf32, #tpu.memory_space<hbm>> -> memref<640x128xf32, #tpu.memory_space<hbm>>
      %dma_wait3A_156 = arith.constant 0 : i32
      %dma_wait3A_157 = tpu.memref_slice %arg18[%multiple_of3A, %dma_wait3A_156] : memref<10240x128xf32, #tpu.memory_space<vmem_shared>> -> memref<640x128xf32, #tpu.memory_space<vmem_shared>>
      tpu.wait_dma2 semaphore(%run_scoped3A : memref<!tpu.dma_semaphore, #tpu.memory_space<semaphore_mem>>) src(%dma_wait3A_157 : memref<640x128xf32, #tpu.memory_space<vmem_shared>>) dst(%dma_wait3A_155 : memref<640x128xf32, #tpu.memory_space<hbm>>)
      tpu.yield
    }) : () -> ()
    return
  }
}

module attributes {stable_mosaic.version = 14 : i64} {
  func.func @_dense1_body(%arg0: i32, %arg1: memref<2000x128xf32, #tpu.memory_space<vmem>>, %arg2: memref<2x2000x128xf32, #tpu.memory_space<vmem>>, %arg3: memref<2000x1xf32, #tpu.memory_space<vmem>>, %arg4: memref<128x128xf32, #tpu.memory_space<vmem>>, %arg5: memref<128x128xf32, #tpu.memory_space<vmem>>, %arg6: memref<128x128xf32, #tpu.memory_space<vmem>>, %arg7: memref<1x128xf32, #tpu.memory_space<vmem>>, %arg8: memref<1x128xf32, #tpu.memory_space<vmem>>, %arg9: memref<1x128xf32, #tpu.memory_space<vmem>>, %arg10: memref<2000x128xf32, #tpu.memory_space<vmem>>, %arg11: memref<2000x128xf32, #tpu.memory_space<vmem>>) attributes {dimension_semantics = [#tpu.dimension_semantics<arbitrary>], iteration_bounds = array<i64: 5>, scalar_prefetch = 0 : i64, scratch_operands = 0 : i64, tpu.core_type = #tpu.core_type<tc>, window_params = [{transform_indices = @transform_0, window_bounds = array<i64: 2000, 128>}, {transform_indices = @transform_1, window_bounds = array<i64: 2, 2000, 128>}, {transform_indices = @transform_2, window_bounds = array<i64: 2000, 1>}, {pipeline_mode = #tpu.pipeline_mode<synchronous>, transform_indices = @transform_3, window_bounds = array<i64: 128, 128>}, {pipeline_mode = #tpu.pipeline_mode<synchronous>, transform_indices = @transform_4, window_bounds = array<i64: 128, 128>}, {pipeline_mode = #tpu.pipeline_mode<synchronous>, transform_indices = @transform_5, window_bounds = array<i64: 128, 128>}, {pipeline_mode = #tpu.pipeline_mode<synchronous>, transform_indices = @transform_6, window_bounds = array<i64: 1, 128>}, {pipeline_mode = #tpu.pipeline_mode<synchronous>, transform_indices = @transform_7, window_bounds = array<i64: 1, 128>}, {pipeline_mode = #tpu.pipeline_mode<synchronous>, transform_indices = @transform_8, window_bounds = array<i64: 1, 128>}, {transform_indices = @transform_9, window_bounds = array<i64: 2000, 128>}, {transform_indices = @transform_10, window_bounds = array<i64: 2000, 128>}]} {
    %get3A = arith.constant 0 : index
    %get3A_0 = arith.constant 0 : index
    %get3A_1 = arith.constant 0 : index
    %get3A_2 = vector.load %arg2[%get3A, %get3A_0, %get3A_1] : memref<2x2000x128xf32, #tpu.memory_space<vmem>>, vector<1x2000x128xf32>
    %get3A_3 = vector.shape_cast %get3A_2 : vector<1x2000x128xf32> to vector<2000x128xf32>
    %get3A_4 = arith.constant 1 : index
    %get3A_5 = arith.constant 0 : index
    %get3A_6 = arith.constant 0 : index
    %get3A_7 = vector.load %arg2[%get3A_4, %get3A_5, %get3A_6] : memref<2x2000x128xf32, #tpu.memory_space<vmem>>, vector<1x2000x128xf32>
    %get3A_8 = vector.shape_cast %get3A_7 : vector<1x2000x128xf32> to vector<2000x128xf32>
    %add3A = arith.addf %get3A_3, %get3A_8 : vector<2000x128xf32>
    %get3A_9 = arith.constant 0 : index
    %get3A_10 = arith.constant 0 : index
    %get3A_11 = vector.load %arg3[%get3A_9, %get3A_10] : memref<2000x1xf32, #tpu.memory_space<vmem>>, vector<2000x1xf32>
    %mul3A = vector.broadcast %get3A_11 : vector<2000x1xf32> to vector<2000x128xf32>
    %mul3A_12 = arith.mulf %add3A, %mul3A : vector<2000x128xf32>
    %get3A_13 = arith.constant 0 : index
    %get3A_14 = arith.constant 0 : index
    %get3A_15 = vector.load %arg4[%get3A_13, %get3A_14] : memref<128x128xf32, #tpu.memory_space<vmem>>, vector<128x128xf32>
    %dot_general3A = arith.constant dense<0.000000e+00> : vector<2000x128xf32>
    %dot_general3A_16 = tpu.matmul %mul3A_12, %get3A_15, %dot_general3A {dimension_numbers = #tpu.dot_dimension_numbers<[1], [0], [0], [1], [0, 0, 1, 1], [], []>, transpose_lhs_hint = false} : vector<2000x128xf32>, vector<128x128xf32>, vector<2000x128xf32> -> vector<2000x128xf32>
    %get3A_17 = arith.constant 0 : index
    %get3A_18 = arith.constant 0 : index
    %get3A_19 = vector.load %arg1[%get3A_17, %get3A_18] : memref<2000x128xf32, #tpu.memory_space<vmem>>, vector<2000x128xf32>
    %get3A_20 = arith.constant 0 : index
    %get3A_21 = arith.constant 0 : index
    %get3A_22 = vector.load %arg5[%get3A_20, %get3A_21] : memref<128x128xf32, #tpu.memory_space<vmem>>, vector<128x128xf32>
    %dot_general3A_23 = arith.constant dense<0.000000e+00> : vector<2000x128xf32>
    %dot_general3A_24 = tpu.matmul %get3A_19, %get3A_22, %dot_general3A_23 {dimension_numbers = #tpu.dot_dimension_numbers<[1], [0], [0], [1], [0, 0, 1, 1], [], []>, transpose_lhs_hint = false} : vector<2000x128xf32>, vector<128x128xf32>, vector<2000x128xf32> -> vector<2000x128xf32>
    %add3A_25 = arith.addf %dot_general3A_16, %dot_general3A_24 : vector<2000x128xf32>
    %get3A_26 = arith.constant 0 : index
    %get3A_27 = arith.constant 0 : index
    %get3A_28 = vector.load %arg7[%get3A_26, %get3A_27] : memref<1x128xf32, #tpu.memory_space<vmem>>, vector<1x128xf32>
    %mul3A_29 = arith.constant 0.999994993 : f32
    %mul3A_30 = vector.broadcast %mul3A_29 : f32 to vector<2000x128xf32>
    %mul3A_31 = arith.mulf %add3A_25, %mul3A_30 : vector<2000x128xf32>
    %mul3A_32 = vector.broadcast %get3A_28 : vector<1x128xf32> to vector<2000x128xf32>
    %mul3A_33 = arith.mulf %mul3A_32, %mul3A_31 : vector<2000x128xf32>
    %get3A_34 = arith.constant 0 : index
    %get3A_35 = arith.constant 0 : index
    %get3A_36 = vector.load %arg8[%get3A_34, %get3A_35] : memref<1x128xf32, #tpu.memory_space<vmem>>, vector<1x128xf32>
    %add3A_37 = vector.broadcast %get3A_36 : vector<1x128xf32> to vector<2000x128xf32>
    %add3A_38 = arith.addf %mul3A_33, %add3A_37 : vector<2000x128xf32>
    %max3A = arith.constant 0.000000e+00 : f32
    %max3A_39 = vector.broadcast %max3A : f32 to vector<2000x128xf32>
    %max3A_40 = arith.maximumf %add3A_38, %max3A_39 : vector<2000x128xf32>
    %swap3A = arith.constant 0 : index
    %swap3A_41 = arith.constant 0 : index
    %swap3A_42 = vector.load %arg10[%swap3A, %swap3A_41] : memref<2000x128xf32, #tpu.memory_space<vmem>>, vector<2000x128xf32>
    tpu.vector_store %arg10[%swap3A, %swap3A_41], %max3A_40 {strides = array<i32>} : memref<2000x128xf32, #tpu.memory_space<vmem>>, vector<2000x128xf32>,
    %get3A_43 = arith.constant 0 : index
    %get3A_44 = arith.constant 0 : index
    %get3A_45 = vector.load %arg1[%get3A_43, %get3A_44] : memref<2000x128xf32, #tpu.memory_space<vmem>>, vector<2000x128xf32>
    %get3A_46 = arith.constant 0 : index
    %get3A_47 = arith.constant 0 : index
    %get3A_48 = vector.load %arg6[%get3A_46, %get3A_47] : memref<128x128xf32, #tpu.memory_space<vmem>>, vector<128x128xf32>
    %dot_general3A_49 = arith.constant dense<0.000000e+00> : vector<2000x128xf32>
    %dot_general3A_50 = tpu.matmul %get3A_45, %get3A_48, %dot_general3A_49 {dimension_numbers = #tpu.dot_dimension_numbers<[1], [0], [0], [1], [0, 0, 1, 1], [], []>, transpose_lhs_hint = false} : vector<2000x128xf32>, vector<128x128xf32>, vector<2000x128xf32> -> vector<2000x128xf32>
    %add3A_51 = arith.addf %max3A_40, %dot_general3A_50 : vector<2000x128xf32>
    %get3A_52 = arith.constant 0 : index
    %get3A_53 = arith.constant 0 : index
    %get3A_54 = vector.load %arg9[%get3A_52, %get3A_53] : memref<1x128xf32, #tpu.memory_space<vmem>>, vector<1x128xf32>
    %add3A_55 = vector.broadcast %get3A_54 : vector<1x128xf32> to vector<2000x128xf32>
    %add3A_56 = arith.addf %add3A_51, %add3A_55 : vector<2000x128xf32>
    %swap3A_57 = arith.constant 0 : index
    %swap3A_58 = arith.constant 0 : index
    %swap3A_59 = vector.load %arg11[%swap3A_57, %swap3A_58] : memref<2000x128xf32, #tpu.memory_space<vmem>>, vector<2000x128xf32>
    tpu.vector_store %arg11[%swap3A_57, %swap3A_58], %add3A_56 {strides = array<i32>} : memref<2000x128xf32, #tpu.memory_space<vmem>>, vector<2000x128xf32>,
    return
  }
  func.func @transform_0(%arg0: i32) -> (i32, i32) {
    %c0_i32 = arith.constant 0 : i32
    %c0_i32_0 = arith.constant 0 : i32
    return %arg0, %c0_i32 : i32, i32
  }
  func.func @transform_1(%arg0: i32) -> (i32, i32, i32) {
    %c0_i32 = arith.constant 0 : i32
    %c0_i32_0 = arith.constant 0 : i32
    %c0_i32_1 = arith.constant 0 : i32
    return %c0_i32, %arg0, %c0_i32_0 : i32, i32, i32
  }
  func.func @transform_2(%arg0: i32) -> (i32, i32) {
    %c0_i32 = arith.constant 0 : i32
    %c0_i32_0 = arith.constant 0 : i32
    return %arg0, %c0_i32 : i32, i32
  }
  func.func @transform_3(%arg0: i32) -> (i32, i32) {
    %c0_i32 = arith.constant 0 : i32
    %c0_i32_0 = arith.constant 0 : i32
    %c0_i32_1 = arith.constant 0 : i32
    return %c0_i32, %c0_i32_0 : i32, i32
  }
  func.func @transform_4(%arg0: i32) -> (i32, i32) {
    %c0_i32 = arith.constant 0 : i32
    %c0_i32_0 = arith.constant 0 : i32
    %c0_i32_1 = arith.constant 0 : i32
    return %c0_i32, %c0_i32_0 : i32, i32
  }
  func.func @transform_5(%arg0: i32) -> (i32, i32) {
    %c0_i32 = arith.constant 0 : i32
    %c0_i32_0 = arith.constant 0 : i32
    %c0_i32_1 = arith.constant 0 : i32
    return %c0_i32, %c0_i32_0 : i32, i32
  }
  func.func @transform_6(%arg0: i32) -> (i32, i32) {
    %c0_i32 = arith.constant 0 : i32
    %c0_i32_0 = arith.constant 0 : i32
    %c0_i32_1 = arith.constant 0 : i32
    return %c0_i32, %c0_i32_0 : i32, i32
  }
  func.func @transform_7(%arg0: i32) -> (i32, i32) {
    %c0_i32 = arith.constant 0 : i32
    %c0_i32_0 = arith.constant 0 : i32
    %c0_i32_1 = arith.constant 0 : i32
    return %c0_i32, %c0_i32_0 : i32, i32
  }
  func.func @transform_8(%arg0: i32) -> (i32, i32) {
    %c0_i32 = arith.constant 0 : i32
    %c0_i32_0 = arith.constant 0 : i32
    %c0_i32_1 = arith.constant 0 : i32
    return %c0_i32, %c0_i32_0 : i32, i32
  }
  func.func @transform_9(%arg0: i32) -> (i32, i32) {
    %c0_i32 = arith.constant 0 : i32
    %c0_i32_0 = arith.constant 0 : i32
    return %arg0, %c0_i32 : i32, i32
  }
  func.func @transform_10(%arg0: i32) -> (i32, i32) {
    %c0_i32 = arith.constant 0 : i32
    %c0_i32_0 = arith.constant 0 : i32
    return %arg0, %c0_i32 : i32, i32
  }
}

module attributes {stable_mosaic.version = 14 : i64} {
  func.func @_dense2a_body(%arg0: i32, %arg1: memref<2000x128xf32, #tpu.memory_space<vmem>>, %arg2: memref<2000x128xf32, #tpu.memory_space<vmem>>, %arg3: memref<2000x128xf32, #tpu.memory_space<vmem>>, %arg4: memref<128x128xf32, #tpu.memory_space<vmem>>, %arg5: memref<128x128xf32, #tpu.memory_space<vmem>>, %arg6: memref<128x128xf32, #tpu.memory_space<vmem>>, %arg7: memref<1x128xf32, #tpu.memory_space<vmem>>, %arg8: memref<2000x128xf32, #tpu.memory_space<vmem>>, %arg9: memref<2000x128xf32, #tpu.memory_space<vmem>>) attributes {dimension_semantics = [#tpu.dimension_semantics<arbitrary>], iteration_bounds = array<i64: 5>, scalar_prefetch = 0 : i64, scratch_operands = 0 : i64, tpu.core_type = #tpu.core_type<tc>, window_params = [{transform_indices = @transform_0, window_bounds = array<i64: 2000, 128>}, {transform_indices = @transform_1, window_bounds = array<i64: 2000, 128>}, {transform_indices = @transform_2, window_bounds = array<i64: 2000, 128>}, {pipeline_mode = #tpu.pipeline_mode<synchronous>, transform_indices = @transform_3, window_bounds = array<i64: 128, 128>}, {pipeline_mode = #tpu.pipeline_mode<synchronous>, transform_indices = @transform_4, window_bounds = array<i64: 128, 128>}, {pipeline_mode = #tpu.pipeline_mode<synchronous>, transform_indices = @transform_5, window_bounds = array<i64: 128, 128>}, {pipeline_mode = #tpu.pipeline_mode<synchronous>, transform_indices = @transform_6, window_bounds = array<i64: 1, 128>}, {transform_indices = @transform_7, window_bounds = array<i64: 2000, 128>}, {transform_indices = @transform_8, window_bounds = array<i64: 2000, 128>}]} {
    %get3A = arith.constant 0 : index
    %get3A_0 = arith.constant 0 : index
    %get3A_1 = vector.load %arg3[%get3A, %get3A_0] : memref<2000x128xf32, #tpu.memory_space<vmem>>, vector<2000x128xf32>
    %get3A_2 = arith.constant 0 : index
    %get3A_3 = arith.constant 0 : index
    %get3A_4 = vector.load %arg4[%get3A_2, %get3A_3] : memref<128x128xf32, #tpu.memory_space<vmem>>, vector<128x128xf32>
    %dot_general3A = arith.constant dense<0.000000e+00> : vector<2000x128xf32>
    %dot_general3A_5 = tpu.matmul %get3A_1, %get3A_4, %dot_general3A {dimension_numbers = #tpu.dot_dimension_numbers<[1], [0], [0], [1], [0, 0, 1, 1], [], []>, transpose_lhs_hint = false} : vector<2000x128xf32>, vector<128x128xf32>, vector<2000x128xf32> -> vector<2000x128xf32>
    %swap3A = arith.constant 0 : index
    %swap3A_6 = arith.constant 0 : index
    %swap3A_7 = vector.load %arg8[%swap3A, %swap3A_6] : memref<2000x128xf32, #tpu.memory_space<vmem>>, vector<2000x128xf32>
    tpu.vector_store %arg8[%swap3A, %swap3A_6], %dot_general3A_5 {strides = array<i32>} : memref<2000x128xf32, #tpu.memory_space<vmem>>, vector<2000x128xf32>,
    %get3A_8 = arith.constant 0 : index
    %get3A_9 = arith.constant 0 : index
    %get3A_10 = vector.load %arg1[%get3A_8, %get3A_9] : memref<2000x128xf32, #tpu.memory_space<vmem>>, vector<2000x128xf32>
    %get3A_11 = arith.constant 0 : index
    %get3A_12 = arith.constant 0 : index
    %get3A_13 = vector.load %arg5[%get3A_11, %get3A_12] : memref<128x128xf32, #tpu.memory_space<vmem>>, vector<128x128xf32>
    %dot_general3A_14 = arith.constant dense<0.000000e+00> : vector<2000x128xf32>
    %dot_general3A_15 = tpu.matmul %get3A_10, %get3A_13, %dot_general3A_14 {dimension_numbers = #tpu.dot_dimension_numbers<[1], [0], [0], [1], [0, 0, 1, 1], [], []>, transpose_lhs_hint = false} : vector<2000x128xf32>, vector<128x128xf32>, vector<2000x128xf32> -> vector<2000x128xf32>
    %get3A_16 = arith.constant 0 : index
    %get3A_17 = arith.constant 0 : index
    %get3A_18 = vector.load %arg2[%get3A_16, %get3A_17] : memref<2000x128xf32, #tpu.memory_space<vmem>>, vector<2000x128xf32>
    %get3A_19 = arith.constant 0 : index
    %get3A_20 = arith.constant 0 : index
    %get3A_21 = vector.load %arg6[%get3A_19, %get3A_20] : memref<128x128xf32, #tpu.memory_space<vmem>>, vector<128x128xf32>
    %dot_general3A_22 = arith.constant dense<0.000000e+00> : vector<2000x128xf32>
    %dot_general3A_23 = tpu.matmul %get3A_18, %get3A_21, %dot_general3A_22 {dimension_numbers = #tpu.dot_dimension_numbers<[1], [0], [0], [1], [0, 0, 1, 1], [], []>, transpose_lhs_hint = false} : vector<2000x128xf32>, vector<128x128xf32>, vector<2000x128xf32> -> vector<2000x128xf32>
    %add3A = arith.addf %dot_general3A_15, %dot_general3A_23 : vector<2000x128xf32>
    %get3A_24 = arith.constant 0 : index
    %get3A_25 = arith.constant 0 : index
    %get3A_26 = vector.load %arg7[%get3A_24, %get3A_25] : memref<1x128xf32, #tpu.memory_space<vmem>>, vector<1x128xf32>
    %add3A_27 = vector.broadcast %get3A_26 : vector<1x128xf32> to vector<2000x128xf32>
    %add3A_28 = arith.addf %add3A, %add3A_27 : vector<2000x128xf32>
    %swap3A_29 = arith.constant 0 : index
    %swap3A_30 = arith.constant 0 : index
    %swap3A_31 = vector.load %arg9[%swap3A_29, %swap3A_30] : memref<2000x128xf32, #tpu.memory_space<vmem>>, vector<2000x128xf32>
    tpu.vector_store %arg9[%swap3A_29, %swap3A_30], %add3A_28 {strides = array<i32>} : memref<2000x128xf32, #tpu.memory_space<vmem>>, vector<2000x128xf32>,
    return
  }
  func.func @transform_0(%arg0: i32) -> (i32, i32) {
    %c0_i32 = arith.constant 0 : i32
    %c0_i32_0 = arith.constant 0 : i32
    return %arg0, %c0_i32 : i32, i32
  }
  func.func @transform_1(%arg0: i32) -> (i32, i32) {
    %c0_i32 = arith.constant 0 : i32
    %c0_i32_0 = arith.constant 0 : i32
    return %arg0, %c0_i32 : i32, i32
  }
  func.func @transform_2(%arg0: i32) -> (i32, i32) {
    %c0_i32 = arith.constant 0 : i32
    %c0_i32_0 = arith.constant 0 : i32
    return %arg0, %c0_i32 : i32, i32
  }
  func.func @transform_3(%arg0: i32) -> (i32, i32) {
    %c0_i32 = arith.constant 0 : i32
    %c0_i32_0 = arith.constant 0 : i32
    %c0_i32_1 = arith.constant 0 : i32
    return %c0_i32, %c0_i32_0 : i32, i32
  }
  func.func @transform_4(%arg0: i32) -> (i32, i32) {
    %c0_i32 = arith.constant 0 : i32
    %c0_i32_0 = arith.constant 0 : i32
    %c0_i32_1 = arith.constant 0 : i32
    return %c0_i32, %c0_i32_0 : i32, i32
  }
  func.func @transform_5(%arg0: i32) -> (i32, i32) {
    %c0_i32 = arith.constant 0 : i32
    %c0_i32_0 = arith.constant 0 : i32
    %c0_i32_1 = arith.constant 0 : i32
    return %c0_i32, %c0_i32_0 : i32, i32
  }
  func.func @transform_6(%arg0: i32) -> (i32, i32) {
    %c0_i32 = arith.constant 0 : i32
    %c0_i32_0 = arith.constant 0 : i32
    %c0_i32_1 = arith.constant 0 : i32
    return %c0_i32, %c0_i32_0 : i32, i32
  }
  func.func @transform_7(%arg0: i32) -> (i32, i32) {
    %c0_i32 = arith.constant 0 : i32
    %c0_i32_0 = arith.constant 0 : i32
    return %arg0, %c0_i32 : i32, i32
  }
  func.func @transform_8(%arg0: i32) -> (i32, i32) {
    %c0_i32 = arith.constant 0 : i32
    %c0_i32_0 = arith.constant 0 : i32
    return %arg0, %c0_i32 : i32, i32
  }
}

module attributes {stable_mosaic.version = 14 : i64} {
  func.func @_dense2b_body(%arg0: i32, %arg1: memref<2000x128xf32, #tpu.memory_space<vmem>>, %arg2: memref<2000x128xf32, #tpu.memory_space<vmem>>, %arg3: memref<2x2000x128xf32, #tpu.memory_space<vmem>>, %arg4: memref<2000x1xf32, #tpu.memory_space<vmem>>, %arg5: memref<128x128xf32, #tpu.memory_space<vmem>>, %arg6: memref<1x128xf32, #tpu.memory_space<vmem>>, %arg7: memref<1x128xf32, #tpu.memory_space<vmem>>, %arg8: memref<128x128xf32, #tpu.memory_space<vmem>>, %arg9: memref<1x128xf32, #tpu.memory_space<vmem>>, %arg10: memref<1x128xf32, #tpu.memory_space<vmem>>, %arg11: memref<128x128xf32, #tpu.memory_space<vmem>>, %arg12: memref<1x128xf32, #tpu.memory_space<vmem>>, %arg13: memref<2000x40xf32, #tpu.memory_space<vmem>>) attributes {dimension_semantics = [#tpu.dimension_semantics<arbitrary>], iteration_bounds = array<i64: 5>, scalar_prefetch = 0 : i64, scratch_operands = 0 : i64, tpu.core_type = #tpu.core_type<tc>, window_params = [{transform_indices = @transform_0, window_bounds = array<i64: 2000, 128>}, {transform_indices = @transform_1, window_bounds = array<i64: 2000, 128>}, {transform_indices = @transform_2, window_bounds = array<i64: 2, 2000, 128>}, {transform_indices = @transform_3, window_bounds = array<i64: 2000, 1>}, {pipeline_mode = #tpu.pipeline_mode<synchronous>, transform_indices = @transform_4, window_bounds = array<i64: 128, 128>}, {pipeline_mode = #tpu.pipeline_mode<synchronous>, transform_indices = @transform_5, window_bounds = array<i64: 1, 128>}, {pipeline_mode = #tpu.pipeline_mode<synchronous>, transform_indices = @transform_6, window_bounds = array<i64: 1, 128>}, {pipeline_mode = #tpu.pipeline_mode<synchronous>, transform_indices = @transform_7, window_bounds = array<i64: 128, 128>}, {pipeline_mode = #tpu.pipeline_mode<synchronous>, transform_indices = @transform_8, window_bounds = array<i64: 1, 128>}, {pipeline_mode = #tpu.pipeline_mode<synchronous>, transform_indices = @transform_9, window_bounds = array<i64: 1, 128>}, {pipeline_mode = #tpu.pipeline_mode<synchronous>, transform_indices = @transform_10, window_bounds = array<i64: 128, 128>}, {pipeline_mode = #tpu.pipeline_mode<synchronous>, transform_indices = @transform_11, window_bounds = array<i64: 1, 128>}, {transform_indices = @transform_12, window_bounds = array<i64: 2000, 40>}]} {
    %get3A = arith.constant 0 : index
    %get3A_0 = arith.constant 0 : index
    %get3A_1 = arith.constant 0 : index
    %get3A_2 = vector.load %arg3[%get3A, %get3A_0, %get3A_1] : memref<2x2000x128xf32, #tpu.memory_space<vmem>>, vector<1x2000x128xf32>
    %get3A_3 = vector.shape_cast %get3A_2 : vector<1x2000x128xf32> to vector<2000x128xf32>
    %get3A_4 = arith.constant 1 : index
    %get3A_5 = arith.constant 0 : index
    %get3A_6 = arith.constant 0 : index
    %get3A_7 = vector.load %arg3[%get3A_4, %get3A_5, %get3A_6] : memref<2x2000x128xf32, #tpu.memory_space<vmem>>, vector<1x2000x128xf32>
    %get3A_8 = vector.shape_cast %get3A_7 : vector<1x2000x128xf32> to vector<2000x128xf32>
    %add3A = arith.addf %get3A_3, %get3A_8 : vector<2000x128xf32>
    %get3A_9 = arith.constant 0 : index
    %get3A_10 = arith.constant 0 : index
    %get3A_11 = vector.load %arg4[%get3A_9, %get3A_10] : memref<2000x1xf32, #tpu.memory_space<vmem>>, vector<2000x1xf32>
    %mul3A = vector.broadcast %get3A_11 : vector<2000x1xf32> to vector<2000x128xf32>
    %mul3A_12 = arith.mulf %add3A, %mul3A : vector<2000x128xf32>
    %get3A_13 = arith.constant 0 : index
    %get3A_14 = arith.constant 0 : index
    %get3A_15 = vector.load %arg5[%get3A_13, %get3A_14] : memref<128x128xf32, #tpu.memory_space<vmem>>, vector<128x128xf32>
    %dot_general3A = arith.constant dense<0.000000e+00> : vector<2000x128xf32>
    %dot_general3A_16 = tpu.matmul %mul3A_12, %get3A_15, %dot_general3A {dimension_numbers = #tpu.dot_dimension_numbers<[1], [0], [0], [1], [0, 0, 1, 1], [], []>, transpose_lhs_hint = false} : vector<2000x128xf32>, vector<128x128xf32>, vector<2000x128xf32> -> vector<2000x128xf32>
    %get3A_17 = arith.constant 0 : index
    %get3A_18 = arith.constant 0 : index
    %get3A_19 = vector.load %arg1[%get3A_17, %get3A_18] : memref<2000x128xf32, #tpu.memory_space<vmem>>, vector<2000x128xf32>
    %add3A_20 = arith.addf %dot_general3A_16, %get3A_19 : vector<2000x128xf32>
    %get3A_21 = arith.constant 0 : index
    %get3A_22 = arith.constant 0 : index
    %get3A_23 = vector.load %arg6[%get3A_21, %get3A_22] : memref<1x128xf32, #tpu.memory_space<vmem>>, vector<1x128xf32>
    %mul3A_24 = arith.constant 0.999994993 : f32
    %mul3A_25 = vector.broadcast %mul3A_24 : f32 to vector<2000x128xf32>
    %mul3A_26 = arith.mulf %add3A_20, %mul3A_25 : vector<2000x128xf32>
    %mul3A_27 = vector.broadcast %get3A_23 : vector<1x128xf32> to vector<2000x128xf32>
    %mul3A_28 = arith.mulf %mul3A_27, %mul3A_26 : vector<2000x128xf32>
    %get3A_29 = arith.constant 0 : index
    %get3A_30 = arith.constant 0 : index
    %get3A_31 = vector.load %arg7[%get3A_29, %get3A_30] : memref<1x128xf32, #tpu.memory_space<vmem>>, vector<1x128xf32>
    %add3A_32 = vector.broadcast %get3A_31 : vector<1x128xf32> to vector<2000x128xf32>
    %add3A_33 = arith.addf %mul3A_28, %add3A_32 : vector<2000x128xf32>
    %max3A = arith.constant 0.000000e+00 : f32
    %max3A_34 = vector.broadcast %max3A : f32 to vector<2000x128xf32>
    %max3A_35 = arith.maximumf %add3A_33, %max3A_34 : vector<2000x128xf32>
    %get3A_36 = arith.constant 0 : index
    %get3A_37 = arith.constant 0 : index
    %get3A_38 = vector.load %arg8[%get3A_36, %get3A_37] : memref<128x128xf32, #tpu.memory_space<vmem>>, vector<128x128xf32>
    %dot_general3A_39 = arith.constant dense<0.000000e+00> : vector<2000x128xf32>
    %dot_general3A_40 = tpu.matmul %max3A_35, %get3A_38, %dot_general3A_39 {dimension_numbers = #tpu.dot_dimension_numbers<[1], [0], [0], [1], [0, 0, 1, 1], [], []>, transpose_lhs_hint = false} : vector<2000x128xf32>, vector<128x128xf32>, vector<2000x128xf32> -> vector<2000x128xf32>
    %get3A_41 = arith.constant 0 : index
    %get3A_42 = arith.constant 0 : index
    %get3A_43 = vector.load %arg2[%get3A_41, %get3A_42] : memref<2000x128xf32, #tpu.memory_space<vmem>>, vector<2000x128xf32>
    %add3A_44 = arith.addf %dot_general3A_40, %get3A_43 : vector<2000x128xf32>
    %get3A_45 = arith.constant 0 : index
    %get3A_46 = arith.constant 0 : index
    %get3A_47 = vector.load %arg9[%get3A_45, %get3A_46] : memref<1x128xf32, #tpu.memory_space<vmem>>, vector<1x128xf32>
    %mul3A_48 = arith.constant 0.999994993 : f32
    %mul3A_49 = vector.broadcast %mul3A_48 : f32 to vector<2000x128xf32>
    %mul3A_50 = arith.mulf %add3A_44, %mul3A_49 : vector<2000x128xf32>
    %mul3A_51 = vector.broadcast %get3A_47 : vector<1x128xf32> to vector<2000x128xf32>
    %mul3A_52 = arith.mulf %mul3A_51, %mul3A_50 : vector<2000x128xf32>
    %get3A_53 = arith.constant 0 : index
    %get3A_54 = arith.constant 0 : index
    %get3A_55 = vector.load %arg10[%get3A_53, %get3A_54] : memref<1x128xf32, #tpu.memory_space<vmem>>, vector<1x128xf32>
    %add3A_56 = vector.broadcast %get3A_55 : vector<1x128xf32> to vector<2000x128xf32>
    %add3A_57 = arith.addf %mul3A_52, %add3A_56 : vector<2000x128xf32>
    %max3A_58 = arith.constant 0.000000e+00 : f32
    %max3A_59 = vector.broadcast %max3A_58 : f32 to vector<2000x128xf32>
    %max3A_60 = arith.maximumf %add3A_57, %max3A_59 : vector<2000x128xf32>
    %get3A_61 = arith.constant 0 : index
    %get3A_62 = arith.constant 0 : index
    %get3A_63 = vector.load %arg11[%get3A_61, %get3A_62] : memref<128x128xf32, #tpu.memory_space<vmem>>, vector<128x128xf32>
    %dot_general3A_64 = arith.constant dense<0.000000e+00> : vector<2000x128xf32>
    %dot_general3A_65 = tpu.matmul %max3A_60, %get3A_63, %dot_general3A_64 {dimension_numbers = #tpu.dot_dimension_numbers<[1], [0], [0], [1], [0, 0, 1, 1], [], []>, transpose_lhs_hint = false} : vector<2000x128xf32>, vector<128x128xf32>, vector<2000x128xf32> -> vector<2000x128xf32>
    %get3A_66 = arith.constant 0 : index
    %get3A_67 = arith.constant 0 : index
    %get3A_68 = vector.load %arg12[%get3A_66, %get3A_67] : memref<1x128xf32, #tpu.memory_space<vmem>>, vector<1x128xf32>
    %add3A_69 = vector.broadcast %get3A_68 : vector<1x128xf32> to vector<2000x128xf32>
    %add3A_70 = arith.addf %dot_general3A_65, %add3A_69 : vector<2000x128xf32>
    %slice3A = vector.extract_strided_slice %add3A_70 {offsets = [0, 0], sizes = [2000, 40], strides = [1, 1]} : vector<2000x128xf32> to vector<2000x40xf32>
    %swap3A = arith.constant 0 : index
    %swap3A_71 = arith.constant 0 : index
    %swap3A_72 = vector.load %arg13[%swap3A, %swap3A_71] : memref<2000x40xf32, #tpu.memory_space<vmem>>, vector<2000x40xf32>
    tpu.vector_store %arg13[%swap3A, %swap3A_71], %slice3A {strides = array<i32>} : memref<2000x40xf32, #tpu.memory_space<vmem>>, vector<2000x40xf32>,
    return
  }
  func.func @transform_0(%arg0: i32) -> (i32, i32) {
    %c0_i32 = arith.constant 0 : i32
    %c0_i32_0 = arith.constant 0 : i32
    return %arg0, %c0_i32 : i32, i32
  }
  func.func @transform_1(%arg0: i32) -> (i32, i32) {
    %c0_i32 = arith.constant 0 : i32
    %c0_i32_0 = arith.constant 0 : i32
    return %arg0, %c0_i32 : i32, i32
  }
  func.func @transform_2(%arg0: i32) -> (i32, i32, i32) {
    %c0_i32 = arith.constant 0 : i32
    %c0_i32_0 = arith.constant 0 : i32
    %c0_i32_1 = arith.constant 0 : i32
    return %c0_i32, %arg0, %c0_i32_0 : i32, i32, i32
  }
  func.func @transform_3(%arg0: i32) -> (i32, i32) {
    %c0_i32 = arith.constant 0 : i32
    %c0_i32_0 = arith.constant 0 : i32
    return %arg0, %c0_i32 : i32, i32
  }
  func.func @transform_4(%arg0: i32) -> (i32, i32) {
    %c0_i32 = arith.constant 0 : i32
    %c0_i32_0 = arith.constant 0 : i32
    %c0_i32_1 = arith.constant 0 : i32
    return %c0_i32, %c0_i32_0 : i32, i32
  }
  func.func @transform_5(%arg0: i32) -> (i32, i32) {
    %c0_i32 = arith.constant 0 : i32
    %c0_i32_0 = arith.constant 0 : i32
    %c0_i32_1 = arith.constant 0 : i32
    return %c0_i32, %c0_i32_0 : i32, i32
  }
  func.func @transform_6(%arg0: i32) -> (i32, i32) {
    %c0_i32 = arith.constant 0 : i32
    %c0_i32_0 = arith.constant 0 : i32
    %c0_i32_1 = arith.constant 0 : i32
    return %c0_i32, %c0_i32_0 : i32, i32
  }
  func.func @transform_7(%arg0: i32) -> (i32, i32) {
    %c0_i32 = arith.constant 0 : i32
    %c0_i32_0 = arith.constant 0 : i32
    %c0_i32_1 = arith.constant 0 : i32
    return %c0_i32, %c0_i32_0 : i32, i32
  }
  func.func @transform_8(%arg0: i32) -> (i32, i32) {
    %c0_i32 = arith.constant 0 : i32
    %c0_i32_0 = arith.constant 0 : i32
    %c0_i32_1 = arith.constant 0 : i32
    return %c0_i32, %c0_i32_0 : i32, i32
  }
  func.func @transform_9(%arg0: i32) -> (i32, i32) {
    %c0_i32 = arith.constant 0 : i32
    %c0_i32_0 = arith.constant 0 : i32
    %c0_i32_1 = arith.constant 0 : i32
    return %c0_i32, %c0_i32_0 : i32, i32
  }
  func.func @transform_10(%arg0: i32) -> (i32, i32) {
    %c0_i32 = arith.constant 0 : i32
    %c0_i32_0 = arith.constant 0 : i32
    %c0_i32_1 = arith.constant 0 : i32
    return %c0_i32, %c0_i32_0 : i32, i32
  }
  func.func @transform_11(%arg0: i32) -> (i32, i32) {
    %c0_i32 = arith.constant 0 : i32
    %c0_i32_0 = arith.constant 0 : i32
    %c0_i32_1 = arith.constant 0 : i32
    return %c0_i32, %c0_i32_0 : i32, i32
  }
  func.func @transform_12(%arg0: i32) -> (i32, i32) {
    %c0_i32 = arith.constant 0 : i32
    %c0_i32_0 = arith.constant 0 : i32
    return %arg0, %c0_i32 : i32, i32
  }
}

</mosaic_0001>

<sc_bundles>
// kernel: kernel.10.cloned.1.call-start
scs
__scs_entry_jumppad:
0x0: {  	(pc) =	sbr.rel $0x88, $3  }
0x1: {  	(tag) =	ssettag $0x0;
	lr =	simm.s32 $0x1  }
0x2: {  	[smem:$0x3F8F] =	sst lr;
	_ =	strace $0xD0000000  }
0x3: {  	_ = 	snop  }
0x4: {  	_ = 	snop  }
0x5: {  	_ = 	snop  }
0x6: {  	_ = 	snop  }
0x7: {  	_ = 	snop  }
__scs_overlays_trampoline_lowered:
0x8: {  	[smem:$0x3F9E] =	sst s0  }
0x9: {  	[smem:$0x3F9F] =	sst s1  }
0xa: {  	[smem:$0x3FA0] =	sst s2  }
0xb: {  	[smem:$0x3FA1] =	sst s3  }
0xc: {  	[smem:$0x3FA2] =	sst s4  }
0xd: {  	[smem:$0x3FA3] =	sst s5  }
0xe: {  	[smem:$0x3FA4] =	sst s6  }
0xf: {  	[smem:$0x3FA5] =	sst s7  }
0x10: {  	[smem:$0x3FA6] =	sst s8  }
0x11: {  	[smem:$0x3FA7] =	sst s9;
	s0 =	simm.s32 @!p0 $0x0  }
0x12: {  	s1 =	sld [smem:$0x3F8D];
	s0 =	simm.s32 @p0 $0x1  }
0x13: {  	[smem:$0x3FA8] =	sst s0;
	s0 =	simm.s32 @!p1 $0x0  }
0x14: {  	s2 =	sld [smem:$0x3F8C];
	s0 =	simm.s32 @p1 $0x1  }
0x15: {  	[smem:$0x3FA9] =	sst s0;
	s0 =	simm.s32 @!p2 $0x0  }
0x16: {  	s3 =	sld [smem:$0x3FDB];
	s0 =	simm.s32 @p2 $0x1  }
0x17: {  	s4 =	simm.s32 $0x1BF5;
	[smem:$0x3FAB] =	sst s0  }
0x18: {  	s0 =	sld [smem:$0x3F8E];
	_ =	swait.ge [sflag:s4], $0x0  }
0x19: {  	s7 =	sld [smem:$0x3F8F]  }
0x1a: {  	s8 =	sadd.s32 $0xFFFFE003, lr  }
0x1b: {  	s9 =	sadd.s32 $0xFFFFFEF7, lr;
	s5 =	simm.s32 $0xFFFFFFFF;
	p2 =	slt.u32 s8, $0xFFFFF086  }
0x1c: {  	p1 =	slt.u32 s9, $0xF7A;
	s5 =	simm.s32 @!p2 $0x0  }
0x1d: {  	s5 =	simm.s32 @p1 $0x1;
	p0 =	seq.s32 s7, s2  }
0x1e: {  	s7 =	smul.u32 @!p0 $0xF7A, s2;
	p2 =	seq.s32 @!p0 s5, $0x0  }
0x1f: {  	s9 =	smul.u32 $0xF7A, s1;
	s8 =	simm.s32 @!p0 $0x1BF5;
	p2 =	por !p2, p0  }
0x20: {  	[sflag:s8] =	ssyncset.s32 @!p0 $0xFFFFF086;
	s6 =	sadd.s32 @!p0 s3, s7;
	s7 =	simm.s32 @!p0 $0x108  }
0x21: {  	s3 =	sadd.s32 s3, s9;
	s6 =	sadd.s32 @!p0 $0x88, s6;
	s7 =	simm.s32 @p2 $0x1082  }
0x22: {  	[simem:s7], [sflag:s8] =	dma.local @!p0 [hbm:s6], $0xF7A  }
0x23: {  	s9 =	sor.u32 $0xD0000000, s2;
	s6 =	simm.s32 $0x108;
	_ =	swait.ge @!p0 [sflag:s8], $0x0  }
0x24: {  	s3 =	sadd.s32 $0x88, s3;
	s6 =	simm.s32 @!p1 $0x1082;
	[sflag:s4] =	ssyncset.s32 $0xFFFFF086  }
0x25: {  	[simem:s6], [sflag:s4] =	dma.local [hbm:s3], $0xF7A  }
0x26: {  	[smem:$0x3F8F] =	sst s1;
	(tag) =	ssettag s2;
	_ =	strace s9  }
0x27: {  	s1 =	sld [smem:$0x3F9F]  }
0x28: {  	s2 =	sld [smem:$0x3FA0]  }
0x29: {  	s4 =	sld [smem:$0x3FA2]  }
0x2a: {  	p0 =	seq.s32 s5, $0x0;
	s5 =	sld [smem:$0x3FA3]  }
0x2b: {  	s6 =	sld [smem:$0x3FA4]  }
0x2c: {  	s7 =	sld [smem:$0x3FA5]  }
0x2d: {  	s3 =	simm.s32 $0x108;
	s8 =	sld [smem:$0x3FA6]  }
0x2e: {  	s3 =	simm.s32 @!p0 $0x1082;
	s9 =	sld [smem:$0x3FA7]  }
0x2f: {  	lr =	sadd.s32 s0, s3;
	s0 =	sld [smem:$0x3F9E]  }
0x30: {  	s3 =	sld [smem:$0x3FA1]  }
0x31: {  	[smem:$0x3FAA] =	sst s10  }
0x32: {  	s10 =	sld [smem:$0x3FA8];
	_ =	sdelay $0x3  }
0x33: {  	p0 =	seq.s32 s10, $0x1;
	s10 =	sld [smem:$0x3FAA];
	_ =	sdelay $0x3  }
0x34: {  	[smem:$0x3FAA] =	sst s10  }
0x35: {  	s10 =	sld [smem:$0x3FA9];
	_ =	sdelay $0x3  }
0x36: {  	p1 =	seq.s32 s10, $0x1;
	s10 =	sld [smem:$0x3FAA];
	_ =	sdelay $0x3  }
0x37: {  	[smem:$0x3FAA] =	sst s10  }
0x38: {  	s10 =	sld [smem:$0x3FAB]  }
0x39: {  	_ = 	snop;
	(pc) =	sbr.ind lr, $3  }
0x3a: {  	_ = 	snop  }
0x3b: {  	_ = 	snop  }
0x3c: {  	p2 =	seq.s32 s10, $0x1;
	s10 =	sld [smem:$0x3FAA]  }
0x3d: {  	_ =	shalt  }
0x3e: {  	_ =	shalt  }
0x3f: {  	_ =	shalt  }
0x40: {  	_ =	shalt  }
0x41: {  	_ =	shalt  }
0x42: {  	_ =	shalt  }
0x43: {  	_ =	shalt  }
0x44: {  	_ =	shalt  }
0x45: {  	_ =	shalt  }
0x46: {  	_ =	shalt  }
0x47: {  	_ =	shalt  }
0x48: {  	_ =	shalt  }
0x49: {  	_ =	shalt  }
0x4a: {  	_ =	shalt  }
0x4b: {  	_ =	shalt  }
0x4c: {  	_ =	shalt  }
0x4d: {  	_ =	shalt  }
0x4e: {  	_ =	shalt  }
0x4f: {  	_ =	shalt  }
0x50: {  	_ =	shalt  }
0x51: {  	_ =	shalt  }
0x52: {  	_ =	shalt  }
0x53: {  	_ =	shalt  }
0x54: {  	_ =	shalt  }
0x55: {  	_ =	shalt  }
0x56: {  	_ =	shalt  }
0x57: {  	_ =	shalt  }
0x58: {  	_ =	shalt  }
0x59: {  	_ =	shalt  }
0x5a: {  	_ =	shalt  }
0x5b: {  	_ =	shalt  }
0x5c: {  	_ =	shalt  }
0x5d: {  	_ =	shalt  }
0x5e: {  	_ =	shalt  }
0x5f: {  	_ =	shalt  }
0x60: {  	_ =	shalt  }
0x61: {  	_ =	shalt  }
0x62: {  	_ =	shalt  }
0x63: {  	_ =	shalt  }
0x64: {  	_ =	shalt  }
0x65: {  	_ =	shalt  }
0x66: {  	_ =	shalt  }
0x67: {  	_ =	shalt  }
0x68: {  	_ =	shalt  }
0x69: {  	_ =	shalt  }
0x6a: {  	_ =	shalt  }
0x6b: {  	_ =	shalt  }
0x6c: {  	_ =	shalt  }
0x6d: {  	_ =	shalt  }
0x6e: {  	_ =	shalt  }
0x6f: {  	_ =	shalt  }
0x70: {  	_ =	shalt  }
0x71: {  	_ =	shalt  }
0x72: {  	_ =	shalt  }
0x73: {  	_ =	shalt  }
0x74: {  	_ =	shalt  }
0x75: {  	_ =	shalt  }
0x76: {  	_ =	shalt  }
0x77: {  	_ =	shalt  }
0x78: {  	_ =	shalt  }
0x79: {  	_ =	shalt  }
0x7a: {  	_ =	shalt  }
0x7b: {  	_ =	shalt  }
0x7c: {  	_ =	shalt  }
0x7d: {  	_ =	shalt  }
0x7e: {  	_ =	shalt  }
0x7f: {  	_ =	shalt  }
0x80: {  	_ =	shalt  }
0x81: {  	_ =	shalt  }
0x82: {  	_ =	shalt  }
0x83: {  	_ =	shalt  }
0x84: {  	_ =	shalt  }
0x85: {  	_ =	shalt  }
0x86: {  	_ =	shalt  }
0x87: {  	_ =	shalt  }
.Lfunc_end0:
.L_simem_size_0:
called_computation.1_lowered:
.L_overlay_start_0:
0x88: {  	s2 =	sld [smem:$0x3FD9]  }
0x89: {  	s3 =	sld [smem:$0x3FFE];
	_ =	sdelay $0x1  }
0x8a: {  	s1 =	srdreg.scid  }
0x8b: {  	s0 =	sand.u32 $0x1, s1  }
0x8c: {  	s17 =	sshll.u32 s0, $0xA;
	s2 =	sadd.s32 s3, s2  }
0x8d: {  	s2 =	sadd.s32 s2, s17  }
0x8e: {  	[smem:$0x3FB6] =	sst s2  }
0x8f: {  	_ = 	snop  }
0x90: {  	s2 =	sld [smem:$0x3FD0];
	(tm) =	ssettm $0x1  }
0x91: {  	s18 =	sld [smem:$0x3FFB];
	_ =	sdelay $0x3  }
0x92: {  	_ =	strace s18  }
0x93: {  	s3 =	sld [smem:$0x3FFC];
	_ =	sdelay $0x3  }
0x94: {  	_ =	strace s3  }
0x95: {  	s3 =	sld [smem:$0x3FFD];
	_ =	sdelay $0x3  }
0x96: {  	_ =	strace s3  }
0x97: {  	_ =	strace $0x8FFFFFFF  }
0x98: {  	s19 =	sld [smem:$0x3FDB];
	_ =	sdelay $0x1  }
0x99: {  	s4 =	simm.s32 $_scs_section_size  }
0x9a: {  	s5 =	simm.s32 $_size__tile_overlayer_lowered;
	s6 =	simm.s32 $_tile_overlayer_lowered  }
0x9b: {  	s22 =	simm.s32 $0x1BFF;
	s21 =	sshll.u32 s6, $0x1;
	s3 =	sadd.s32 s4, s19  }
0x9c: {  	s7 =	simm.s32 $0x0;
	s20 =	sshll.u32 s5, $0x1;
	s5 =	sadd.s32 s21, s3  }
0x9d: {  	[timem:s7], [sflag:s22] =	dma.local [hbm:s5], s20  }
0x9e: {  	_ =	swait.ge [sflag:s22], s20  }
0x9f: {  	s4 =	ssub.s32 $0x0, s20;
	[sflag:s22] =	ssyncset.done $0x0  }
0xa0: {  	[sflag:s22] =	ssyncadd.s32 s4;
	_ =	sdelay $0x1  }
0xa1: {  	s23 =	simm.s32 $0x1B8B  }
0xa2: {  	_ =	swait.ge [sflag:s23], $0x1  }
0xa3: {  	[sflag:s23] =	ssyncset.done $0x0  }
0xa4: {  	s25 =	simm.s32 $0x1B8E;
	s24 =	sld [smem:$0x3FFE];
	[sflag:s23] =	ssyncadd.s32 $0xFFFFFFFF  }
0xa5: {  	s26 =	simm.s32 $execute0_lowered;
	[smem:$0x3FD2] =	sst s25  }
0xa6: {  	s5 =	sshll.u32 s26, $0x1;
	_ =	strace $0x80000049;
	[dreg:$0x1] =	wrdreg $0xFFFFFFFF  }
0xa7: {  	s28 =	simm.s32 $_size_execute0_lowered;
	s3 =	sadd.s32 s3, s5;
	[dreg:$0x0] =	wrdreg $0x0  }
0xa8: {  	s5 =	sshll.u32 s28, $0x1;
	[dreg:$0x2] =	wrdreg s3  }
0xa9: {  	[dreg:$0x3] =	wrdreg s5  }
0xaa: {  	[dreg:$0x4] =	wrdreg $0xC0  }
0xab: {  	_ =	task [dreg:s7], $0x5FFFF  }
0xac: {  	[dreg:$0x1] =	wrdreg $0xFFFFFFFF  }
0xad: {  	[dreg:$0x0] =	wrdreg $0x60  }
0xae: {  	[dreg:$0x2] =	wrdreg s24  }
0xaf: {  	[dreg:$0x3] =	wrdreg s2  }
0xb0: {  	[dreg:$0x4] =	wrdreg $0xA4000  }
0xb1: {  	[dreg:$0x5] =	wrdreg $0x9  }
0xb2: {  	_ =	task.clear_ibuf [dreg:s7], $0x6FFFF;
	_ =	strace $0x90000049  }
0xb3: {  	s29 =	simm.s32 $0x9;
	_ =	strace $0x8000004B  }
0xb4: {  	_ =	swait.ge [sflag:s29], $0x1  }
0xb5: {  	[sflag:s29] =	ssyncadd.s32 $0xFFFFFFFF  }
0xb6: {  	_ =	strace $0x9000004B  }
0xb7: {  	_ =	sfence  }
0xb8: {  	s30 =	sld [smem:$0x0];
	_ =	sdelay $0x2  }
0xb9: {  	s31 =	sshll.u32 s1, $0xD;
	s1 =	sshrl.u32 s1, $0x2  }
0xba: {  	s3 =	sand.u32 $0x4000, s31;
	s1 =	sadd.s32 s1, s30  }
0xbb: {  	s0 =	sor.u32 s3, s0;
	s1 =	sshll.u32 s1, $0x11  }
0xbc: {  	s0 =	sor.u32 s1, s0  }
0xbd: {  	s0 =	sadd.s32 $0x8F2B, s0  }
0xbe: {  	[sflag:s0] =	ssyncadd.remote.s32 $0x1  }
0xbf: {  	_ =	sfence.sel $0xFFFF  }
0xc0: {  	[dreg:$0x0] =	wrdreg $0xFFFFFFFF;
	(pc) =	sbr.abs _section_cstart, $3  }
0xc1: {  	[dreg:$0x1] =	wrdreg $0xFFFFFFFF  }
0xc2: {  	_ =	task.clear_ibuf [dreg:s7], $0x2FFFF;
	_ =	strace $0x9FFFFFFF  }
0xc3: {  	(tm) =	ssettm $0x7FFFFFFF  }
tec
execute0_lowered:
.L_overlay_start_1:
0x0: {  	(tag) =	ssettag $0x1  }
0x1: {  	s0 =	rddreg [dreg:$0x0]  }
0x2: {  	s2 =	rddreg [dreg:$0x2];
	s4 =	simm.s32 $0x0  }
0x3: {  	s1 =	srdreg.scid;
	s11 =	stileid.u32;
	s29 =	simm.s32 $0x11  }
0x4: {  	s31 =	simm.s32 $0x400;
	s30 =	simm.s32 $0x100;
	s7 =	smul.u32 $0x14000, s11  }
0x5: {  	[smem:$0x7FF] =	sst s4;
	s1 =	sand.u32 $0x1, s1;
	s10 =	smul.u32 $0x50000, s11  }
0x6: {  	s5 =	sadd.s32 $0x17E00, s0;
	s6 =	sadd.s32 $0x4400, s0;
	s20 =	smul.u32 $0x2710, s11  }
0x7: {  	s26 =	sshll.u32 s11, $0x6;
	s3 =	smul.u32 $0x140000, s1;
	_ =	strace $0x8000004A  }
0x8: {  	s8 =	sshll.u32 s1, $0x4;
	s23 =	ssub.s32 $0x2, s1;
	s26 =	sor.u32 $0x1C11, s26  }
0x9: {  	s1 =	smul.u32 $0x27100, s1;
	s8 =	sor.u32 s11, s8;
	s9 =	sshrl.u32 s23, $0x1  }
0xa: {  	s25 =	sshrl.u32 s10, $0x2;
	s11 =	simm.s32 $0x9;
	[dreg:$0x9] =	wrdreg s26  }
0xb: {  	s3 =	sadd.s32 s7, s3;
	s8 =	smul.u32 $0x2710, s8;
	s7 =	sadd.s32 s25, s2  }
0xc: {  	s1 =	sadd.s32 s20, s1;
	s20 =	simm.s32 $0xF;
	s28 =	sshrl.u32 s7, $0x3  }
0xd: {  	s3 =	sshrl.u32 s3, $0x3;
	s19 =	sadd.s32 $0x190, s8;
	[dreg:$0x15] =	wrdreg s28  }
0xe: {  	s0 =	sadd.s32 s3, s0;
	s22 =	sadd.s32 $0x1E0, s8;
	[dreg:$0x4] =	wrdreg s19  }
0xf: {  	s3 =	ssub.s32 s23, s9;
	s23 =	sadd.s32 $0x230, s8;
	[dreg:$0x5] =	wrdreg s22  }
0x10: {  	s24 =	sshrl.u32 s8, $0x3;
	s8 =	sadd.s32 $0x280, s8;
	[dreg:$0x6] =	wrdreg s23  }
0x11: {  	s1 =	sadd.s32 $0x4E340, s1;
	s12 =	sadd.s32 s6, s24;
	[dreg:$0x7] =	wrdreg s8  }
0x12: {  	s7 =	simm.s32 $0xE;
	s0 =	sadd.s32 $0x3F000, s0;
	[dreg:$0x8] =	wrdreg s12  }
0x13: {  	s9 =	simm.s32 $0x200;
	s25 =	smax.u32 s3, $0x1;
	[dreg:$0x12] =	wrdreg s0  }
0x14: {  	s24 =	sshrl.u32 s1, $0x3;
	s10 =	sadd.s32 $0xA, s12;
	[dreg:$0x13] =	wrdreg s25  }
0x15: {  	s23 =	simm.s32 $0x50;
	s13 =	sadd.s32 $0x9C40, s12;
	[dreg:$0xa] =	wrdreg s10  }
0x16: {  	s3 =	simm.s32 $0x80;
	s14 =	sadd.s32 $0x9C4A, s12;
	[dreg:$0xb] =	wrdreg s13  }
0x17: {  	s1 =	simm.s32 $0x7;
	s15 =	sadd.s32 $0x9C54, s12;
	[dreg:$0xc] =	wrdreg s14  }
0x18: {  	s8 =	simm.s32 $0xB;
	s16 =	sadd.s32 $0x14, s12;
	[dreg:$0xd] =	wrdreg s15  }
0x19: {  	s19 =	simm.s32 $0x4;
	s17 =	sadd.s32 $0x1E, s12;
	[dreg:$0xe] =	wrdreg s16  }
0x1a: {  	s18 =	sadd.s32 $0x28, s12;
	s21 =	sadd.s32 $0x9C5E, s12;
	[dreg:$0xf] =	wrdreg s17  }
0x1b: {  	s0 =	sadd.s32 s24, s6;
	s12 =	simm.s32 $0x280;
	[dreg:$0x10] =	wrdreg s18  }
0x1c: {  	s24 =	simm.s32 $0x10;
	s25 =	simm.s32 $0x0;
	[dreg:$0x11] =	wrdreg s21  }
0x1d: {  	[dreg:$0x14] =	wrdreg s0;
	s14 =	simm.s32 $0x300;
	s0 =	simm.s32 $0x6  }
0x1e: {  	s10 =	simm.s32 $0x1;
	s21 =	simm.s32 $0xC;
	[dreg:$0x16] =	wrdreg s25  }
.LBB2_1:
0x1f: {  	s25 =	rddreg [dreg:$0x8]  }
0x20: {  	s17 =	rddreg [dreg:$0x1]  }
0x21: {  	[tilespmem:s4], [sflag:$0x5] =	stream.linear.gather [hbm4b:s25+s4], $0x50, $0x38;
	[tilespmem:$0x1E400] =	vst v63  }
0x22: {  	[spmem:s28], [sflag:s26] =	dma.local [hbm:s17], $0x2800  }
0x23: {  	_ =	swait.ge [sflag:s29], $0x2800  }
0x24: {  	[sflag:s29] =	ssyncset.done $0x0  }
0x25: {  	s28 =	simm.s32 $0x5;
	[sflag:s29] =	ssyncadd.s32 $0xFFFFD800  }
0x26: {  	_ =	swait.ge [sflag:s28], $0x50  }
0x27: {  	[sflag:s28] =	ssyncset.done $0x0  }
0x28: {  	[sflag:s28] =	ssyncadd.s32 $0xFFFFFFB0  }
0x29: {  	[tilespmem:s31], [sflag:$0x1] =	stream.indirect.gather [hbm4b:s5+s23], $0x80, s4, s23, $0xb8;
	[tilespmem:$0x1E400] =	vst v63  }
0x2a: {  	s18 =	rddreg [dreg:$0xa]  }
0x2b: {  	[tilespmem:s3], [sflag:$0x6] =	stream.linear.gather [hbm4b:s18+s4], $0x50, $0x38;
	[tilespmem:$0x1E400] =	vst v63  }
0x2c: {  	s22 =	rddreg [dreg:$0xb]  }
0x2d: {  	[tilespmem:s9], [sflag:$0x9] =	stream.linear.gather [hbm4b:s22+s4], $0x50, $0x38;
	[tilespmem:$0x1E400] =	vst v63  }
0x2e: {  	s26 =	rddreg [dreg:$0xc]  }
0x2f: {  	[tilespmem:s12], [sflag:$0xA] =	stream.linear.gather [hbm4b:s26+s4], $0x50, $0x38;
	[tilespmem:$0x1E400] =	vst v63  }
0x30: {  	s13 =	rddreg [dreg:$0xd]  }
0x31: {  	[tilespmem:s14], [sflag:$0xB] =	stream.linear.gather [hbm4b:s13+s4], $0x50, $0x38;
	[tilespmem:$0x1E400] =	vst v63  }
0x32: {  	s15 =	rddreg [dreg:$0xe]  }
0x33: {  	[tilespmem:s30], [sflag:$0x7] =	stream.linear.gather [hbm4b:s15+s4], $0x50, $0x38;
	[tilespmem:$0x1E400] =	vst v63  }
0x34: {  	s16 =	rddreg [dreg:$0xf];
	s18 =	simm.s32 $0x180  }
0x35: {  	[tilespmem:s18], [sflag:$0x8] =	stream.linear.gather [hbm4b:s16+s4], $0x50, $0x38;
	[tilespmem:$0x1E400] =	vst v63  }
0x36: {  	_ =	swait.ge [sflag:s0], $0x50  }
0x37: {  	[sflag:s0] =	ssyncset.done $0x0  }
0x38: {  	s29 =	simm.s32 $0x2C00;
	[sflag:s0] =	ssyncadd.s32 $0xFFFFFFB0  }
0x39: {  	[tilespmem:s29], [sflag:$0x2] =	stream.indirect.gather [hbm4b:s5+s23], $0x80, s3, s23, $0xb8;
	[tilespmem:$0x1E400] =	vst v63  }
0x3a: {  	[bflag:$0x0] =	sbarrier.arrive $0xFFFF  }
0x3b: {  	_ =	swait.ge [sflag:s1], $0x50  }
0x3c: {  	[sflag:s1] =	ssyncset.done $0x0  }
0x3d: {  	s14 =	simm.s32 $0x5400;
	[sflag:s1] =	ssyncadd.s32 $0xFFFFFFB0  }
0x3e: {  	[tilespmem:s14], [sflag:$0x3] =	stream.indirect.gather [hbm4b:s5+s23], $0x80, s30, s23, $0xb8;
	[tilespmem:$0x1E400] =	vst v63  }
0x3f: {  	_ =	swait.ge [sflag:s10], $0x2800  }
0x40: {  	[sflag:s10] =	ssyncset.done $0x0  }
0x41: {  	[sflag:s10] =	ssyncadd.s32 $0xFFFFD800  }
0x42: {  	_ =	swait.ge [sflag:s11], $0x50  }
0x43: {  	[sflag:s11] =	ssyncset.done $0x0  }
0x44: {  	[sflag:s11] =	ssyncadd.s32 $0xFFFFFFB0  }
0x45: {  	[spmem:s2] =	stream.indirect.scatter.add.f32 [tilespmem:s31], [sflag:$0xD], $0x80, s9, s23, $0xb8;
	[tilespmem:$0x1E400] =	vst v63  }
0x46: {  	s17 =	rddreg [dreg:$0x10]  }
0x47: {  	[tilespmem:s4], [sflag:$0x5] =	stream.linear.gather [hbm4b:s17+s4], $0x50, $0x38;
	[tilespmem:$0x1E400] =	vst v63  }
0x48: {  	s13 =	simm.s32 $0x8;
	s22 =	rddreg [dreg:$0x11];
	s9 =	simm.s32 $0x380  }
0x49: {  	[tilespmem:s9], [sflag:$0xC] =	stream.linear.gather [hbm4b:s22+s4], $0x50, $0x38;
	[tilespmem:$0x1E400] =	vst v63  }
0x4a: {  	_ =	swait.ge [sflag:s13], $0x50  }
0x4b: {  	[sflag:s13] =	ssyncset.done $0x0  }
0x4c: {  	s25 =	simm.s32 $0x2;
	s22 =	simm.s32 $0x7C00;
	[sflag:s13] =	ssyncadd.s32 $0xFFFFFFB0  }
0x4d: {  	[tilespmem:s22], [sflag:$0x4] =	stream.indirect.gather [hbm4b:s5+s23], $0x80, s18, s23, $0xb8;
	[tilespmem:$0x1E400] =	vst v63  }
0x4e: {  	_ =	swait.ge [sflag:s25], $0x2800  }
0x4f: {  	[sflag:s25] =	ssyncset.done $0x0  }
0x50: {  	s26 =	simm.s32 $0xD;
	[sflag:s25] =	ssyncadd.s32 $0xFFFFD800  }
0x51: {  	_ =	swait.ge [sflag:s26], $0x2800  }
0x52: {  	[sflag:s26] =	ssyncset.done $0x0  }
0x53: {  	s15 =	smin.u32 s4, $0x77;
	s30 =	simm.s32 $0xA;
	[sflag:s26] =	ssyncadd.s32 $0xFFFFD800  }
0x54: {  	s25 =	smul.u32 $0x50, s15;
	_ =	swait.ge [sflag:s30], $0x50  }
0x55: {  	s16 =	rddreg [dreg:$0x4]  }
0x56: {  	[sflag:s30] =	ssyncset.done $0x0;
	s25 =	sadd.s32 s25, s16  }
0x57: {  	[sflag:s30] =	ssyncadd.s32 $0xFFFFFFB0;
	s25 =	sshrl.u32 s25, $0x3  }
0x58: {  	[spmem:s2] =	stream.indirect.scatter.add.f32 [tilespmem:s29], [sflag:$0xE], $0x80, s12, s23, $0xb8;
	[tilespmem:$0x1E400] =	vst v63  }
0x59: {  	s25 =	sadd.s32 s6, s25  }
0x5a: {  	[tilespmem:s3], [sflag:$0x6] =	stream.linear.gather [hbm4b:s25+s4], $0x50, $0x38;
	[tilespmem:$0x1E400] =	vst v63  }
0x5b: {  	s30 =	rddreg [dreg:$0x14];
	s12 =	simm.s32 $0x200  }
0x5c: {  	[tilespmem:s12], [sflag:$0x9] =	stream.linear.gather [hbm4b:s30+s4], $0x50, $0x38;
	[tilespmem:$0x1E400] =	vst v63  }
0x5d: {  	_ =	swait.ge [sflag:s28], $0x50  }
0x5e: {  	[sflag:s28] =	ssyncset.done $0x0  }
0x5f: {  	s17 =	simm.s32 $0x3;
	[sflag:s28] =	ssyncadd.s32 $0xFFFFFFB0  }
0x60: {  	[tilespmem:s31], [sflag:$0x1] =	stream.indirect.gather [hbm4b:s5+s23], $0x80, s4, s23, $0xb8;
	[tilespmem:$0x1E400] =	vst v63  }
0x61: {  	_ =	swait.ge [sflag:s17], $0x2800  }
0x62: {  	[sflag:s17] =	ssyncset.done $0x0  }
0x63: {  	[sflag:s17] =	ssyncadd.s32 $0xFFFFD800  }
0x64: {  	_ =	swait.ge [sflag:s7], $0x2800  }
0x65: {  	[sflag:s7] =	ssyncset.done $0x0  }
0x66: {  	s17 =	smin.u32 s4, $0x76;
	[sflag:s7] =	ssyncadd.s32 $0xFFFFD800  }
0x67: {  	s26 =	smul.u32 $0x50, s17;
	_ =	swait.ge [sflag:s8], $0x50  }
0x68: {  	[sflag:s8] =	ssyncset.done $0x0;
	s28 =	rddreg [dreg:$0x5]  }
0x69: {  	s15 =	simm.s32 $0x300;
	[sflag:s8] =	ssyncadd.s32 $0xFFFFFFB0;
	s26 =	sadd.s32 s26, s28  }
0x6a: {  	[spmem:s2] =	stream.indirect.scatter.add.f32 [tilespmem:s14], [sflag:$0xF], $0x80, s15, s23, $0xb8;
	[tilespmem:$0x1E400] =	vst v63  }
0x6b: {  	s26 =	sshrl.u32 s26, $0x3  }
0x6c: {  	s16 =	simm.s32 $0x100;
	s26 =	sadd.s32 s6, s26  }
0x6d: {  	[tilespmem:s16], [sflag:$0x7] =	stream.linear.gather [hbm4b:s26+s4], $0x50, $0x38;
	[tilespmem:$0x1E400] =	vst v63  }
0x6e: {  	s13 =	simm.s32 $0x280;
	s25 =	sadd.s32 $0x9C40, s25  }
0x6f: {  	[tilespmem:s13], [sflag:$0xA] =	stream.linear.gather [hbm4b:s25+s4], $0x50, $0x38;
	[tilespmem:$0x1E400] =	vst v63  }
0x70: {  	_ =	swait.ge [sflag:s0], $0x50  }
0x71: {  	[sflag:s0] =	ssyncset.done $0x0  }
0x72: {  	s3 =	simm.s32 $0x80;
	[sflag:s0] =	ssyncadd.s32 $0xFFFFFFB0  }
0x73: {  	[tilespmem:s29], [sflag:$0x2] =	stream.indirect.gather [hbm4b:s5+s23], $0x80, s3, s23, $0xb8;
	[tilespmem:$0x1E400] =	vst v63  }
0x74: {  	_ =	swait.ge [sflag:s19], $0x2800  }
0x75: {  	[sflag:s19] =	ssyncset.done $0x0  }
0x76: {  	[sflag:s19] =	ssyncadd.s32 $0xFFFFD800  }
0x77: {  	_ =	swait.ge [sflag:s20], $0x2800  }
0x78: {  	[sflag:s20] =	ssyncset.done $0x0  }
0x79: {  	s13 =	smin.u32 s4, $0x75;
	[sflag:s20] =	ssyncadd.s32 $0xFFFFD800  }
0x7a: {  	s25 =	smul.u32 $0x50, s13;
	_ =	swait.ge [sflag:s21], $0x50  }
0x7b: {  	[sflag:s21] =	ssyncset.done $0x0;
	s28 =	rddreg [dreg:$0x6]  }
0x7c: {  	[sflag:s21] =	ssyncadd.s32 $0xFFFFFFB0;
	s25 =	sadd.s32 s25, s28  }
0x7d: {  	[spmem:s2] =	stream.indirect.scatter.add.f32 [tilespmem:s22], [sflag:$0x10], $0x80, s9, s23, $0xb8;
	[tilespmem:$0x1E400] =	vst v63  }
0x7e: {  	s25 =	sshrl.u32 s25, $0x3  }
0x7f: {  	s29 =	sadd.s32 s6, s25  }
0x80: {  	[tilespmem:s18], [sflag:$0x8] =	stream.linear.gather [hbm4b:s29+s4], $0x50, $0x38;
	[tilespmem:$0x1E400] =	vst v63  }
0x81: {  	s17 =	sadd.s32 $0x9C40, s26  }
0x82: {  	[tilespmem:s15], [sflag:$0xB] =	stream.linear.gather [hbm4b:s17+s4], $0x50, $0x38;
	[tilespmem:$0x1E400] =	vst v63  }
0x83: {  	_ =	swait.ge [sflag:s1], $0x50  }
0x84: {  	[sflag:s1] =	ssyncset.done $0x0  }
0x85: {  	[sflag:s1] =	ssyncadd.s32 $0xFFFFFFB0  }
0x86: {  	[tilespmem:s14], [sflag:$0x3] =	stream.indirect.gather [hbm4b:s5+s23], $0x80, s16, s23, $0xb8;
	[tilespmem:$0x1E400] =	vst v63  }
0x87: {  	_ =	swait.ge [sflag:s10], $0x2800  }
0x88: {  	[sflag:s10] =	ssyncset.done $0x0  }
0x89: {  	[sflag:s10] =	ssyncadd.s32 $0xFFFFD800  }
0x8a: {  	_ =	swait.ge [sflag:s24], $0x2800  }
0x8b: {  	[sflag:s24] =	ssyncset.done $0x0  }
0x8c: {  	s18 =	smin.u32 s4, $0x74;
	[sflag:s24] =	ssyncadd.s32 $0xFFFFD800  }
0x8d: {  	s13 =	simm.s32 $0x9;
	s25 =	smul.u32 $0x50, s18;
	_ =	swait.ge [sflag:s11], $0x50  }
0x8e: {  	s29 =	sadd.s32 $0x9C40, s29;
	[sflag:s11] =	ssyncset.done $0x0;
	s22 =	rddreg [dreg:$0x7]  }
0x8f: {  	s1 =	simm.s32 $0x6;
	[sflag:s11] =	ssyncadd.s32 $0xFFFFFFB0;
	s26 =	sadd.s32 s25, s22  }
0x90: {  	[spmem:s2] =	stream.indirect.scatter.add.f32 [tilespmem:s31], [sflag:$0xD], $0x80, s12, s23, $0xb8;
	[tilespmem:$0x1E400] =	vst v63  }
0x91: {  	s10 =	simm.s32 $0x7;
	s25 =	simm.s32 $0x4;
	s26 =	sshrl.u32 s26, $0x3  }
0x92: {  	s11 =	simm.s32 $0x1;
	s28 =	sadd.s32 s6, s26;
	s26 =	sadd.s32 $0x28, s30  }
.LBB2_2:
0x93: {  	[tilespmem:s4], [sflag:$0x5] =	stream.linear.gather [hbm4b:s28+s4], $0x50, $0x38;
	[tilespmem:$0x1E400] =	vst v63  }
0x94: {  	s9 =	simm.s32 $0x380;
	s0 =	simm.s32 $0x8  }
0x95: {  	[tilespmem:s9], [sflag:$0xC] =	stream.linear.gather [hbm4b:s29+s4], $0x50, $0x38;
	[tilespmem:$0x1E400] =	vst v63  }
0x96: {  	_ =	swait.ge [sflag:s0], $0x50  }
0x97: {  	s14 =	simm.s32 $0x180;
	[sflag:s0] =	ssyncset.done $0x0  }
0x98: {  	s22 =	simm.s32 $0x7C00;
	s12 =	simm.s32 $0x2;
	[sflag:s0] =	ssyncadd.s32 $0xFFFFFFB0  }
0x99: {  	[tilespmem:s22], [sflag:$0x4] =	stream.indirect.gather [hbm4b:s5+s23], $0x80, s14, s23, $0xb8;
	[tilespmem:$0x1E400] =	vst v63  }
0x9a: {  	_ =	swait.ge [sflag:s12], $0x2800  }
0x9b: {  	[sflag:s12] =	ssyncset.done $0x0  }
0x9c: {  	s15 =	simm.s32 $0xD;
	[sflag:s12] =	ssyncadd.s32 $0xFFFFD800  }
0x9d: {  	_ =	swait.ge [sflag:s15], $0x2800  }
0x9e: {  	s28 =	smov.u32 s25;
	[sflag:s15] =	ssyncset.done $0x0  }
0x9f: {  	s16 =	simm.s32 $0xA;
	s29 =	smin.u32 s28, $0x77;
	[sflag:s15] =	ssyncadd.s32 $0xFFFFD800  }
0xa0: {  	s29 =	smul.u32 $0x50, s29;
	_ =	swait.ge [sflag:s16], $0x50  }
0xa1: {  	s30 =	rddreg [dreg:$0x4]  }
0xa2: {  	s12 =	simm.s32 $0x2C00;
	[sflag:s16] =	ssyncset.done $0x0;
	s29 =	sadd.s32 s29, s30  }
0xa3: {  	[sflag:s16] =	ssyncadd.s32 $0xFFFFFFB0;
	s16 =	simm.s32 $0x280;
	s29 =	sshrl.u32 s29, $0x3  }
0xa4: {  	[spmem:s2] =	stream.indirect.scatter.add.f32 [tilespmem:s12], [sflag:$0xE], $0x80, s16, s23, $0xb8;
	[tilespmem:$0x1E400] =	vst v63  }
0xa5: {  	s0 =	simm.s32 $0x80;
	s29 =	sadd.s32 s6, s29  }
0xa6: {  	[tilespmem:s0], [sflag:$0x6] =	stream.linear.gather [hbm4b:s29+s4], $0x50, $0x38;
	[tilespmem:$0x1E400] =	vst v63  }
0xa7: {  	s3 =	simm.s32 $0x5;
	s15 =	simm.s32 $0x200  }
0xa8: {  	[tilespmem:s15], [sflag:$0x9] =	stream.linear.gather [hbm4b:s26+s4], $0x50, $0x38;
	[tilespmem:$0x1E400] =	vst v63  }
0xa9: {  	_ =	swait.ge [sflag:s3], $0x50  }
0xaa: {  	[sflag:s3] =	ssyncset.done $0x0  }
0xab: {  	s17 =	simm.s32 $0x3;
	[sflag:s3] =	ssyncadd.s32 $0xFFFFFFB0  }
0xac: {  	[tilespmem:s31], [sflag:$0x1] =	stream.indirect.gather [hbm4b:s5+s23], $0x80, s4, s23, $0xb8;
	[tilespmem:$0x1E400] =	vst v63  }
0xad: {  	_ =	swait.ge [sflag:s17], $0x2800  }
0xae: {  	[sflag:s17] =	ssyncset.done $0x0  }
0xaf: {  	[sflag:s17] =	ssyncadd.s32 $0xFFFFD800  }
0xb0: {  	_ =	swait.ge [sflag:s7], $0x2800  }
0xb1: {  	[sflag:s7] =	ssyncset.done $0x0  }
0xb2: {  	s18 =	smin.u32 s28, $0x76;
	[sflag:s7] =	ssyncadd.s32 $0xFFFFD800  }
0xb3: {  	s30 =	smul.u32 $0x50, s18;
	_ =	swait.ge [sflag:s8], $0x50  }
0xb4: {  	s3 =	simm.s32 $0x5400;
	[sflag:s8] =	ssyncset.done $0x0;
	s31 =	rddreg [dreg:$0x5]  }
0xb5: {  	s17 =	simm.s32 $0x300;
	[sflag:s8] =	ssyncadd.s32 $0xFFFFFFB0;
	s30 =	sadd.s32 s30, s31  }
0xb6: {  	[spmem:s2] =	stream.indirect.scatter.add.f32 [tilespmem:s3], [sflag:$0xF], $0x80, s17, s23, $0xb8;
	[tilespmem:$0x1E400] =	vst v63  }
0xb7: {  	s30 =	sshrl.u32 s30, $0x3  }
0xb8: {  	s18 =	simm.s32 $0x100;
	s30 =	sadd.s32 s6, s30  }
0xb9: {  	[tilespmem:s18], [sflag:$0x7] =	stream.linear.gather [hbm4b:s30+s4], $0x50, $0x38;
	[tilespmem:$0x1E400] =	vst v63  }
0xba: {  	s29 =	sadd.s32 $0x9C40, s29  }
0xbb: {  	[tilespmem:s16], [sflag:$0xA] =	stream.linear.gather [hbm4b:s29+s4], $0x50, $0x38;
	[tilespmem:$0x1E400] =	vst v63  }
0xbc: {  	_ =	swait.ge [sflag:s1], $0x50  }
0xbd: {  	[sflag:s1] =	ssyncset.done $0x0  }
0xbe: {  	[sflag:s1] =	ssyncadd.s32 $0xFFFFFFB0  }
0xbf: {  	[tilespmem:s12], [sflag:$0x2] =	stream.indirect.gather [hbm4b:s5+s23], $0x80, s0, s23, $0xb8;
	[tilespmem:$0x1E400] =	vst v63  }
0xc0: {  	_ =	swait.ge [sflag:s19], $0x2800  }
0xc1: {  	[sflag:s19] =	ssyncset.done $0x0  }
0xc2: {  	[sflag:s19] =	ssyncadd.s32 $0xFFFFD800  }
0xc3: {  	_ =	swait.ge [sflag:s20], $0x2800  }
0xc4: {  	[sflag:s20] =	ssyncset.done $0x0  }
0xc5: {  	s29 =	smin.u32 s28, $0x75;
	[sflag:s20] =	ssyncadd.s32 $0xFFFFD800  }
0xc6: {  	s29 =	smul.u32 $0x50, s29;
	_ =	swait.ge [sflag:s21], $0x50  }
0xc7: {  	[sflag:s21] =	ssyncset.done $0x0;
	s31 =	rddreg [dreg:$0x6]  }
0xc8: {  	[sflag:s21] =	ssyncadd.s32 $0xFFFFFFB0;
	s29 =	sadd.s32 s29, s31  }
0xc9: {  	[spmem:s2] =	stream.indirect.scatter.add.f32 [tilespmem:s22], [sflag:$0x10], $0x80, s9, s23, $0xb8;
	[tilespmem:$0x1E400] =	vst v63  }
0xca: {  	s29 =	sshrl.u32 s29, $0x3  }
0xcb: {  	s29 =	sadd.s32 s6, s29  }
0xcc: {  	[tilespmem:s14], [sflag:$0x8] =	stream.linear.gather [hbm4b:s29+s4], $0x50, $0x38;
	[tilespmem:$0x1E400] =	vst v63  }
0xcd: {  	s30 =	sadd.s32 $0x9C40, s30  }
0xce: {  	[tilespmem:s17], [sflag:$0xB] =	stream.linear.gather [hbm4b:s30+s4], $0x50, $0x38;
	[tilespmem:$0x1E400] =	vst v63  }
0xcf: {  	_ =	swait.ge [sflag:s10], $0x50  }
0xd0: {  	[sflag:s10] =	ssyncset.done $0x0  }
0xd1: {  	[sflag:s10] =	ssyncadd.s32 $0xFFFFFFB0  }
0xd2: {  	[tilespmem:s3], [sflag:$0x3] =	stream.indirect.gather [hbm4b:s5+s23], $0x80, s18, s23, $0xb8;
	[tilespmem:$0x1E400] =	vst v63  }
0xd3: {  	_ =	swait.ge [sflag:s11], $0x2800  }
0xd4: {  	[sflag:s11] =	ssyncset.done $0x0  }
0xd5: {  	[sflag:s11] =	ssyncadd.s32 $0xFFFFD800  }
0xd6: {  	_ =	swait.ge [sflag:s24], $0x2800  }
0xd7: {  	[sflag:s24] =	ssyncset.done $0x0  }
0xd8: {  	s28 =	smin.u32 s28, $0x74;
	[sflag:s24] =	ssyncadd.s32 $0xFFFFD800  }
0xd9: {  	p0 =	sne.s32 s25, $0x78;
	s28 =	smul.u32 $0x50, s28;
	_ =	swait.ge [sflag:s13], $0x50  }
.Ltmp0:
0xda: {  	[sflag:s13] =	ssyncset.done $0x0;
	s22 =	rddreg [dreg:$0x7];
	(pc) =	sbr.rel @p0 .LBB2_2-.Ltmp0, $4  }
0xdb: {  	s31 =	simm.s32 $0x400;
	[sflag:s13] =	ssyncadd.s32 $0xFFFFFFB0;
	s28 =	sadd.s32 s28, s22  }
0xdc: {  	[spmem:s2] =	stream.indirect.scatter.add.f32 [tilespmem:s31], [sflag:$0xD], $0x80, s15, s23, $0xb8;
	[tilespmem:$0x1E400] =	vst v63  }
0xdd: {  	s25 =	sadd.s32 $0x4, s25;
	s26 =	sadd.s32 $0x28, s26;
	s28 =	sshrl.u32 s28, $0x3  }
0xde: {  	s12 =	simm.s32 $0x380;
	s29 =	sadd.s32 $0x9C40, s29;
	s28 =	sadd.s32 s6, s28  }
0xdf: {  	[tilespmem:s4], [sflag:$0x5] =	stream.linear.gather [hbm4b:s28+s4], $0x50, $0x38;
	[tilespmem:$0x1E400] =	vst v63  }
0xe0: {  	s0 =	simm.s32 $0xD  }
0xe1: {  	[tilespmem:s12], [sflag:$0xC] =	stream.linear.gather [hbm4b:s29+s4], $0x50, $0x38;
	[tilespmem:$0x1E400] =	vst v63  }
0xe2: {  	_ =	swait.ge [sflag:s0], $0x2800  }
0xe3: {  	[sflag:s0] =	ssyncset.done $0x0  }
0xe4: {  	s14 =	simm.s32 $0x2;
	[sflag:s0] =	ssyncadd.s32 $0xFFFFD800  }
0xe5: {  	_ =	swait.ge [sflag:s14], $0x2800  }
0xe6: {  	[sflag:s14] =	ssyncset.done $0x0  }
0xe7: {  	s15 =	simm.s32 $0x3;
	[sflag:s14] =	ssyncadd.s32 $0xFFFFD800  }
0xe8: {  	_ =	swait.ge [sflag:s15], $0x2800  }
0xe9: {  	[sflag:s15] =	ssyncset.done $0x0  }
0xea: {  	s16 =	simm.s32 $0x8;
	[sflag:s15] =	ssyncadd.s32 $0xFFFFD800  }
0xeb: {  	_ =	swait.ge [sflag:s16], $0x50  }
0xec: {  	[sflag:s16] =	ssyncset.done $0x0  }
0xed: {  	s3 =	simm.s32 $0x5;
	[sflag:s16] =	ssyncadd.s32 $0xFFFFFFB0  }
0xee: {  	_ =	swait.ge [sflag:s3], $0x50  }
0xef: {  	[sflag:s3] =	ssyncset.done $0x0  }
0xf0: {  	s17 =	simm.s32 $0xA;
	[sflag:s3] =	ssyncadd.s32 $0xFFFFFFB0  }
0xf1: {  	_ =	swait.ge [sflag:s17], $0x50  }
0xf2: {  	[sflag:s17] =	ssyncset.done $0x0  }
0xf3: {  	[sflag:s17] =	ssyncadd.s32 $0xFFFFFFB0  }
0xf4: {  	_ =	swait.ge [sflag:s8], $0x50  }
0xf5: {  	[sflag:s8] =	ssyncset.done $0x0  }
0xf6: {  	[sflag:s8] =	ssyncadd.s32 $0xFFFFFFB0  }
0xf7: {  	_ =	swait.ge [sflag:s21], $0x50  }
0xf8: {  	[sflag:s21] =	ssyncset.done $0x0  }
0xf9: {  	[sflag:s21] =	ssyncadd.s32 $0xFFFFFFB0  }
0xfa: {  	[bflag:$0x0] =	sbarrier.arrive $0xFFFF  }
0xfb: {  	s26 =	rddreg [dreg:$0x9]  }
0xfc: {  	s25 =	rddreg [dreg:$0x12]  }
0xfd: {  	s29 =	simm.s32 $0x11;
	s28 =	rddreg [dreg:$0x15]  }
0xfe: {  	[hbm:s25], [sflag:s26] =	dma.local [spmem:s28], $0x2800  }
0xff: {  	_ =	swait.ge [sflag:s29], $0x2800  }
0x100: {  	s18 =	rddreg [dreg:$0x16]  }
0x101: {  	s22 =	rddreg [dreg:$0x13];
	s3 =	sadd.s32 $0x1, s18  }
0x102: {  	p0 =	sne.s32 s3, s22  }
.Ltmp1:
0x103: {  	_ = 	snop;
	(pc) =	sbr.rel @p0 .LBB2_1-.Ltmp1, $4  }
0x104: {  	s9 =	simm.s32 $0x200;
	s30 =	simm.s32 $0x100;
	s1 =	simm.s32 $0x7  }
0x105: {  	s10 =	simm.s32 $0x1;
	s11 =	simm.s32 $0x9;
	s12 =	simm.s32 $0x280  }
0x106: {  	s0 =	simm.s32 $0x6;
	s14 =	simm.s32 $0x300;
	[sflag:s29] =	ssyncset.done $0x0  }
0x107: {  	[sflag:s29] =	ssyncadd.s32 $0xFFFFD800;
	[dreg:$0x16] =	wrdreg s3;
	s3 =	simm.s32 $0x80  }
0x108: {  	_ =	sfence.sel $0x180000  }
0x109: {  	[bflag:$0x0] =	sbarrier.arrive $0xFFFF  }
0x10a: {  	_ =	strace $0x9000004A  }
0x10b: {  	s0 =	stileid.u32;
	[bflag:$0x2] =	sbarrier.arrive $0xFFFF  }
0x10c: {  	p0 =	sne.s32 s0, $0x0;
	s0 =	rddreg [dreg:$0x3]  }
0x10d: {  	s0 =	sadd.s32 @!p0 $0x100000, s0  }
0x10e: {  	[sflag:s0] =	ssyncadd.tile.s32 @!p0 $0x1;
	_ =	shalt  }
.Lfunc_end2:
_tile_overlayer_lowered:
.L_overlay_start_2:
0x10f: {  	(tag) =	ssettag $0x2  }
0x110: {  	s0 =	rddreg [dreg:$0x0];
	s2 =	stileid.u32  }
0x111: {  	s1 =	rddreg [dreg:$0x1];
	p0 =	sne.s32 s2, $0x0  }
0x112: {  	s3 =	rddreg [dreg:$0x2];
	[bflag:$0x3] =	sbarrier.arrive $0xFFFF;
	s2 =	simm.s32 @!p0 $0x1C11  }
0x113: {  	[timem:s3], [sflag:s2] =	dma.local @!p0 [hbm:s0], s1  }
0x114: {  	s0 =	simm.s32 @!p0 $0x11  }
0x115: {  	_ =	swait.ge @!p0 [sflag:s0], s1  }
0x116: {  	s1 =	ssub.s32 @!p0 $0x0, s1;
	[sflag:s0] =	ssyncset.done @!p0 $0x0  }
0x117: {  	[sflag:s0] =	ssyncadd.s32 @!p0 s1  }
0x118: {  	[bflag:$0x3] =	sbarrier.arrive $0xFFFF  }
0x119: {  	_ =	shalt  }

// kernel: kernel.7.cloned.1.call-start
scs
__scs_entry_jumppad:
0x0: {  	(pc) =	sbr.rel $0x88, $3  }
0x1: {  	(tag) =	ssettag $0x0;
	lr =	simm.s32 $0x1  }
0x2: {  	[smem:$0x3F8F] =	sst lr;
	_ =	strace $0xD0000000  }
0x3: {  	_ = 	snop  }
0x4: {  	_ = 	snop  }
0x5: {  	_ = 	snop  }
0x6: {  	_ = 	snop  }
0x7: {  	_ = 	snop  }
__scs_overlays_trampoline_lowered:
0x8: {  	[smem:$0x3F9E] =	sst s0  }
0x9: {  	[smem:$0x3F9F] =	sst s1  }
0xa: {  	[smem:$0x3FA0] =	sst s2  }
0xb: {  	[smem:$0x3FA1] =	sst s3  }
0xc: {  	[smem:$0x3FA2] =	sst s4  }
0xd: {  	[smem:$0x3FA3] =	sst s5  }
0xe: {  	[smem:$0x3FA4] =	sst s6  }
0xf: {  	[smem:$0x3FA5] =	sst s7  }
0x10: {  	[smem:$0x3FA6] =	sst s8  }
0x11: {  	[smem:$0x3FA7] =	sst s9;
	s0 =	simm.s32 @!p0 $0x0  }
0x12: {  	s1 =	sld [smem:$0x3F8D];
	s0 =	simm.s32 @p0 $0x1  }
0x13: {  	[smem:$0x3FA8] =	sst s0;
	s0 =	simm.s32 @!p1 $0x0  }
0x14: {  	s2 =	sld [smem:$0x3F8C];
	s0 =	simm.s32 @p1 $0x1  }
0x15: {  	[smem:$0x3FA9] =	sst s0;
	s0 =	simm.s32 @!p2 $0x0  }
0x16: {  	s3 =	sld [smem:$0x3FDB];
	s0 =	simm.s32 @p2 $0x1  }
0x17: {  	s4 =	simm.s32 $0x1BF5;
	[smem:$0x3FAB] =	sst s0  }
0x18: {  	s0 =	sld [smem:$0x3F8E];
	_ =	swait.ge [sflag:s4], $0x0  }
0x19: {  	s7 =	sld [smem:$0x3F8F]  }
0x1a: {  	s8 =	sadd.s32 $0xFFFFE003, lr  }
0x1b: {  	s9 =	sadd.s32 $0xFFFFFEF7, lr;
	s5 =	simm.s32 $0xFFFFFFFF;
	p2 =	slt.u32 s8, $0xFFFFF086  }
0x1c: {  	p1 =	slt.u32 s9, $0xF7A;
	s5 =	simm.s32 @!p2 $0x0  }
0x1d: {  	s5 =	simm.s32 @p1 $0x1;
	p0 =	seq.s32 s7, s2  }
0x1e: {  	s7 =	smul.u32 @!p0 $0xF7A, s2;
	p2 =	seq.s32 @!p0 s5, $0x0  }
0x1f: {  	s9 =	smul.u32 $0xF7A, s1;
	s8 =	simm.s32 @!p0 $0x1BF5;
	p2 =	por !p2, p0  }
0x20: {  	[sflag:s8] =	ssyncset.s32 @!p0 $0xFFFFF086;
	s6 =	sadd.s32 @!p0 s3, s7;
	s7 =	simm.s32 @!p0 $0x108  }
0x21: {  	s3 =	sadd.s32 s3, s9;
	s6 =	sadd.s32 @!p0 $0x88, s6;
	s7 =	simm.s32 @p2 $0x1082  }
0x22: {  	[simem:s7], [sflag:s8] =	dma.local @!p0 [hbm:s6], $0xF7A  }
0x23: {  	s9 =	sor.u32 $0xD0000000, s2;
	s6 =	simm.s32 $0x108;
	_ =	swait.ge @!p0 [sflag:s8], $0x0  }
0x24: {  	s3 =	sadd.s32 $0x88, s3;
	s6 =	simm.s32 @!p1 $0x1082;
	[sflag:s4] =	ssyncset.s32 $0xFFFFF086  }
0x25: {  	[simem:s6], [sflag:s4] =	dma.local [hbm:s3], $0xF7A  }
0x26: {  	[smem:$0x3F8F] =	sst s1;
	(tag) =	ssettag s2;
	_ =	strace s9  }
0x27: {  	s1 =	sld [smem:$0x3F9F]  }
0x28: {  	s2 =	sld [smem:$0x3FA0]  }
0x29: {  	s4 =	sld [smem:$0x3FA2]  }
0x2a: {  	p0 =	seq.s32 s5, $0x0;
	s5 =	sld [smem:$0x3FA3]  }
0x2b: {  	s6 =	sld [smem:$0x3FA4]  }
0x2c: {  	s7 =	sld [smem:$0x3FA5]  }
0x2d: {  	s3 =	simm.s32 $0x108;
	s8 =	sld [smem:$0x3FA6]  }
0x2e: {  	s3 =	simm.s32 @!p0 $0x1082;
	s9 =	sld [smem:$0x3FA7]  }
0x2f: {  	lr =	sadd.s32 s0, s3;
	s0 =	sld [smem:$0x3F9E]  }
0x30: {  	s3 =	sld [smem:$0x3FA1]  }
0x31: {  	[smem:$0x3FAA] =	sst s10  }
0x32: {  	s10 =	sld [smem:$0x3FA8];
	_ =	sdelay $0x3  }
0x33: {  	p0 =	seq.s32 s10, $0x1;
	s10 =	sld [smem:$0x3FAA];
	_ =	sdelay $0x3  }
0x34: {  	[smem:$0x3FAA] =	sst s10  }
0x35: {  	s10 =	sld [smem:$0x3FA9];
	_ =	sdelay $0x3  }
0x36: {  	p1 =	seq.s32 s10, $0x1;
	s10 =	sld [smem:$0x3FAA];
	_ =	sdelay $0x3  }
0x37: {  	[smem:$0x3FAA] =	sst s10  }
0x38: {  	s10 =	sld [smem:$0x3FAB]  }
0x39: {  	_ = 	snop;
	(pc) =	sbr.ind lr, $3  }
0x3a: {  	_ = 	snop  }
0x3b: {  	_ = 	snop  }
0x3c: {  	p2 =	seq.s32 s10, $0x1;
	s10 =	sld [smem:$0x3FAA]  }
0x3d: {  	_ =	shalt  }
0x3e: {  	_ =	shalt  }
0x3f: {  	_ =	shalt  }
0x40: {  	_ =	shalt  }
0x41: {  	_ =	shalt  }
0x42: {  	_ =	shalt  }
0x43: {  	_ =	shalt  }
0x44: {  	_ =	shalt  }
0x45: {  	_ =	shalt  }
0x46: {  	_ =	shalt  }
0x47: {  	_ =	shalt  }
0x48: {  	_ =	shalt  }
0x49: {  	_ =	shalt  }
0x4a: {  	_ =	shalt  }
0x4b: {  	_ =	shalt  }
0x4c: {  	_ =	shalt  }
0x4d: {  	_ =	shalt  }
0x4e: {  	_ =	shalt  }
0x4f: {  	_ =	shalt  }
0x50: {  	_ =	shalt  }
0x51: {  	_ =	shalt  }
0x52: {  	_ =	shalt  }
0x53: {  	_ =	shalt  }
0x54: {  	_ =	shalt  }
0x55: {  	_ =	shalt  }
0x56: {  	_ =	shalt  }
0x57: {  	_ =	shalt  }
0x58: {  	_ =	shalt  }
0x59: {  	_ =	shalt  }
0x5a: {  	_ =	shalt  }
0x5b: {  	_ =	shalt  }
0x5c: {  	_ =	shalt  }
0x5d: {  	_ =	shalt  }
0x5e: {  	_ =	shalt  }
0x5f: {  	_ =	shalt  }
0x60: {  	_ =	shalt  }
0x61: {  	_ =	shalt  }
0x62: {  	_ =	shalt  }
0x63: {  	_ =	shalt  }
0x64: {  	_ =	shalt  }
0x65: {  	_ =	shalt  }
0x66: {  	_ =	shalt  }
0x67: {  	_ =	shalt  }
0x68: {  	_ =	shalt  }
0x69: {  	_ =	shalt  }
0x6a: {  	_ =	shalt  }
0x6b: {  	_ =	shalt  }
0x6c: {  	_ =	shalt  }
0x6d: {  	_ =	shalt  }
0x6e: {  	_ =	shalt  }
0x6f: {  	_ =	shalt  }
0x70: {  	_ =	shalt  }
0x71: {  	_ =	shalt  }
0x72: {  	_ =	shalt  }
0x73: {  	_ =	shalt  }
0x74: {  	_ =	shalt  }
0x75: {  	_ =	shalt  }
0x76: {  	_ =	shalt  }
0x77: {  	_ =	shalt  }
0x78: {  	_ =	shalt  }
0x79: {  	_ =	shalt  }
0x7a: {  	_ =	shalt  }
0x7b: {  	_ =	shalt  }
0x7c: {  	_ =	shalt  }
0x7d: {  	_ =	shalt  }
0x7e: {  	_ =	shalt  }
0x7f: {  	_ =	shalt  }
0x80: {  	_ =	shalt  }
0x81: {  	_ =	shalt  }
0x82: {  	_ =	shalt  }
0x83: {  	_ =	shalt  }
0x84: {  	_ =	shalt  }
0x85: {  	_ =	shalt  }
0x86: {  	_ =	shalt  }
0x87: {  	_ =	shalt  }
.Lfunc_end0:
.L_simem_size_0:
called_computation_lowered:
.L_overlay_start_0:
0x88: {  	s2 =	sld [smem:$0x3FD9]  }
0x89: {  	s3 =	sld [smem:$0x3FFE];
	_ =	sdelay $0x1  }
0x8a: {  	s1 =	srdreg.scid  }
0x8b: {  	s0 =	sand.u32 $0x1, s1  }
0x8c: {  	s17 =	sshll.u32 s0, $0xA;
	s2 =	sadd.s32 s3, s2  }
0x8d: {  	s2 =	sadd.s32 s2, s17  }
0x8e: {  	[smem:$0x3FB6] =	sst s2  }
0x8f: {  	_ = 	snop  }
0x90: {  	s2 =	sld [smem:$0x3FC9]  }
0x91: {  	s18 =	sld [smem:$0x3FD0];
	(tm) =	ssettm $0x1  }
0x92: {  	s4 =	sld [smem:$0x3FFB];
	_ =	sdelay $0x3  }
0x93: {  	_ =	strace s4  }
0x94: {  	s4 =	sld [smem:$0x3FFC];
	_ =	sdelay $0x3  }
0x95: {  	_ =	strace s4  }
0x96: {  	s4 =	sld [smem:$0x3FFD];
	_ =	sdelay $0x3  }
0x97: {  	_ =	strace s4  }
0x98: {  	_ =	strace $0x8FFFFFFF  }
0x99: {  	s19 =	sld [smem:$0x3FDB];
	_ =	sdelay $0x1  }
0x9a: {  	s5 =	simm.s32 $_scs_section_size  }
0x9b: {  	s6 =	simm.s32 $_size__tile_overlayer_lowered;
	s7 =	simm.s32 $_tile_overlayer_lowered  }
0x9c: {  	s22 =	simm.s32 $0x1BFF;
	s21 =	sshll.u32 s7, $0x1;
	s4 =	sadd.s32 s5, s19  }
0x9d: {  	s8 =	simm.s32 $0x0;
	s20 =	sshll.u32 s6, $0x1;
	s6 =	sadd.s32 s21, s4  }
0x9e: {  	[timem:s8], [sflag:s22] =	dma.local [hbm:s6], s20  }
0x9f: {  	_ =	swait.ge [sflag:s22], s20  }
0xa0: {  	s5 =	ssub.s32 $0x0, s20;
	[sflag:s22] =	ssyncset.done $0x0  }
0xa1: {  	[sflag:s22] =	ssyncadd.s32 s5;
	_ =	sdelay $0x1  }
0xa2: {  	s23 =	simm.s32 $0x1B8B  }
0xa3: {  	_ =	swait.ge [sflag:s23], $0x1  }
0xa4: {  	[sflag:s23] =	ssyncset.done $0x0  }
0xa5: {  	s25 =	simm.s32 $0x1B8E;
	s24 =	sld [smem:$0x3FFE];
	[sflag:s23] =	ssyncadd.s32 $0xFFFFFFFF  }
0xa6: {  	s26 =	simm.s32 $execute0_lowered;
	[smem:$0x3FD2] =	sst s25  }
0xa7: {  	s6 =	sshll.u32 s26, $0x1;
	_ =	strace $0x80000046;
	[dreg:$0x1] =	wrdreg $0xFFFFFFFF  }
0xa8: {  	s28 =	simm.s32 $_size_execute0_lowered;
	s4 =	sadd.s32 s4, s6;
	[dreg:$0x0] =	wrdreg $0x0  }
0xa9: {  	s6 =	sshll.u32 s28, $0x1;
	[dreg:$0x2] =	wrdreg s4  }
0xaa: {  	[dreg:$0x3] =	wrdreg s6  }
0xab: {  	[dreg:$0x4] =	wrdreg $0xC0  }
0xac: {  	_ =	task [dreg:s8], $0x5FFFF  }
0xad: {  	[dreg:$0x1] =	wrdreg $0xFFFFFFFF  }
0xae: {  	[dreg:$0x0] =	wrdreg $0x60  }
0xaf: {  	[dreg:$0x2] =	wrdreg s2  }
0xb0: {  	[dreg:$0x3] =	wrdreg s24  }
0xb1: {  	[dreg:$0x4] =	wrdreg s18  }
0xb2: {  	[dreg:$0x5] =	wrdreg $0xA4000  }
0xb3: {  	[dreg:$0x6] =	wrdreg $0x1E4800  }
0xb4: {  	[dreg:$0x7] =	wrdreg $0x9  }
0xb5: {  	_ =	task.clear_ibuf [dreg:s8], $0x8FFFF;
	_ =	strace $0x90000046  }
0xb6: {  	s29 =	simm.s32 $0x9;
	_ =	strace $0x80000048  }
0xb7: {  	_ =	swait.ge [sflag:s29], $0x1  }
0xb8: {  	[sflag:s29] =	ssyncadd.s32 $0xFFFFFFFF  }
0xb9: {  	_ =	strace $0x90000048  }
0xba: {  	_ =	sfence  }
0xbb: {  	s30 =	sld [smem:$0x0];
	_ =	sdelay $0x2  }
0xbc: {  	s31 =	sshll.u32 s1, $0xD;
	s1 =	sshrl.u32 s1, $0x2  }
0xbd: {  	s3 =	sand.u32 $0x4000, s31;
	s1 =	sadd.s32 s1, s30  }
0xbe: {  	s0 =	sor.u32 s3, s0;
	s1 =	sshll.u32 s1, $0x11  }
0xbf: {  	s0 =	sor.u32 s1, s0  }
0xc0: {  	s0 =	sadd.s32 $0x8F2B, s0  }
0xc1: {  	[sflag:s0] =	ssyncadd.remote.s32 $0x1  }
0xc2: {  	_ =	sfence.sel $0xFFFF  }
0xc3: {  	[dreg:$0x0] =	wrdreg $0xFFFFFFFF;
	(pc) =	sbr.abs _section_cstart, $3  }
0xc4: {  	[dreg:$0x1] =	wrdreg $0xFFFFFFFF  }
0xc5: {  	_ =	task.clear_ibuf [dreg:s8], $0x2FFFF;
	_ =	strace $0x9FFFFFFF  }
0xc6: {  	(tm) =	ssettm $0x7FFFFFFF  }
0xc7: {  	_ =	shalt  }
tec
execute0_lowered:
.L_overlay_start_1:
0x0: {  	(tag) =	ssettag $0x1  }
0x1: {  	s3 =	rddreg [dreg:$0x0]  }
0x2: {  	s0 =	rddreg [dreg:$0x1]  }
0x3: {  	s4 =	rddreg [dreg:$0x3]  }
0x4: {  	s17 =	rddreg [dreg:$0x4]  }
0x5: {  	s2 =	srdreg.scid;
	s6 =	simm.s32 $0x0;
	s14 =	stileid.u32  }
0x6: {  	s30 =	simm.s32 $0x50;
	s31 =	simm.s32 $0x80;
	s29 =	simm.s32 $0x9  }
0x7: {  	s28 =	simm.s32 $0x180;
	s2 =	sand.u32 $0x1, s2;
	s8 =	smul.u32 $0x14000, s14  }
0x8: {  	[smem:$0x7FF] =	sst s6;
	s7 =	sadd.s32 $0x4400, s0;
	s19 =	smul.u32 $0x280, s14  }
0x9: {  	s9 =	sadd.s32 $0x17E00, s0;
	s11 =	sadd.s32 $0x18000, s0;
	s13 =	smul.u32 $0x50000, s14  }
0xa: {  	s24 =	sshll.u32 s14, $0x6;
	s5 =	smul.u32 $0x140000, s2;
	_ =	strace $0x80000047  }
0xb: {  	[dreg:$0xa] =	wrdreg s9;
	s20 =	smul.u32 $0x2800, s2;
	s10 =	sshll.u32 s2, $0x4  }
0xc: {  	[dreg:$0xb] =	wrdreg s11;
	s21 =	ssub.s32 $0x2, s2;
	s2 =	smul.u32 $0x27100, s2  }
0xd: {  	s10 =	sor.u32 s14, s10;
	s12 =	sshrl.u32 s21, $0x1;
	s23 =	sshrl.u32 s13, $0x2  }
0xe: {  	s13 =	sor.u32 $0x1C15, s24;
	s5 =	sadd.s32 s8, s5;
	s9 =	sadd.s32 s19, s20  }
0xf: {  	s10 =	smul.u32 $0x2710, s10;
	s11 =	sadd.s32 s23, s4;
	[dreg:$0xe] =	wrdreg s13  }
0x10: {  	s8 =	sadd.s32 s19, s17;
	s20 =	smul.u32 $0x2710, s14;
	[dreg:$0xd] =	wrdreg s11  }
0x11: {  	s14 =	simm.s32 $0xE;
	[dreg:$0xf] =	wrdreg s8;
	s16 =	sadd.s32 $0x190, s10  }
0x12: {  	s5 =	sshrl.u32 s5, $0x3;
	s18 =	sadd.s32 $0x1E0, s10;
	[dreg:$0x6] =	wrdreg s16  }
0x13: {  	s22 =	sshrl.u32 s10, $0x3;
	s19 =	sadd.s32 $0x230, s10;
	[dreg:$0x7] =	wrdreg s18  }
0x14: {  	s15 =	sadd.s32 s7, s22;
	[dreg:$0x8] =	wrdreg s19;
	s22 =	sadd.s32 $0x280, s10  }
0x15: {  	s9 =	sshrl.u32 s9, $0x3;
	s5 =	sadd.s32 s5, s0;
	[dreg:$0x9] =	wrdreg s22  }
0x16: {  	s0 =	sadd.s32 s9, s0;
	s5 =	sadd.s32 $0x18C00, s5;
	[dreg:$0xc] =	wrdreg s15  }
0x17: {  	s8 =	simm.s32 $0x0;
	s0 =	sadd.s32 $0x18200, s0;
	[dreg:$0x18] =	wrdreg s5  }
0x18: {  	s9 =	ssub.s32 s21, s12;
	s25 =	sadd.s32 $0xA, s15;
	[dreg:$0x19] =	wrdreg s0  }
0x19: {  	s2 =	sadd.s32 s20, s2;
	s26 =	sadd.s32 $0x9C40, s15;
	[dreg:$0x10] =	wrdreg s25  }
0x1a: {  	s20 =	simm.s32 $0x300;
	s1 =	sadd.s32 $0x9C4A, s15;
	[dreg:$0x11] =	wrdreg s26  }
0x1b: {  	s2 =	sadd.s32 $0x4E340, s2;
	s11 =	sadd.s32 $0x9C54, s15;
	[dreg:$0x12] =	wrdreg s1  }
0x1c: {  	s18 =	simm.s32 $0x200;
	s12 =	sadd.s32 $0x14, s15;
	[dreg:$0x13] =	wrdreg s11  }
0x1d: {  	s19 =	simm.s32 $0x280;
	s21 =	sadd.s32 $0x1E, s15;
	[dreg:$0x14] =	wrdreg s12  }
0x1e: {  	s10 =	simm.s32 $0x2C00;
	s23 =	sadd.s32 $0x28, s15;
	[dreg:$0x15] =	wrdreg s21  }
0x1f: {  	s16 =	simm.s32 $0x12;
	s24 =	sadd.s32 $0x9C5E, s15;
	[dreg:$0x16] =	wrdreg s23  }
0x20: {  	s5 =	simm.s32 $0x15;
	s15 =	simm.s32 $0x400;
	[dreg:$0x17] =	wrdreg s24  }
0x21: {  	s25 =	smax.u32 s9, $0x1;
	s26 =	sshrl.u32 s2, $0x3;
	s11 =	simm.s32 $0x1E400  }
0x22: {  	s23 =	simm.s32 $0x180;
	s24 =	simm.s32 $0x6;
	s12 =	simm.s32 $0x5400  }
0x23: {  	s9 =	simm.s32 $0x7C00;
	s21 =	simm.s32 $0x4;
	s1 =	simm.s32 $0xF  }
0x24: {  	[dreg:$0x1a] =	wrdreg s25;
	s0 =	sadd.s32 s26, s7;
	s25 =	simm.s32 $0x7  }
0x25: {  	s26 =	simm.s32 $0x1;
	[dreg:$0x1b] =	wrdreg s0;
	s0 =	simm.s32 $0x100  }
.LBB2_1:
0x26: {  	[dreg:$0x1c] =	wrdreg s8  }
0x27: {  	s2 =	rddreg [dreg:$0xc]  }
0x28: {  	s22 =	rddreg [dreg:$0xd]  }
0x29: {  	[tilespmem:s6], [sflag:$0x5] =	stream.linear.gather [hbm4b:s2+s6], $0x50, $0x38;
	[tilespmem:$0x1E700] =	vst v63  }
0x2a: {  	s2 =	sshrl.u32 s22, $0x3;
	s22 =	rddreg [dreg:$0x2]  }
0x2b: {  	[dreg:$0x1d] =	wrdreg s2  }
0x2c: {  	[spmem:s2], [sflag:s13] =	dma.local [hbm:s22], $0x2800  }
0x2d: {  	_ =	swait.ge [sflag:s5], $0x2800  }
0x2e: {  	s22 =	rddreg [dreg:$0xf]  }
0x2f: {  	[sflag:s5] =	ssyncset.done $0x0;
	s2 =	sshrl.u32 s22, $0x3;
	s22 =	rddreg [dreg:$0xa]  }
0x30: {  	[sflag:s5] =	ssyncadd.s32 $0xFFFFD800;
	[dreg:$0x1e] =	wrdreg s2  }
0x31: {  	[spmem:s2], [sflag:s13] =	dma.local [hbm:s22], $0x50  }
0x32: {  	_ =	swait.ge [sflag:s5], $0x50  }
0x33: {  	[sflag:s5] =	ssyncset.done $0x0  }
0x34: {  	s8 =	rddreg [dreg:$0xb];
	[sflag:s5] =	ssyncadd.s32 $0xFFFFFFB0  }
0x35: {  	[tilespmem:s11], [sflag:$0x15] =	stream.linear.gather [hbm4b:s8+s6], $0x80, $0x38;
	[tilespmem:$0x1E700] =	vst v63  }
0x36: {  	_ =	swait.ge [sflag:s5], $0x80  }
0x37: {  	[sflag:s5] =	ssyncset.done $0x0  }
0x38: {  	s8 =	simm.s32 $0x5;
	[sflag:s5] =	ssyncadd.s32 $0xFFFFFF80  }
0x39: {  	_ =	swait.ge [sflag:s8], $0x50  }
0x3a: {  	[sflag:s8] =	ssyncset.done $0x0  }
0x3b: {  	[sflag:s8] =	ssyncadd.s32 $0xFFFFFFB0  }
0x3c: {  	[tilespmem:s15], [sflag:$0x1] =	stream.indirect.gather [hbm4b:s3+s30], $0x80, s6, s30, $0xb8;
	[tilespmem:$0x1E700] =	vst v63  }
0x3d: {  	s13 =	rddreg [dreg:$0x10]  }
0x3e: {  	[tilespmem:s31], [sflag:$0x6] =	stream.linear.gather [hbm4b:s13+s6], $0x50, $0x38;
	[tilespmem:$0x1E700] =	vst v63  }
0x3f: {  	s22 =	rddreg [dreg:$0x11]  }
0x40: {  	[tilespmem:s18], [sflag:$0x9] =	stream.linear.gather [hbm4b:s22+s6], $0x50, $0x38;
	[tilespmem:$0x1E700] =	vst v63  }
0x41: {  	s5 =	rddreg [dreg:$0x12]  }
0x42: {  	[tilespmem:s19], [sflag:$0xA] =	stream.linear.gather [hbm4b:s5+s6], $0x50, $0x38;
	[tilespmem:$0x1E700] =	vst v63  }
0x43: {  	s13 =	rddreg [dreg:$0x13]  }
0x44: {  	[tilespmem:s20], [sflag:$0xB] =	stream.linear.gather [hbm4b:s13+s6], $0x50, $0x38;
	[tilespmem:$0x1E700] =	vst v63  }
0x45: {  	s22 =	rddreg [dreg:$0x14]  }
0x46: {  	[tilespmem:s0], [sflag:$0x7] =	stream.linear.gather [hbm4b:s22+s6], $0x50, $0x38;
	[tilespmem:$0x1E700] =	vst v63  }
0x47: {  	s5 =	rddreg [dreg:$0x15]  }
0x48: {  	[tilespmem:s23], [sflag:$0x8] =	stream.linear.gather [hbm4b:s5+s6], $0x50, $0x38;
	[tilespmem:$0x1E700] =	vst v63  }
0x49: {  	_ =	swait.ge [sflag:s24], $0x50  }
0x4a: {  	[sflag:s24] =	ssyncset.done $0x0  }
0x4b: {  	[sflag:s24] =	ssyncadd.s32 $0xFFFFFFB0  }
0x4c: {  	[tilespmem:s10], [sflag:$0x2] =	stream.indirect.gather [hbm4b:s3+s30], $0x80, s31, s30, $0xb8;
	[tilespmem:$0x1E700] =	vst v63  }
0x4d: {  	[bflag:$0x0] =	sbarrier.arrive $0xFFFF  }
0x4e: {  	_ =	swait.ge [sflag:s25], $0x50  }
0x4f: {  	[sflag:s25] =	ssyncset.done $0x0  }
0x50: {  	[sflag:s25] =	ssyncadd.s32 $0xFFFFFFB0  }
0x51: {  	[tilespmem:s12], [sflag:$0x3] =	stream.indirect.gather [hbm4b:s3+s30], $0x80, s0, s30, $0xb8;
	[tilespmem:$0x1E700] =	vst v63  }
0x52: {  	_ =	swait.ge [sflag:s26], $0x2800  }
0x53: {  	[sflag:s26] =	ssyncset.done $0x0  }
0x54: {  	[sflag:s26] =	ssyncadd.s32 $0xFFFFD800  }
0x55: {  	_ =	swait.ge [sflag:s29], $0x50  }
0x56: {  	[sflag:s29] =	ssyncset.done $0x0  }
0x57: {  	[sflag:s29] =	ssyncadd.s32 $0xFFFFFFB0  }
0x58: {  	[spmem:s4] =	stream.indirect.scatter.add.f32 [tilespmem:s15], [sflag:$0xD], $0x80, s18, s30, $0xb8;
	[tilespmem:$0x1E700] =	vst v63  }
0x59: {  	_ = 	snop  }
0x5a: {  	[spmem:s17] =	stream.indirect.scatter.add.f32 [tilespmem:s11], [sflag:$0x11], $0x1, s18, s30, $0xb8;
	[tilespmem:$0x1E700] =	vst v63  }
0x5b: {  	s11 =	rddreg [dreg:$0x16]  }
0x5c: {  	[tilespmem:s6], [sflag:$0x5] =	stream.linear.gather [hbm4b:s11+s6], $0x50, $0x38;
	[tilespmem:$0x1E700] =	vst v63  }
0x5d: {  	s22 =	simm.s32 $0x380;
	s5 =	simm.s32 $0x8;
	s13 =	rddreg [dreg:$0x17]  }
0x5e: {  	[tilespmem:s22], [sflag:$0xC] =	stream.linear.gather [hbm4b:s13+s6], $0x50, $0x38;
	[tilespmem:$0x1E700] =	vst v63  }
0x5f: {  	_ =	swait.ge [sflag:s5], $0x50  }
0x60: {  	[sflag:s5] =	ssyncset.done $0x0  }
0x61: {  	s11 =	simm.s32 $0x2;
	[sflag:s5] =	ssyncadd.s32 $0xFFFFFFB0  }
0x62: {  	[tilespmem:s9], [sflag:$0x4] =	stream.indirect.gather [hbm4b:s3+s30], $0x80, s23, s30, $0xb8;
	[tilespmem:$0x1E700] =	vst v63  }
0x63: {  	_ =	swait.ge [sflag:s11], $0x2800  }
0x64: {  	[sflag:s11] =	ssyncset.done $0x0  }
0x65: {  	s13 =	simm.s32 $0xD;
	[sflag:s11] =	ssyncadd.s32 $0xFFFFD800  }
0x66: {  	_ =	swait.ge [sflag:s13], $0x2800  }
0x67: {  	[sflag:s13] =	ssyncset.done $0x0  }
0x68: {  	s5 =	simm.s32 $0x11;
	[sflag:s13] =	ssyncadd.s32 $0xFFFFD800  }
0x69: {  	_ =	swait.ge [sflag:s5], $0x50  }
0x6a: {  	[sflag:s5] =	ssyncset.done $0x0  }
0x6b: {  	s2 =	smin.u32 s6, $0x77;
	s11 =	simm.s32 $0xA;
	[sflag:s5] =	ssyncadd.s32 $0xFFFFFFB0  }
0x6c: {  	s2 =	smul.u32 $0x50, s2;
	_ =	swait.ge [sflag:s11], $0x50  }
0x6d: {  	[sflag:s11] =	ssyncset.done $0x0;
	s5 =	rddreg [dreg:$0x6]  }
0x6e: {  	[sflag:s11] =	ssyncadd.s32 $0xFFFFFFB0;
	s2 =	sadd.s32 s2, s5  }
0x6f: {  	[spmem:s4] =	stream.indirect.scatter.add.f32 [tilespmem:s10], [sflag:$0xE], $0x80, s19, s30, $0xb8;
	[tilespmem:$0x1E700] =	vst v63  }
0x70: {  	s13 =	simm.s32 $0x1E400;
	s2 =	sshrl.u32 s2, $0x3  }
0x71: {  	[spmem:s17] =	stream.indirect.scatter.add.f32 [tilespmem:s13], [sflag:$0x12], $0x1, s19, s30, $0xb8;
	[tilespmem:$0x1E700] =	vst v63  }
0x72: {  	s2 =	sadd.s32 s7, s2  }
0x73: {  	[tilespmem:s31], [sflag:$0x6] =	stream.linear.gather [hbm4b:s2+s6], $0x50, $0x38;
	[tilespmem:$0x1E700] =	vst v63  }
0x74: {  	s13 =	rddreg [dreg:$0x1b]  }
0x75: {  	[tilespmem:s18], [sflag:$0x9] =	stream.linear.gather [hbm4b:s13+s6], $0x50, $0x38;
	[tilespmem:$0x1E700] =	vst v63  }
0x76: {  	_ =	swait.ge [sflag:s8], $0x50  }
0x77: {  	[sflag:s8] =	ssyncset.done $0x0  }
0x78: {  	s11 =	simm.s32 $0x3;
	[sflag:s8] =	ssyncadd.s32 $0xFFFFFFB0  }
0x79: {  	[tilespmem:s15], [sflag:$0x1] =	stream.indirect.gather [hbm4b:s3+s30], $0x80, s6, s30, $0xb8;
	[tilespmem:$0x1E700] =	vst v63  }
0x7a: {  	_ =	swait.ge [sflag:s11], $0x2800  }
0x7b: {  	[sflag:s11] =	ssyncset.done $0x0  }
0x7c: {  	[sflag:s11] =	ssyncadd.s32 $0xFFFFD800  }
0x7d: {  	_ =	swait.ge [sflag:s14], $0x2800  }
0x7e: {  	[sflag:s14] =	ssyncset.done $0x0  }
0x7f: {  	[sflag:s14] =	ssyncadd.s32 $0xFFFFD800  }
0x80: {  	_ =	swait.ge [sflag:s16], $0x50  }
0x81: {  	[sflag:s16] =	ssyncset.done $0x0  }
0x82: {  	s8 =	smin.u32 s6, $0x76;
	[sflag:s16] =	ssyncadd.s32 $0xFFFFFFB0;
	s16 =	simm.s32 $0xB  }
0x83: {  	s5 =	smul.u32 $0x50, s8;
	_ =	swait.ge [sflag:s16], $0x50  }
0x84: {  	[sflag:s16] =	ssyncset.done $0x0;
	s14 =	rddreg [dreg:$0x7]  }
0x85: {  	[sflag:s16] =	ssyncadd.s32 $0xFFFFFFB0;
	s5 =	sadd.s32 s5, s14  }
0x86: {  	[spmem:s4] =	stream.indirect.scatter.add.f32 [tilespmem:s12], [sflag:$0xF], $0x80, s20, s30, $0xb8;
	[tilespmem:$0x1E700] =	vst v63  }
0x87: {  	s11 =	simm.s32 $0x1E400;
	s5 =	sshrl.u32 s5, $0x3  }
0x88: {  	[spmem:s17] =	stream.indirect.scatter.add.f32 [tilespmem:s11], [sflag:$0x13], $0x1, s20, s30, $0xb8;
	[tilespmem:$0x1E700] =	vst v63  }
0x89: {  	s5 =	sadd.s32 s7, s5  }
0x8a: {  	[tilespmem:s0], [sflag:$0x7] =	stream.linear.gather [hbm4b:s5+s6], $0x50, $0x38;
	[tilespmem:$0x1E700] =	vst v63  }
0x8b: {  	s2 =	sadd.s32 $0x9C40, s2  }
0x8c: {  	[tilespmem:s19], [sflag:$0xA] =	stream.linear.gather [hbm4b:s2+s6], $0x50, $0x38;
	[tilespmem:$0x1E700] =	vst v63  }
0x8d: {  	_ =	swait.ge [sflag:s24], $0x50  }
0x8e: {  	[sflag:s24] =	ssyncset.done $0x0  }
0x8f: {  	[sflag:s24] =	ssyncadd.s32 $0xFFFFFFB0  }
0x90: {  	[tilespmem:s10], [sflag:$0x2] =	stream.indirect.gather [hbm4b:s3+s30], $0x80, s31, s30, $0xb8;
	[tilespmem:$0x1E700] =	vst v63  }
0x91: {  	_ =	swait.ge [sflag:s21], $0x2800  }
0x92: {  	[sflag:s21] =	ssyncset.done $0x0  }
0x93: {  	[sflag:s21] =	ssyncadd.s32 $0xFFFFD800  }
0x94: {  	_ =	swait.ge [sflag:s1], $0x2800  }
0x95: {  	[sflag:s1] =	ssyncset.done $0x0  }
0x96: {  	s16 =	simm.s32 $0x13;
	[sflag:s1] =	ssyncadd.s32 $0xFFFFD800  }
0x97: {  	_ =	swait.ge [sflag:s16], $0x50  }
0x98: {  	[sflag:s16] =	ssyncset.done $0x0  }
0x99: {  	s19 =	simm.s32 $0xC;
	s21 =	smin.u32 s6, $0x75;
	[sflag:s16] =	ssyncadd.s32 $0xFFFFFFB0  }
0x9a: {  	s2 =	smul.u32 $0x50, s21;
	_ =	swait.ge [sflag:s19], $0x50  }
0x9b: {  	[sflag:s19] =	ssyncset.done $0x0;
	s24 =	rddreg [dreg:$0x8]  }
0x9c: {  	[sflag:s19] =	ssyncadd.s32 $0xFFFFFFB0;
	s2 =	sadd.s32 s2, s24  }
0x9d: {  	[spmem:s4] =	stream.indirect.scatter.add.f32 [tilespmem:s9], [sflag:$0x10], $0x80, s22, s30, $0xb8;
	[tilespmem:$0x1E700] =	vst v63  }
0x9e: {  	s2 =	sshrl.u32 s2, $0x3  }
0x9f: {  	[spmem:s17] =	stream.indirect.scatter.add.f32 [tilespmem:s11], [sflag:$0x14], $0x1, s22, s30, $0xb8;
	[tilespmem:$0x1E700] =	vst v63  }
0xa0: {  	s10 =	sadd.s32 s7, s2  }
0xa1: {  	[tilespmem:s23], [sflag:$0x8] =	stream.linear.gather [hbm4b:s10+s6], $0x50, $0x38;
	[tilespmem:$0x1E700] =	vst v63  }
0xa2: {  	s19 =	sadd.s32 $0x9C40, s5  }
0xa3: {  	[tilespmem:s20], [sflag:$0xB] =	stream.linear.gather [hbm4b:s19+s6], $0x50, $0x38;
	[tilespmem:$0x1E700] =	vst v63  }
0xa4: {  	_ =	swait.ge [sflag:s25], $0x50  }
0xa5: {  	[sflag:s25] =	ssyncset.done $0x0  }
0xa6: {  	[sflag:s25] =	ssyncadd.s32 $0xFFFFFFB0  }
0xa7: {  	[tilespmem:s12], [sflag:$0x3] =	stream.indirect.gather [hbm4b:s3+s30], $0x80, s0, s30, $0xb8;
	[tilespmem:$0x1E700] =	vst v63  }
0xa8: {  	_ =	swait.ge [sflag:s26], $0x2800  }
0xa9: {  	[sflag:s26] =	ssyncset.done $0x0  }
0xaa: {  	s21 =	simm.s32 $0x10;
	[sflag:s26] =	ssyncadd.s32 $0xFFFFD800  }
0xab: {  	_ =	swait.ge [sflag:s21], $0x2800  }
0xac: {  	[sflag:s21] =	ssyncset.done $0x0  }
0xad: {  	s22 =	simm.s32 $0x14;
	[sflag:s21] =	ssyncadd.s32 $0xFFFFD800  }
0xae: {  	s14 =	simm.s32 $0xE;
	_ =	swait.ge [sflag:s22], $0x50  }
0xaf: {  	s31 =	simm.s32 $0x9;
	s1 =	simm.s32 $0xF;
	[sflag:s22] =	ssyncset.done $0x0  }
0xb0: {  	s16 =	simm.s32 $0x12;
	s5 =	smov.u32 s13;
	[sflag:s22] =	ssyncadd.s32 $0xFFFFFFB0  }
0xb1: {  	s8 =	sadd.s32 $0x9C40, s10;
	s23 =	smin.u32 s6, $0x74;
	_ =	swait.ge [sflag:s29], $0x50  }
0xb2: {  	s2 =	smul.u32 $0x50, s23;
	s25 =	simm.s32 $0x7;
	[sflag:s29] =	ssyncset.done $0x0  }
0xb3: {  	s26 =	simm.s32 $0x1;
	s24 =	rddreg [dreg:$0x9];
	[sflag:s29] =	ssyncadd.s32 $0xFFFFFFB0  }
0xb4: {  	[spmem:s4] =	stream.indirect.scatter.add.f32 [tilespmem:s15], [sflag:$0xD], $0x80, s18, s30, $0xb8;
	[tilespmem:$0x1E700] =	vst v63  }
0xb5: {  	s21 =	simm.s32 $0x4;
	s29 =	simm.s32 $0x4;
	s2 =	sadd.s32 s2, s24  }
0xb6: {  	[spmem:s17] =	stream.indirect.scatter.add.f32 [tilespmem:s11], [sflag:$0x11], $0x1, s18, s30, $0xb8;
	[tilespmem:$0x1E700] =	vst v63  }
.LBB2_2:
0xb7: {  	s2 =	sshrl.u32 s2, $0x3  }
0xb8: {  	s13 =	sadd.s32 s7, s2  }
0xb9: {  	[tilespmem:s6], [sflag:$0x5] =	stream.linear.gather [hbm4b:s13+s6], $0x50, $0x38;
	[tilespmem:$0x1E700] =	vst v63  }
0xba: {  	s0 =	simm.s32 $0x380;
	s24 =	simm.s32 $0x8  }
0xbb: {  	[tilespmem:s0], [sflag:$0xC] =	stream.linear.gather [hbm4b:s8+s6], $0x50, $0x38;
	[tilespmem:$0x1E700] =	vst v63  }
0xbc: {  	_ =	swait.ge [sflag:s24], $0x50  }
0xbd: {  	[sflag:s24] =	ssyncset.done $0x0  }
0xbe: {  	s18 =	simm.s32 $0x7C00;
	s9 =	simm.s32 $0x2;
	[sflag:s24] =	ssyncadd.s32 $0xFFFFFFB0  }
0xbf: {  	[tilespmem:s18], [sflag:$0x4] =	stream.indirect.gather [hbm4b:s3+s30], $0x80, s28, s30, $0xb8;
	[tilespmem:$0x1E700] =	vst v63  }
0xc0: {  	_ =	swait.ge [sflag:s9], $0x2800  }
0xc1: {  	[sflag:s9] =	ssyncset.done $0x0  }
0xc2: {  	s10 =	simm.s32 $0xD;
	[sflag:s9] =	ssyncadd.s32 $0xFFFFD800  }
0xc3: {  	_ =	swait.ge [sflag:s10], $0x2800  }
0xc4: {  	[sflag:s10] =	ssyncset.done $0x0  }
0xc5: {  	s12 =	simm.s32 $0x11;
	[sflag:s10] =	ssyncadd.s32 $0xFFFFD800  }
0xc6: {  	_ =	swait.ge [sflag:s12], $0x50  }
0xc7: {  	s2 =	smov.u32 s29;
	[sflag:s12] =	ssyncset.done $0x0  }
0xc8: {  	s13 =	smin.u32 s2, $0x77;
	s9 =	simm.s32 $0xA;
	[sflag:s12] =	ssyncadd.s32 $0xFFFFFFB0  }
0xc9: {  	s8 =	smul.u32 $0x50, s13;
	_ =	swait.ge [sflag:s9], $0x50  }
0xca: {  	s23 =	simm.s32 $0x2C00;
	[sflag:s9] =	ssyncset.done $0x0;
	s19 =	rddreg [dreg:$0x6]  }
0xcb: {  	s20 =	simm.s32 $0x280;
	[sflag:s9] =	ssyncadd.s32 $0xFFFFFFB0;
	s8 =	sadd.s32 s8, s19  }
0xcc: {  	[spmem:s4] =	stream.indirect.scatter.add.f32 [tilespmem:s23], [sflag:$0xE], $0x80, s20, s30, $0xb8;
	[tilespmem:$0x1E700] =	vst v63  }
0xcd: {  	s8 =	sshrl.u32 s8, $0x3  }
0xce: {  	[spmem:s17] =	stream.indirect.scatter.add.f32 [tilespmem:s11], [sflag:$0x12], $0x1, s20, s30, $0xb8;
	[tilespmem:$0x1E700] =	vst v63  }
0xcf: {  	s12 =	simm.s32 $0x80;
	s8 =	sadd.s32 s7, s8  }
0xd0: {  	[tilespmem:s12], [sflag:$0x6] =	stream.linear.gather [hbm4b:s8+s6], $0x50, $0x38;
	[tilespmem:$0x1E700] =	vst v63  }
0xd1: {  	s5 =	sadd.s32 $0x28, s5;
	s22 =	simm.s32 $0x5;
	s19 =	simm.s32 $0x200  }
0xd2: {  	[tilespmem:s19], [sflag:$0x9] =	stream.linear.gather [hbm4b:s5+s6], $0x50, $0x38;
	[tilespmem:$0x1E700] =	vst v63  }
0xd3: {  	_ =	swait.ge [sflag:s22], $0x50  }
0xd4: {  	[sflag:s22] =	ssyncset.done $0x0  }
0xd5: {  	s24 =	simm.s32 $0x3;
	[sflag:s22] =	ssyncadd.s32 $0xFFFFFFB0  }
0xd6: {  	[tilespmem:s15], [sflag:$0x1] =	stream.indirect.gather [hbm4b:s3+s30], $0x80, s6, s30, $0xb8;
	[tilespmem:$0x1E700] =	vst v63  }
0xd7: {  	_ =	swait.ge [sflag:s24], $0x2800  }
0xd8: {  	[sflag:s24] =	ssyncset.done $0x0  }
0xd9: {  	[sflag:s24] =	ssyncadd.s32 $0xFFFFD800  }
0xda: {  	_ =	swait.ge [sflag:s14], $0x2800  }
0xdb: {  	[sflag:s14] =	ssyncset.done $0x0  }
0xdc: {  	[sflag:s14] =	ssyncadd.s32 $0xFFFFD800  }
0xdd: {  	_ =	swait.ge [sflag:s16], $0x50  }
0xde: {  	[sflag:s16] =	ssyncset.done $0x0  }
0xdf: {  	s10 =	simm.s32 $0xB;
	s15 =	smin.u32 s2, $0x76;
	[sflag:s16] =	ssyncadd.s32 $0xFFFFFFB0  }
0xe0: {  	s13 =	smul.u32 $0x50, s15;
	_ =	swait.ge [sflag:s10], $0x50  }
0xe1: {  	s24 =	simm.s32 $0x300;
	[sflag:s10] =	ssyncset.done $0x0;
	s22 =	rddreg [dreg:$0x7]  }
0xe2: {  	[sflag:s10] =	ssyncadd.s32 $0xFFFFFFB0;
	s10 =	simm.s32 $0x5400;
	s13 =	sadd.s32 s13, s22  }
0xe3: {  	[spmem:s4] =	stream.indirect.scatter.add.f32 [tilespmem:s10], [sflag:$0xF], $0x80, s24, s30, $0xb8;
	[tilespmem:$0x1E700] =	vst v63  }
0xe4: {  	s13 =	sshrl.u32 s13, $0x3  }
0xe5: {  	[spmem:s17] =	stream.indirect.scatter.add.f32 [tilespmem:s11], [sflag:$0x13], $0x1, s24, s30, $0xb8;
	[tilespmem:$0x1E700] =	vst v63  }
0xe6: {  	s13 =	sadd.s32 s7, s13;
	s11 =	simm.s32 $0x100  }
0xe7: {  	[tilespmem:s11], [sflag:$0x7] =	stream.linear.gather [hbm4b:s13+s6], $0x50, $0x38;
	[tilespmem:$0x1E700] =	vst v63  }
0xe8: {  	s8 =	sadd.s32 $0x9C40, s8  }
0xe9: {  	[tilespmem:s20], [sflag:$0xA] =	stream.linear.gather [hbm4b:s8+s6], $0x50, $0x38;
	[tilespmem:$0x1E700] =	vst v63  }
0xea: {  	s20 =	simm.s32 $0x6  }
0xeb: {  	_ =	swait.ge [sflag:s20], $0x50  }
0xec: {  	[sflag:s20] =	ssyncset.done $0x0  }
0xed: {  	[sflag:s20] =	ssyncadd.s32 $0xFFFFFFB0  }
0xee: {  	[tilespmem:s23], [sflag:$0x2] =	stream.indirect.gather [hbm4b:s3+s30], $0x80, s12, s30, $0xb8;
	[tilespmem:$0x1E700] =	vst v63  }
0xef: {  	_ =	swait.ge [sflag:s21], $0x2800  }
0xf0: {  	[sflag:s21] =	ssyncset.done $0x0  }
0xf1: {  	[sflag:s21] =	ssyncadd.s32 $0xFFFFD800  }
0xf2: {  	_ =	swait.ge [sflag:s1], $0x2800  }
0xf3: {  	[sflag:s1] =	ssyncset.done $0x0  }
0xf4: {  	s9 =	simm.s32 $0x13;
	[sflag:s1] =	ssyncadd.s32 $0xFFFFD800  }
0xf5: {  	_ =	swait.ge [sflag:s9], $0x50  }
0xf6: {  	[sflag:s9] =	ssyncset.done $0x0  }
0xf7: {  	s15 =	simm.s32 $0xC;
	s12 =	smin.u32 s2, $0x75;
	[sflag:s9] =	ssyncadd.s32 $0xFFFFFFB0  }
0xf8: {  	s8 =	smul.u32 $0x50, s12;
	_ =	swait.ge [sflag:s15], $0x50  }
0xf9: {  	[sflag:s15] =	ssyncset.done $0x0;
	s20 =	rddreg [dreg:$0x8]  }
0xfa: {  	[sflag:s15] =	ssyncadd.s32 $0xFFFFFFB0;
	s8 =	sadd.s32 s8, s20  }
0xfb: {  	[spmem:s4] =	stream.indirect.scatter.add.f32 [tilespmem:s18], [sflag:$0x10], $0x80, s0, s30, $0xb8;
	[tilespmem:$0x1E700] =	vst v63  }
0xfc: {  	s22 =	simm.s32 $0x1E400;
	s8 =	sshrl.u32 s8, $0x3  }
0xfd: {  	[spmem:s17] =	stream.indirect.scatter.add.f32 [tilespmem:s22], [sflag:$0x14], $0x1, s0, s30, $0xb8;
	[tilespmem:$0x1E700] =	vst v63  }
0xfe: {  	s8 =	sadd.s32 s7, s8  }
0xff: {  	[tilespmem:s28], [sflag:$0x8] =	stream.linear.gather [hbm4b:s8+s6], $0x50, $0x38;
	[tilespmem:$0x1E700] =	vst v63  }
0x100: {  	s13 =	sadd.s32 $0x9C40, s13  }
0x101: {  	[tilespmem:s24], [sflag:$0xB] =	stream.linear.gather [hbm4b:s13+s6], $0x50, $0x38;
	[tilespmem:$0x1E700] =	vst v63  }
0x102: {  	_ =	swait.ge [sflag:s25], $0x50  }
0x103: {  	[sflag:s25] =	ssyncset.done $0x0  }
0x104: {  	[sflag:s25] =	ssyncadd.s32 $0xFFFFFFB0  }
0x105: {  	[tilespmem:s10], [sflag:$0x3] =	stream.indirect.gather [hbm4b:s3+s30], $0x80, s11, s30, $0xb8;
	[tilespmem:$0x1E700] =	vst v63  }
0x106: {  	_ =	swait.ge [sflag:s26], $0x2800  }
0x107: {  	[sflag:s26] =	ssyncset.done $0x0  }
0x108: {  	s22 =	simm.s32 $0x10;
	[sflag:s26] =	ssyncadd.s32 $0xFFFFD800  }
0x109: {  	_ =	swait.ge [sflag:s22], $0x2800  }
0x10a: {  	[sflag:s22] =	ssyncset.done $0x0  }
0x10b: {  	s23 =	simm.s32 $0x14;
	[sflag:s22] =	ssyncadd.s32 $0xFFFFD800  }
0x10c: {  	_ =	swait.ge [sflag:s23], $0x50  }
0x10d: {  	[sflag:s23] =	ssyncset.done $0x0  }
0x10e: {  	p0 =	sne.s32 s29, $0x78;
	s2 =	smin.u32 s2, $0x74;
	[sflag:s23] =	ssyncadd.s32 $0xFFFFFFB0  }
0x10f: {  	s29 =	sadd.s32 $0x4, s29;
	s2 =	smul.u32 $0x50, s2;
	_ =	swait.ge [sflag:s31], $0x50  }
.Ltmp0:
0x110: {  	s9 =	simm.s32 $0x380;
	[sflag:s31] =	ssyncset.done $0x0;
	(pc) =	sbr.rel @p0 .LBB2_2-.Ltmp0, $4  }
0x111: {  	s15 =	simm.s32 $0x400;
	s24 =	rddreg [dreg:$0x9];
	[sflag:s31] =	ssyncadd.s32 $0xFFFFFFB0  }
0x112: {  	[spmem:s4] =	stream.indirect.scatter.add.f32 [tilespmem:s15], [sflag:$0xD], $0x80, s19, s30, $0xb8;
	[tilespmem:$0x1E700] =	vst v63  }
0x113: {  	s8 =	sadd.s32 $0x9C40, s8;
	s11 =	simm.s32 $0x1E400;
	s2 =	sadd.s32 s2, s24  }
0x114: {  	[spmem:s17] =	stream.indirect.scatter.add.f32 [tilespmem:s11], [sflag:$0x11], $0x1, s19, s30, $0xb8;
	[tilespmem:$0x1E700] =	vst v63  }
0x115: {  	s2 =	sshrl.u32 s2, $0x3  }
0x116: {  	s2 =	sadd.s32 s7, s2  }
0x117: {  	[tilespmem:s6], [sflag:$0x5] =	stream.linear.gather [hbm4b:s2+s6], $0x50, $0x38;
	[tilespmem:$0x1E700] =	vst v63  }
0x118: {  	s0 =	simm.s32 $0xD  }
0x119: {  	[tilespmem:s9], [sflag:$0xC] =	stream.linear.gather [hbm4b:s8+s6], $0x50, $0x38;
	[tilespmem:$0x1E700] =	vst v63  }
0x11a: {  	_ =	swait.ge [sflag:s0], $0x2800  }
0x11b: {  	[sflag:s0] =	ssyncset.done $0x0  }
0x11c: {  	s10 =	simm.s32 $0x11;
	[sflag:s0] =	ssyncadd.s32 $0xFFFFD800  }
0x11d: {  	_ =	swait.ge [sflag:s10], $0x50  }
0x11e: {  	[sflag:s10] =	ssyncset.done $0x0  }
0x11f: {  	s12 =	simm.s32 $0x2;
	[sflag:s10] =	ssyncadd.s32 $0xFFFFFFB0  }
0x120: {  	_ =	swait.ge [sflag:s12], $0x2800  }
0x121: {  	[sflag:s12] =	ssyncset.done $0x0  }
0x122: {  	s13 =	simm.s32 $0x3;
	[sflag:s12] =	ssyncadd.s32 $0xFFFFD800  }
0x123: {  	_ =	swait.ge [sflag:s13], $0x2800  }
0x124: {  	[sflag:s13] =	ssyncset.done $0x0  }
0x125: {  	s14 =	simm.s32 $0x8;
	[sflag:s13] =	ssyncadd.s32 $0xFFFFD800  }
0x126: {  	_ =	swait.ge [sflag:s14], $0x50  }
0x127: {  	[sflag:s14] =	ssyncset.done $0x0  }
0x128: {  	s16 =	simm.s32 $0x5;
	[sflag:s14] =	ssyncadd.s32 $0xFFFFFFB0  }
0x129: {  	_ =	swait.ge [sflag:s16], $0x50  }
0x12a: {  	[sflag:s16] =	ssyncset.done $0x0  }
0x12b: {  	s18 =	simm.s32 $0xA;
	[sflag:s16] =	ssyncadd.s32 $0xFFFFFFB0  }
0x12c: {  	_ =	swait.ge [sflag:s18], $0x50  }
0x12d: {  	[sflag:s18] =	ssyncset.done $0x0  }
0x12e: {  	s19 =	simm.s32 $0xB;
	[sflag:s18] =	ssyncadd.s32 $0xFFFFFFB0  }
0x12f: {  	_ =	swait.ge [sflag:s19], $0x50  }
0x130: {  	[sflag:s19] =	ssyncset.done $0x0  }
0x131: {  	s20 =	simm.s32 $0xC;
	[sflag:s19] =	ssyncadd.s32 $0xFFFFFFB0  }
0x132: {  	_ =	swait.ge [sflag:s20], $0x50  }
0x133: {  	[sflag:s20] =	ssyncset.done $0x0  }
0x134: {  	[sflag:s20] =	ssyncadd.s32 $0xFFFFFFB0  }
0x135: {  	[bflag:$0x0] =	sbarrier.arrive $0xFFFF  }
0x136: {  	s13 =	rddreg [dreg:$0xe]  }
0x137: {  	s21 =	rddreg [dreg:$0x18]  }
0x138: {  	s5 =	simm.s32 $0x15;
	s22 =	rddreg [dreg:$0x1d]  }
0x139: {  	[hbm:s21], [sflag:s13] =	dma.local [spmem:s22], $0x2800  }
0x13a: {  	_ =	swait.ge [sflag:s5], $0x2800  }
0x13b: {  	[sflag:s5] =	ssyncset.done $0x0;
	s23 =	rddreg [dreg:$0x19]  }
0x13c: {  	s24 =	rddreg [dreg:$0x1e];
	[sflag:s5] =	ssyncadd.s32 $0xFFFFD800  }
0x13d: {  	[hbm:s23], [sflag:s13] =	dma.local [spmem:s24], $0x50  }
0x13e: {  	_ =	swait.ge [sflag:s5], $0x50  }
0x13f: {  	s31 =	simm.s32 $0x80;
	s29 =	simm.s32 $0x9;
	s25 =	rddreg [dreg:$0x1c]  }
0x140: {  	s1 =	simm.s32 $0xF;
	s26 =	rddreg [dreg:$0x1a];
	s8 =	sadd.s32 $0x1, s25  }
0x141: {  	s9 =	simm.s32 $0x7C00;
	s0 =	simm.s32 $0x100;
	p0 =	sne.s32 s8, s26  }
.Ltmp1:
0x142: {  	s10 =	simm.s32 $0x2C00;
	s12 =	simm.s32 $0x5400;
	(pc) =	sbr.rel @p0 .LBB2_1-.Ltmp1, $4  }
0x143: {  	s14 =	simm.s32 $0xE;
	s16 =	simm.s32 $0x12;
	s18 =	simm.s32 $0x200  }
0x144: {  	s19 =	simm.s32 $0x280;
	s20 =	simm.s32 $0x300;
	s21 =	simm.s32 $0x4  }
0x145: {  	s23 =	simm.s32 $0x180;
	s24 =	simm.s32 $0x6;
	[sflag:s5] =	ssyncset.done $0x0  }
0x146: {  	[sflag:s5] =	ssyncadd.s32 $0xFFFFFFB0;
	s25 =	simm.s32 $0x7;
	s26 =	simm.s32 $0x1  }
0x147: {  	_ =	sfence.sel $0x180000  }
0x148: {  	[bflag:$0x0] =	sbarrier.arrive $0xFFFF  }
0x149: {  	_ =	strace $0x90000047  }
0x14a: {  	s0 =	stileid.u32;
	[bflag:$0x2] =	sbarrier.arrive $0xFFFF  }
0x14b: {  	p0 =	sne.s32 s0, $0x0;
	s0 =	rddreg [dreg:$0x5]  }
0x14c: {  	s0 =	sadd.s32 @!p0 $0x100000, s0  }
0x14d: {  	[sflag:s0] =	ssyncadd.tile.s32 @!p0 $0x1;
	_ =	shalt  }
.Lfunc_end2:
_tile_overlayer_lowered:
.L_overlay_start_2:
0x14e: {  	(tag) =	ssettag $0x2  }
0x14f: {  	s0 =	rddreg [dreg:$0x0];
	s2 =	stileid.u32  }
0x150: {  	s1 =	rddreg [dreg:$0x1];
	p0 =	sne.s32 s2, $0x0  }
0x151: {  	s3 =	rddreg [dreg:$0x2];
	[bflag:$0x3] =	sbarrier.arrive $0xFFFF;
	s2 =	simm.s32 @!p0 $0x1C15  }
0x152: {  	[timem:s3], [sflag:s2] =	dma.local @!p0 [hbm:s0], s1  }
0x153: {  	s0 =	simm.s32 @!p0 $0x15  }
0x154: {  	_ =	swait.ge @!p0 [sflag:s0], s1  }
0x155: {  	s1 =	ssub.s32 @!p0 $0x0, s1;
	[sflag:s0] =	ssyncset.done @!p0 $0x0  }
0x156: {  	[sflag:s0] =	ssyncadd.s32 @!p0 s1  }
0x157: {  	[bflag:$0x3] =	sbarrier.arrive $0xFFFF  }
0x158: {  	_ =	shalt  }

</sc_bundles>
